<compile_context>
chip_gen: v7x
topology: tpu7x:2x2x1
jax: 0.10.2.dev20260603
libtpu: 0.0.44.dev20260713+nightly
codegen_flags: <defaults>
</compile_context>

<pallas_src>
import functools

import jax
import jax.numpy as jnp
from jax import lax
from jax.experimental import pallas as pl
from jax.experimental.pallas import tpu as pltpu
from jax.experimental.pallas import tpu_sc as plsc

NC = 2
NS = 16
L = 16
NW = NC * NS

TOTAL = 16 * 3 * 512 * 512
COLS = 512
ROWS = TOTAL // COLS
ROWS_PER_W = ROWS // NW
CHUNK_ROWS = 96
NCHUNK = ROWS_PER_W // CHUNK_ROWS
NBUF = 2
VPR = COLS // L
UV = 8
NACC = 8


def _sc_loss_kernel(x_hbm, table_hbm, out_hbm, table_v, buf0, buf1,
                    acc_v, sem0, sem1):
    c = lax.axis_index("c")
    s = lax.axis_index("s")
    wid = s * NC + c
    row_base = wid * ROWS_PER_W

    pltpu.sync_copy(table_hbm, table_v)

    bufs = (buf0, buf1)
    sems = (sem0, sem1)

    def start(ci):
        return pltpu.async_copy(
            x_hbm.at[pl.ds(row_base + ci * CHUNK_ROWS, CHUNK_ROWS), :],
            bufs[ci % NBUF], sems[ci % NBUF])

    handles = [start(ci) for ci in range(NBUF)]

    accs = tuple(jnp.zeros((L,), jnp.float32) for _ in range(NACC))
    for ci in range(NCHUNK):
        handles[ci % NBUF].wait()
        buf = bufs[ci % NBUF]

        def body(i, a):
            a = list(a)
            gpr = VPR // UV
            r = i >> (gpr.bit_length() - 1)
            cb = (i & (gpr - 1)) * (UV * L)
            for u in range(UV):
                x = buf[r, pl.ds(cb + u * L, L)]
                idx = (x * 255.0).astype(jnp.int32)
                tv = plsc.load_gather(table_v, [idx])
                d = x - tv
                a[u % NACC] = a[u % NACC] + (d * d + x)
            return tuple(a)

        n_iter = CHUNK_ROWS * (VPR // UV)
        accs = plsc.parallel_loop(0, n_iter, 1, unroll=2, carry=accs)(body)
        if ci + NBUF < NCHUNK:
            handles[ci % NBUF] = start(ci + NBUF)

    acc = accs[0]
    for u in range(1, NACC):
        acc = acc + accs[u]
    acc_v[...] = acc
    pltpu.sync_copy(acc_v, out_hbm.at[pl.ds(wid * L, L)])


@functools.partial(jax.jit, static_argnames=())
def kernel(image_batch, depth, table):
    del depth
    x2d = image_batch.reshape(ROWS, COLS)
    mesh = plsc.VectorSubcoreMesh(core_axis_name="c", subcore_axis_name="s")
    call = pl.kernel(
        _sc_loss_kernel,
        mesh=mesh,
        compiler_params=pltpu.CompilerParams(
            needs_layout_passes=False, use_tc_tiling_on_sc=True,
            disable_bounds_checks=True, skip_device_barrier=True),
        out_type=jax.ShapeDtypeStruct((NW * L,), jnp.float32),
        scratch_types=[
            pltpu.VMEM((256,), jnp.float32),
            pltpu.VMEM((CHUNK_ROWS, COLS), jnp.float32),
            pltpu.VMEM((CHUNK_ROWS, COLS), jnp.float32),
            pltpu.VMEM((L,), jnp.float32),
            pltpu.SemaphoreType.DMA,
            pltpu.SemaphoreType.DMA,
        ],
    )
    partials = call(x2d, table)
    return jnp.sum(partials) / TOTAL

# --- scband reference (transcript-rebuilt; emitter-appended) ---
"""Pipeline reference for scband-backscatter-loss-13365938225331 (READ-ONLY COPY).

The authoritative reference and input builder live on the scoring server;
editing this copy changes nothing except your own understanding.
"""

import jax, jax.numpy as jnp
import numpy as np


def smooth_l1(pred, target, beta=0.2):
    diff = jnp.abs(pred - target)
    return jnp.mean(jnp.where(diff < beta, 0.5 * diff * diff / beta, diff - 0.5 * beta))


def setup_inputs(seed: int = 0) -> dict:
    key = jax.random.key(seed)
    k1, k2, k3 = jax.random.split(key, 3)
    image_batch = jax.random.uniform(k1, (16, 3, 512, 512), dtype=jnp.float32)
    depth = jax.random.uniform(k2, (16, 3, 512, 512), dtype=jnp.float32)
    table = jax.random.uniform(k3, (256,), dtype=jnp.float32)
    return {"image_batch": image_batch, "depth": depth, "table": table}


def reference(image_batch, depth, table):
    cost_ratio = 1000.0
    # 'direct' in the original source is a free variable; interpreted as image_batch
    direct = image_batch
    n = table.shape[0]
    indices = jnp.clip((direct * (n - 1)).astype(jnp.int32), 0, n - 1)
    table_values = jnp.take(table, indices, axis=0)
    lookup_loss = jnp.mean((direct - table_values) ** 2)
    pos = jnp.mean(jnp.abs(jax.nn.relu(direct) - jnp.zeros_like(direct)))
    neg = smooth_l1(jax.nn.relu(-direct), jnp.zeros_like(direct), beta=0.2)
    return cost_ratio * neg + pos + lookup_loss

if __name__ == "__main__":
    import jax
    _d = setup_inputs()
    print(jax.jit(kernel)(*tuple(_d.values())))

</pallas_src>

<mosaic_0001>
#map = affine_map<(d0, d1) -> (0, 0)>
#map1 = affine_map<(d0, d1) -> (0)>
module attributes {stable_mosaic.version = 14 : i64} {
  func.func @_sc_loss_kernel(%arg0: i32, %arg1: i32, %arg2: memref<24576x512xf32, #tpu.memory_space<hbm>>, %arg3: memref<256xf32, #tpu.memory_space<hbm>>, %arg4: memref<512xf32, #tpu.memory_space<hbm>>, %arg5: memref<256xf32, #tpu.memory_space<vmem>>, %arg6: memref<96x512xf32, #tpu.memory_space<vmem>>, %arg7: memref<96x512xf32, #tpu.memory_space<vmem>>, %arg8: memref<16xf32, #tpu.memory_space<vmem>>, %arg9: memref<!tpu.dma_semaphore, #tpu.memory_space<semaphore_mem>>, %arg10: memref<!tpu.dma_semaphore, #tpu.memory_space<semaphore_mem>>) attributes {dimension_semantics = [#tpu.dimension_semantics<core_parallel>, #tpu.dimension_semantics<subcore_parallel>], iteration_bounds = array<i64: 2, 16>, scalar_prefetch = 0 : i64, scratch_operands = 6 : i64, tpu.core_type = #tpu.core_type<sc_vector_subcore>, window_params = [{transform_indices = #map}, {transform_indices = #map1}, {transform_indices = #map1}]} {
    %mul3A = arith.constant 2 : i32
    %mul3A_0 = arith.muli %arg1, %mul3A : i32
    %add3A = arith.addi %mul3A_0, %arg0 : i32
    %mul3A_1 = arith.constant 768 : i32
    %mul3A_2 = arith.muli %add3A, %mul3A_1 : i32
    "tpu.region"() ({
      %run_scoped3A = tpu.sem_alloc : memref<!tpu.dma_semaphore, #tpu.memory_space<semaphore_mem>>
      tpu.enqueue_dma source(%arg3 : memref<256xf32, #tpu.memory_space<hbm>>) target(%arg5 : memref<256xf32, #tpu.memory_space<vmem>>) target_semaphore(%run_scoped3A : memref<!tpu.dma_semaphore, #tpu.memory_space<semaphore_mem>>)
      tpu.wait_dma2 semaphore(%run_scoped3A : memref<!tpu.dma_semaphore, #tpu.memory_space<semaphore_mem>>) src(%arg3 : memref<256xf32, #tpu.memory_space<hbm>>) dst(%arg5 : memref<256xf32, #tpu.memory_space<vmem>>)
      tpu.yield
    }) : () -> ()
    %add3A_3 = arith.constant 0 : i32
    %add3A_4 = arith.addi %mul3A_2, %add3A_3 : i32
    %dma_start3A = arith.constant 0 : i32
    %dma_start3A_5 = tpu.memref_slice %arg2[%add3A_4, %dma_start3A] : memref<24576x512xf32, #tpu.memory_space<hbm>> -> memref<96x512xf32, #tpu.memory_space<hbm>>
    %dma_start3A_6 = arith.constant 0 : i32
    %dma_start3A_7 = tpu.memref_slice %arg2[%add3A_4, %dma_start3A_6] : memref<24576x512xf32, #tpu.memory_space<hbm>> -> memref<96x512xf32, #tpu.memory_space<hbm>>
    tpu.enqueue_dma source(%dma_start3A_7 : memref<96x512xf32, #tpu.memory_space<hbm>>) target(%arg6 : memref<96x512xf32, #tpu.memory_space<vmem>>) target_semaphore(%arg9 : memref<!tpu.dma_semaphore, #tpu.memory_space<semaphore_mem>>)
    %add3A_8 = arith.constant 96 : i32
    %add3A_9 = arith.addi %mul3A_2, %add3A_8 : i32
    %dma_start3A_10 = arith.constant 0 : i32
    %dma_start3A_11 = tpu.memref_slice %arg2[%add3A_9, %dma_start3A_10] : memref<24576x512xf32, #tpu.memory_space<hbm>> -> memref<96x512xf32, #tpu.memory_space<hbm>>
    %dma_start3A_12 = arith.constant 0 : i32
    %dma_start3A_13 = tpu.memref_slice %arg2[%add3A_9, %dma_start3A_12] : memref<24576x512xf32, #tpu.memory_space<hbm>> -> memref<96x512xf32, #tpu.memory_space<hbm>>
    tpu.enqueue_dma source(%dma_start3A_13 : memref<96x512xf32, #tpu.memory_space<hbm>>) target(%arg7 : memref<96x512xf32, #tpu.memory_space<vmem>>) target_semaphore(%arg10 : memref<!tpu.dma_semaphore, #tpu.memory_space<semaphore_mem>>)
    %broadcast_in_dim3A = arith.constant 0.000000e+00 : f32
    %broadcast_in_dim3A_14 = vector.broadcast %broadcast_in_dim3A : f32 to vector<16xf32>
    %broadcast_in_dim3A_15 = arith.constant 0.000000e+00 : f32
    %broadcast_in_dim3A_16 = vector.broadcast %broadcast_in_dim3A_15 : f32 to vector<16xf32>
    %broadcast_in_dim3A_17 = arith.constant 0.000000e+00 : f32
    %broadcast_in_dim3A_18 = vector.broadcast %broadcast_in_dim3A_17 : f32 to vector<16xf32>
    %broadcast_in_dim3A_19 = arith.constant 0.000000e+00 : f32
    %broadcast_in_dim3A_20 = vector.broadcast %broadcast_in_dim3A_19 : f32 to vector<16xf32>
    %broadcast_in_dim3A_21 = arith.constant 0.000000e+00 : f32
    %broadcast_in_dim3A_22 = vector.broadcast %broadcast_in_dim3A_21 : f32 to vector<16xf32>
    %broadcast_in_dim3A_23 = arith.constant 0.000000e+00 : f32
    %broadcast_in_dim3A_24 = vector.broadcast %broadcast_in_dim3A_23 : f32 to vector<16xf32>
    %broadcast_in_dim3A_25 = arith.constant 0.000000e+00 : f32
    %broadcast_in_dim3A_26 = vector.broadcast %broadcast_in_dim3A_25 : f32 to vector<16xf32>
    %broadcast_in_dim3A_27 = arith.constant 0.000000e+00 : f32
    %broadcast_in_dim3A_28 = vector.broadcast %broadcast_in_dim3A_27 : f32 to vector<16xf32>
    %dma_wait3A = arith.constant 0 : i32
    %dma_wait3A_29 = tpu.memref_slice %arg2[%add3A_4, %dma_wait3A] : memref<24576x512xf32, #tpu.memory_space<hbm>> -> memref<96x512xf32, #tpu.memory_space<hbm>>
    %dma_wait3A_30 = arith.constant 0 : i32
    %dma_wait3A_31 = tpu.memref_slice %arg2[%add3A_4, %dma_wait3A_30] : memref<24576x512xf32, #tpu.memory_space<hbm>> -> memref<96x512xf32, #tpu.memory_space<hbm>>
    tpu.wait_dma2 semaphore(%arg9 : memref<!tpu.dma_semaphore, #tpu.memory_space<semaphore_mem>>) src(%dma_wait3A_31 : memref<96x512xf32, #tpu.memory_space<hbm>>) dst(%arg6 : memref<96x512xf32, #tpu.memory_space<vmem>>)
    %parallel_loop3A = arith.constant 0 : i32
    %parallel_loop3A_32 = arith.constant 384 : i32
    %parallel_loop3A_33 = arith.constant 1 : i32
    %parallel_loop3A_34:8 = scf.for %parallel_loop3A_137 = %parallel_loop3A to %parallel_loop3A_32 step %parallel_loop3A_33 iter_args(%parallel_loop3A_138 = %broadcast_in_dim3A_14, %parallel_loop3A_139 = %broadcast_in_dim3A_16, %parallel_loop3A_140 = %broadcast_in_dim3A_18, %parallel_loop3A_141 = %broadcast_in_dim3A_20, %parallel_loop3A_142 = %broadcast_in_dim3A_22, %parallel_loop3A_143 = %broadcast_in_dim3A_24, %parallel_loop3A_144 = %broadcast_in_dim3A_26, %parallel_loop3A_145 = %broadcast_in_dim3A_28) -> (vector<16xf32>, vector<16xf32>, vector<16xf32>, vector<16xf32>, vector<16xf32>, vector<16xf32>, vector<16xf32>, vector<16xf32>)  : i32 {
      %parallel_loop3A_146 = arith.constant 2 : i32
      %parallel_loop3A_147 = arith.shrsi %parallel_loop3A_137, %parallel_loop3A_146 : i32
      %parallel_loop3A_148 = arith.constant 3 : i32
      %parallel_loop3A_149 = arith.andi %parallel_loop3A_137, %parallel_loop3A_148 : i32
      %parallel_loop3A_150 = arith.constant 128 : i32
      %parallel_loop3A_151 = arith.muli %parallel_loop3A_149, %parallel_loop3A_150 : i32
      %parallel_loop3A_152 = arith.constant 0 : i32
      %parallel_loop3A_153 = arith.addi %parallel_loop3A_151, %parallel_loop3A_152 : i32
      %parallel_loop3A_154 = arith.index_cast %parallel_loop3A_147 : i32 to index
      %parallel_loop3A_155 = arith.index_cast %parallel_loop3A_153 : i32 to index
      %parallel_loop3A_156 = tpu.vector_load %arg6[%parallel_loop3A_154, %parallel_loop3A_155] {strides = array<i32>} : memref<96x512xf32, #tpu.memory_space<vmem>>, vector<16xf32>,
      %parallel_loop3A_157 = arith.constant 2.550000e+02 : f32
      %parallel_loop3A_158 = vector.broadcast %parallel_loop3A_157 : f32 to vector<16xf32>
      %parallel_loop3A_159 = arith.mulf %parallel_loop3A_156, %parallel_loop3A_158 : vector<16xf32>
      %parallel_loop3A_160 = arith.fptosi %parallel_loop3A_159 : vector<16xf32> to vector<16xi32>
      %parallel_loop3A_161 = tpu.vector_load_idx %arg5[%parallel_loop3A_160] : memref<256xf32, #tpu.memory_space<vmem>>[vector<16xi32>], vector<16xf32>,
      %parallel_loop3A_162 = arith.subf %parallel_loop3A_156, %parallel_loop3A_161 : vector<16xf32>
      %parallel_loop3A_163 = arith.mulf %parallel_loop3A_162, %parallel_loop3A_162 : vector<16xf32>
      %parallel_loop3A_164 = arith.addf %parallel_loop3A_163, %parallel_loop3A_156 : vector<16xf32>
      %parallel_loop3A_165 = arith.addf %parallel_loop3A_138, %parallel_loop3A_164 : vector<16xf32>
      %parallel_loop3A_166 = arith.constant 16 : i32
      %parallel_loop3A_167 = arith.addi %parallel_loop3A_151, %parallel_loop3A_166 : i32
      %parallel_loop3A_168 = arith.index_cast %parallel_loop3A_147 : i32 to index
      %parallel_loop3A_169 = arith.index_cast %parallel_loop3A_167 : i32 to index
      %parallel_loop3A_170 = tpu.vector_load %arg6[%parallel_loop3A_168, %parallel_loop3A_169] {strides = array<i32>} : memref<96x512xf32, #tpu.memory_space<vmem>>, vector<16xf32>,
      %parallel_loop3A_171 = arith.constant 2.550000e+02 : f32
      %parallel_loop3A_172 = vector.broadcast %parallel_loop3A_171 : f32 to vector<16xf32>
      %parallel_loop3A_173 = arith.mulf %parallel_loop3A_170, %parallel_loop3A_172 : vector<16xf32>
      %parallel_loop3A_174 = arith.fptosi %parallel_loop3A_173 : vector<16xf32> to vector<16xi32>
      %parallel_loop3A_175 = tpu.vector_load_idx %arg5[%parallel_loop3A_174] : memref<256xf32, #tpu.memory_space<vmem>>[vector<16xi32>], vector<16xf32>,
      %parallel_loop3A_176 = arith.subf %parallel_loop3A_170, %parallel_loop3A_175 : vector<16xf32>
      %parallel_loop3A_177 = arith.mulf %parallel_loop3A_176, %parallel_loop3A_176 : vector<16xf32>
      %parallel_loop3A_178 = arith.addf %parallel_loop3A_177, %parallel_loop3A_170 : vector<16xf32>
      %parallel_loop3A_179 = arith.addf %parallel_loop3A_139, %parallel_loop3A_178 : vector<16xf32>
      %parallel_loop3A_180 = arith.constant 32 : i32
      %parallel_loop3A_181 = arith.addi %parallel_loop3A_151, %parallel_loop3A_180 : i32
      %parallel_loop3A_182 = arith.index_cast %parallel_loop3A_147 : i32 to index
      %parallel_loop3A_183 = arith.index_cast %parallel_loop3A_181 : i32 to index
      %parallel_loop3A_184 = tpu.vector_load %arg6[%parallel_loop3A_182, %parallel_loop3A_183] {strides = array<i32>} : memref<96x512xf32, #tpu.memory_space<vmem>>, vector<16xf32>,
      %parallel_loop3A_185 = arith.constant 2.550000e+02 : f32
      %parallel_loop3A_186 = vector.broadcast %parallel_loop3A_185 : f32 to vector<16xf32>
      %parallel_loop3A_187 = arith.mulf %parallel_loop3A_184, %parallel_loop3A_186 : vector<16xf32>
      %parallel_loop3A_188 = arith.fptosi %parallel_loop3A_187 : vector<16xf32> to vector<16xi32>
      %parallel_loop3A_189 = tpu.vector_load_idx %arg5[%parallel_loop3A_188] : memref<256xf32, #tpu.memory_space<vmem>>[vector<16xi32>], vector<16xf32>,
      %parallel_loop3A_190 = arith.subf %parallel_loop3A_184, %parallel_loop3A_189 : vector<16xf32>
      %parallel_loop3A_191 = arith.mulf %parallel_loop3A_190, %parallel_loop3A_190 : vector<16xf32>
      %parallel_loop3A_192 = arith.addf %parallel_loop3A_191, %parallel_loop3A_184 : vector<16xf32>
      %parallel_loop3A_193 = arith.addf %parallel_loop3A_140, %parallel_loop3A_192 : vector<16xf32>
      %parallel_loop3A_194 = arith.constant 48 : i32
      %parallel_loop3A_195 = arith.addi %parallel_loop3A_151, %parallel_loop3A_194 : i32
      %parallel_loop3A_196 = arith.index_cast %parallel_loop3A_147 : i32 to index
      %parallel_loop3A_197 = arith.index_cast %parallel_loop3A_195 : i32 to index
      %parallel_loop3A_198 = tpu.vector_load %arg6[%parallel_loop3A_196, %parallel_loop3A_197] {strides = array<i32>} : memref<96x512xf32, #tpu.memory_space<vmem>>, vector<16xf32>,
      %parallel_loop3A_199 = arith.constant 2.550000e+02 : f32
      %parallel_loop3A_200 = vector.broadcast %parallel_loop3A_199 : f32 to vector<16xf32>
      %parallel_loop3A_201 = arith.mulf %parallel_loop3A_198, %parallel_loop3A_200 : vector<16xf32>
      %parallel_loop3A_202 = arith.fptosi %parallel_loop3A_201 : vector<16xf32> to vector<16xi32>
      %parallel_loop3A_203 = tpu.vector_load_idx %arg5[%parallel_loop3A_202] : memref<256xf32, #tpu.memory_space<vmem>>[vector<16xi32>], vector<16xf32>,
      %parallel_loop3A_204 = arith.subf %parallel_loop3A_198, %parallel_loop3A_203 : vector<16xf32>
      %parallel_loop3A_205 = arith.mulf %parallel_loop3A_204, %parallel_loop3A_204 : vector<16xf32>
      %parallel_loop3A_206 = arith.addf %parallel_loop3A_205, %parallel_loop3A_198 : vector<16xf32>
      %parallel_loop3A_207 = arith.addf %parallel_loop3A_141, %parallel_loop3A_206 : vector<16xf32>
      %parallel_loop3A_208 = arith.constant 64 : i32
      %parallel_loop3A_209 = arith.addi %parallel_loop3A_151, %parallel_loop3A_208 : i32
      %parallel_loop3A_210 = arith.index_cast %parallel_loop3A_147 : i32 to index
      %parallel_loop3A_211 = arith.index_cast %parallel_loop3A_209 : i32 to index
      %parallel_loop3A_212 = tpu.vector_load %arg6[%parallel_loop3A_210, %parallel_loop3A_211] {strides = array<i32>} : memref<96x512xf32, #tpu.memory_space<vmem>>, vector<16xf32>,
      %parallel_loop3A_213 = arith.constant 2.550000e+02 : f32
      %parallel_loop3A_214 = vector.broadcast %parallel_loop3A_213 : f32 to vector<16xf32>
      %parallel_loop3A_215 = arith.mulf %parallel_loop3A_212, %parallel_loop3A_214 : vector<16xf32>
      %parallel_loop3A_216 = arith.fptosi %parallel_loop3A_215 : vector<16xf32> to vector<16xi32>
      %parallel_loop3A_217 = tpu.vector_load_idx %arg5[%parallel_loop3A_216] : memref<256xf32, #tpu.memory_space<vmem>>[vector<16xi32>], vector<16xf32>,
      %parallel_loop3A_218 = arith.subf %parallel_loop3A_212, %parallel_loop3A_217 : vector<16xf32>
      %parallel_loop3A_219 = arith.mulf %parallel_loop3A_218, %parallel_loop3A_218 : vector<16xf32>
      %parallel_loop3A_220 = arith.addf %parallel_loop3A_219, %parallel_loop3A_212 : vector<16xf32>
      %parallel_loop3A_221 = arith.addf %parallel_loop3A_142, %parallel_loop3A_220 : vector<16xf32>
      %parallel_loop3A_222 = arith.constant 80 : i32
      %parallel_loop3A_223 = arith.addi %parallel_loop3A_151, %parallel_loop3A_222 : i32
      %parallel_loop3A_224 = arith.index_cast %parallel_loop3A_147 : i32 to index
      %parallel_loop3A_225 = arith.index_cast %parallel_loop3A_223 : i32 to index
      %parallel_loop3A_226 = tpu.vector_load %arg6[%parallel_loop3A_224, %parallel_loop3A_225] {strides = array<i32>} : memref<96x512xf32, #tpu.memory_space<vmem>>, vector<16xf32>,
      %parallel_loop3A_227 = arith.constant 2.550000e+02 : f32
      %parallel_loop3A_228 = vector.broadcast %parallel_loop3A_227 : f32 to vector<16xf32>
      %parallel_loop3A_229 = arith.mulf %parallel_loop3A_226, %parallel_loop3A_228 : vector<16xf32>
      %parallel_loop3A_230 = arith.fptosi %parallel_loop3A_229 : vector<16xf32> to vector<16xi32>
      %parallel_loop3A_231 = tpu.vector_load_idx %arg5[%parallel_loop3A_230] : memref<256xf32, #tpu.memory_space<vmem>>[vector<16xi32>], vector<16xf32>,
      %parallel_loop3A_232 = arith.subf %parallel_loop3A_226, %parallel_loop3A_231 : vector<16xf32>
      %parallel_loop3A_233 = arith.mulf %parallel_loop3A_232, %parallel_loop3A_232 : vector<16xf32>
      %parallel_loop3A_234 = arith.addf %parallel_loop3A_233, %parallel_loop3A_226 : vector<16xf32>
      %parallel_loop3A_235 = arith.addf %parallel_loop3A_143, %parallel_loop3A_234 : vector<16xf32>
      %parallel_loop3A_236 = arith.constant 96 : i32
      %parallel_loop3A_237 = arith.addi %parallel_loop3A_151, %parallel_loop3A_236 : i32
      %parallel_loop3A_238 = arith.index_cast %parallel_loop3A_147 : i32 to index
      %parallel_loop3A_239 = arith.index_cast %parallel_loop3A_237 : i32 to index
      %parallel_loop3A_240 = tpu.vector_load %arg6[%parallel_loop3A_238, %parallel_loop3A_239] {strides = array<i32>} : memref<96x512xf32, #tpu.memory_space<vmem>>, vector<16xf32>,
      %parallel_loop3A_241 = arith.constant 2.550000e+02 : f32
      %parallel_loop3A_242 = vector.broadcast %parallel_loop3A_241 : f32 to vector<16xf32>
      %parallel_loop3A_243 = arith.mulf %parallel_loop3A_240, %parallel_loop3A_242 : vector<16xf32>
      %parallel_loop3A_244 = arith.fptosi %parallel_loop3A_243 : vector<16xf32> to vector<16xi32>
      %parallel_loop3A_245 = tpu.vector_load_idx %arg5[%parallel_loop3A_244] : memref<256xf32, #tpu.memory_space<vmem>>[vector<16xi32>], vector<16xf32>,
      %parallel_loop3A_246 = arith.subf %parallel_loop3A_240, %parallel_loop3A_245 : vector<16xf32>
      %parallel_loop3A_247 = arith.mulf %parallel_loop3A_246, %parallel_loop3A_246 : vector<16xf32>
      %parallel_loop3A_248 = arith.addf %parallel_loop3A_247, %parallel_loop3A_240 : vector<16xf32>
      %parallel_loop3A_249 = arith.addf %parallel_loop3A_144, %parallel_loop3A_248 : vector<16xf32>
      %parallel_loop3A_250 = arith.constant 112 : i32
      %parallel_loop3A_251 = arith.addi %parallel_loop3A_151, %parallel_loop3A_250 : i32
      %parallel_loop3A_252 = arith.index_cast %parallel_loop3A_147 : i32 to index
      %parallel_loop3A_253 = arith.index_cast %parallel_loop3A_251 : i32 to index
      %parallel_loop3A_254 = tpu.vector_load %arg6[%parallel_loop3A_252, %parallel_loop3A_253] {strides = array<i32>} : memref<96x512xf32, #tpu.memory_space<vmem>>, vector<16xf32>,
      %parallel_loop3A_255 = arith.constant 2.550000e+02 : f32
      %parallel_loop3A_256 = vector.broadcast %parallel_loop3A_255 : f32 to vector<16xf32>
      %parallel_loop3A_257 = arith.mulf %parallel_loop3A_254, %parallel_loop3A_256 : vector<16xf32>
      %parallel_loop3A_258 = arith.fptosi %parallel_loop3A_257 : vector<16xf32> to vector<16xi32>
      %parallel_loop3A_259 = tpu.vector_load_idx %arg5[%parallel_loop3A_258] : memref<256xf32, #tpu.memory_space<vmem>>[vector<16xi32>], vector<16xf32>,
      %parallel_loop3A_260 = arith.subf %parallel_loop3A_254, %parallel_loop3A_259 : vector<16xf32>
      %parallel_loop3A_261 = arith.mulf %parallel_loop3A_260, %parallel_loop3A_260 : vector<16xf32>
      %parallel_loop3A_262 = arith.addf %parallel_loop3A_261, %parallel_loop3A_254 : vector<16xf32>
      %parallel_loop3A_263 = arith.addf %parallel_loop3A_145, %parallel_loop3A_262 : vector<16xf32>
      scf.yield %parallel_loop3A_165, %parallel_loop3A_179, %parallel_loop3A_193, %parallel_loop3A_207, %parallel_loop3A_221, %parallel_loop3A_235, %parallel_loop3A_249, %parallel_loop3A_263 : vector<16xf32>, vector<16xf32>, vector<16xf32>, vector<16xf32>, vector<16xf32>, vector<16xf32>, vector<16xf32>, vector<16xf32>
    } {sc.loop_unroll_factor = 2 : i64, sc.parallel_access}
    %add3A_35 = arith.constant 192 : i32
    %add3A_36 = arith.addi %mul3A_2, %add3A_35 : i32
    %dma_start3A_37 = arith.constant 0 : i32
    %dma_start3A_38 = tpu.memref_slice %arg2[%add3A_36, %dma_start3A_37] : memref<24576x512xf32, #tpu.memory_space<hbm>> -> memref<96x512xf32, #tpu.memory_space<hbm>>
    %dma_start3A_39 = arith.constant 0 : i32
    %dma_start3A_40 = tpu.memref_slice %arg2[%add3A_36, %dma_start3A_39] : memref<24576x512xf32, #tpu.memory_space<hbm>> -> memref<96x512xf32, #tpu.memory_space<hbm>>
    tpu.enqueue_dma source(%dma_start3A_40 : memref<96x512xf32, #tpu.memory_space<hbm>>) target(%arg6 : memref<96x512xf32, #tpu.memory_space<vmem>>) target_semaphore(%arg9 : memref<!tpu.dma_semaphore, #tpu.memory_space<semaphore_mem>>)
    %dma_wait3A_41 = arith.constant 0 : i32
    %dma_wait3A_42 = tpu.memref_slice %arg2[%add3A_9, %dma_wait3A_41] : memref<24576x512xf32, #tpu.memory_space<hbm>> -> memref<96x512xf32, #tpu.memory_space<hbm>>
    %dma_wait3A_43 = arith.constant 0 : i32
    %dma_wait3A_44 = tpu.memref_slice %arg2[%add3A_9, %dma_wait3A_43] : memref<24576x512xf32, #tpu.memory_space<hbm>> -> memref<96x512xf32, #tpu.memory_space<hbm>>
    tpu.wait_dma2 semaphore(%arg10 : memref<!tpu.dma_semaphore, #tpu.memory_space<semaphore_mem>>) src(%dma_wait3A_44 : memref<96x512xf32, #tpu.memory_space<hbm>>) dst(%arg7 : memref<96x512xf32, #tpu.memory_space<vmem>>)
    %parallel_loop3A_45 = arith.constant 0 : i32
    %parallel_loop3A_46 = arith.constant 384 : i32
    %parallel_loop3A_47 = arith.constant 1 : i32
    %parallel_loop3A_48:8 = scf.for %parallel_loop3A_137 = %parallel_loop3A_45 to %parallel_loop3A_46 step %parallel_loop3A_47 iter_args(%parallel_loop3A_138 = %parallel_loop3A_34#0, %parallel_loop3A_139 = %parallel_loop3A_34#1, %parallel_loop3A_140 = %parallel_loop3A_34#2, %parallel_loop3A_141 = %parallel_loop3A_34#3, %parallel_loop3A_142 = %parallel_loop3A_34#4, %parallel_loop3A_143 = %parallel_loop3A_34#5, %parallel_loop3A_144 = %parallel_loop3A_34#6, %parallel_loop3A_145 = %parallel_loop3A_34#7) -> (vector<16xf32>, vector<16xf32>, vector<16xf32>, vector<16xf32>, vector<16xf32>, vector<16xf32>, vector<16xf32>, vector<16xf32>)  : i32 {
      %parallel_loop3A_146 = arith.constant 2 : i32
      %parallel_loop3A_147 = arith.shrsi %parallel_loop3A_137, %parallel_loop3A_146 : i32
      %parallel_loop3A_148 = arith.constant 3 : i32
      %parallel_loop3A_149 = arith.andi %parallel_loop3A_137, %parallel_loop3A_148 : i32
      %parallel_loop3A_150 = arith.constant 128 : i32
      %parallel_loop3A_151 = arith.muli %parallel_loop3A_149, %parallel_loop3A_150 : i32
      %parallel_loop3A_152 = arith.constant 0 : i32
      %parallel_loop3A_153 = arith.addi %parallel_loop3A_151, %parallel_loop3A_152 : i32
      %parallel_loop3A_154 = arith.index_cast %parallel_loop3A_147 : i32 to index
      %parallel_loop3A_155 = arith.index_cast %parallel_loop3A_153 : i32 to index
      %parallel_loop3A_156 = tpu.vector_load %arg7[%parallel_loop3A_154, %parallel_loop3A_155] {strides = array<i32>} : memref<96x512xf32, #tpu.memory_space<vmem>>, vector<16xf32>,
      %parallel_loop3A_157 = arith.constant 2.550000e+02 : f32
      %parallel_loop3A_158 = vector.broadcast %parallel_loop3A_157 : f32 to vector<16xf32>
      %parallel_loop3A_159 = arith.mulf %parallel_loop3A_156, %parallel_loop3A_158 : vector<16xf32>
      %parallel_loop3A_160 = arith.fptosi %parallel_loop3A_159 : vector<16xf32> to vector<16xi32>
      %parallel_loop3A_161 = tpu.vector_load_idx %arg5[%parallel_loop3A_160] : memref<256xf32, #tpu.memory_space<vmem>>[vector<16xi32>], vector<16xf32>,
      %parallel_loop3A_162 = arith.subf %parallel_loop3A_156, %parallel_loop3A_161 : vector<16xf32>
      %parallel_loop3A_163 = arith.mulf %parallel_loop3A_162, %parallel_loop3A_162 : vector<16xf32>
      %parallel_loop3A_164 = arith.addf %parallel_loop3A_163, %parallel_loop3A_156 : vector<16xf32>
      %parallel_loop3A_165 = arith.addf %parallel_loop3A_138, %parallel_loop3A_164 : vector<16xf32>
      %parallel_loop3A_166 = arith.constant 16 : i32
      %parallel_loop3A_167 = arith.addi %parallel_loop3A_151, %parallel_loop3A_166 : i32
      %parallel_loop3A_168 = arith.index_cast %parallel_loop3A_147 : i32 to index
      %parallel_loop3A_169 = arith.index_cast %parallel_loop3A_167 : i32 to index
      %parallel_loop3A_170 = tpu.vector_load %arg7[%parallel_loop3A_168, %parallel_loop3A_169] {strides = array<i32>} : memref<96x512xf32, #tpu.memory_space<vmem>>, vector<16xf32>,
      %parallel_loop3A_171 = arith.constant 2.550000e+02 : f32
      %parallel_loop3A_172 = vector.broadcast %parallel_loop3A_171 : f32 to vector<16xf32>
      %parallel_loop3A_173 = arith.mulf %parallel_loop3A_170, %parallel_loop3A_172 : vector<16xf32>
      %parallel_loop3A_174 = arith.fptosi %parallel_loop3A_173 : vector<16xf32> to vector<16xi32>
      %parallel_loop3A_175 = tpu.vector_load_idx %arg5[%parallel_loop3A_174] : memref<256xf32, #tpu.memory_space<vmem>>[vector<16xi32>], vector<16xf32>,
      %parallel_loop3A_176 = arith.subf %parallel_loop3A_170, %parallel_loop3A_175 : vector<16xf32>
      %parallel_loop3A_177 = arith.mulf %parallel_loop3A_176, %parallel_loop3A_176 : vector<16xf32>
      %parallel_loop3A_178 = arith.addf %parallel_loop3A_177, %parallel_loop3A_170 : vector<16xf32>
      %parallel_loop3A_179 = arith.addf %parallel_loop3A_139, %parallel_loop3A_178 : vector<16xf32>
      %parallel_loop3A_180 = arith.constant 32 : i32
      %parallel_loop3A_181 = arith.addi %parallel_loop3A_151, %parallel_loop3A_180 : i32
      %parallel_loop3A_182 = arith.index_cast %parallel_loop3A_147 : i32 to index
      %parallel_loop3A_183 = arith.index_cast %parallel_loop3A_181 : i32 to index
      %parallel_loop3A_184 = tpu.vector_load %arg7[%parallel_loop3A_182, %parallel_loop3A_183] {strides = array<i32>} : memref<96x512xf32, #tpu.memory_space<vmem>>, vector<16xf32>,
      %parallel_loop3A_185 = arith.constant 2.550000e+02 : f32
      %parallel_loop3A_186 = vector.broadcast %parallel_loop3A_185 : f32 to vector<16xf32>
      %parallel_loop3A_187 = arith.mulf %parallel_loop3A_184, %parallel_loop3A_186 : vector<16xf32>
      %parallel_loop3A_188 = arith.fptosi %parallel_loop3A_187 : vector<16xf32> to vector<16xi32>
      %parallel_loop3A_189 = tpu.vector_load_idx %arg5[%parallel_loop3A_188] : memref<256xf32, #tpu.memory_space<vmem>>[vector<16xi32>], vector<16xf32>,
      %parallel_loop3A_190 = arith.subf %parallel_loop3A_184, %parallel_loop3A_189 : vector<16xf32>
      %parallel_loop3A_191 = arith.mulf %parallel_loop3A_190, %parallel_loop3A_190 : vector<16xf32>
      %parallel_loop3A_192 = arith.addf %parallel_loop3A_191, %parallel_loop3A_184 : vector<16xf32>
      %parallel_loop3A_193 = arith.addf %parallel_loop3A_140, %parallel_loop3A_192 : vector<16xf32>
      %parallel_loop3A_194 = arith.constant 48 : i32
      %parallel_loop3A_195 = arith.addi %parallel_loop3A_151, %parallel_loop3A_194 : i32
      %parallel_loop3A_196 = arith.index_cast %parallel_loop3A_147 : i32 to index
      %parallel_loop3A_197 = arith.index_cast %parallel_loop3A_195 : i32 to index
      %parallel_loop3A_198 = tpu.vector_load %arg7[%parallel_loop3A_196, %parallel_loop3A_197] {strides = array<i32>} : memref<96x512xf32, #tpu.memory_space<vmem>>, vector<16xf32>,
      %parallel_loop3A_199 = arith.constant 2.550000e+02 : f32
      %parallel_loop3A_200 = vector.broadcast %parallel_loop3A_199 : f32 to vector<16xf32>
      %parallel_loop3A_201 = arith.mulf %parallel_loop3A_198, %parallel_loop3A_200 : vector<16xf32>
      %parallel_loop3A_202 = arith.fptosi %parallel_loop3A_201 : vector<16xf32> to vector<16xi32>
      %parallel_loop3A_203 = tpu.vector_load_idx %arg5[%parallel_loop3A_202] : memref<256xf32, #tpu.memory_space<vmem>>[vector<16xi32>], vector<16xf32>,
      %parallel_loop3A_204 = arith.subf %parallel_loop3A_198, %parallel_loop3A_203 : vector<16xf32>
      %parallel_loop3A_205 = arith.mulf %parallel_loop3A_204, %parallel_loop3A_204 : vector<16xf32>
      %parallel_loop3A_206 = arith.addf %parallel_loop3A_205, %parallel_loop3A_198 : vector<16xf32>
      %parallel_loop3A_207 = arith.addf %parallel_loop3A_141, %parallel_loop3A_206 : vector<16xf32>
      %parallel_loop3A_208 = arith.constant 64 : i32
      %parallel_loop3A_209 = arith.addi %parallel_loop3A_151, %parallel_loop3A_208 : i32
      %parallel_loop3A_210 = arith.index_cast %parallel_loop3A_147 : i32 to index
      %parallel_loop3A_211 = arith.index_cast %parallel_loop3A_209 : i32 to index
      %parallel_loop3A_212 = tpu.vector_load %arg7[%parallel_loop3A_210, %parallel_loop3A_211] {strides = array<i32>} : memref<96x512xf32, #tpu.memory_space<vmem>>, vector<16xf32>,
      %parallel_loop3A_213 = arith.constant 2.550000e+02 : f32
      %parallel_loop3A_214 = vector.broadcast %parallel_loop3A_213 : f32 to vector<16xf32>
      %parallel_loop3A_215 = arith.mulf %parallel_loop3A_212, %parallel_loop3A_214 : vector<16xf32>
      %parallel_loop3A_216 = arith.fptosi %parallel_loop3A_215 : vector<16xf32> to vector<16xi32>
      %parallel_loop3A_217 = tpu.vector_load_idx %arg5[%parallel_loop3A_216] : memref<256xf32, #tpu.memory_space<vmem>>[vector<16xi32>], vector<16xf32>,
      %parallel_loop3A_218 = arith.subf %parallel_loop3A_212, %parallel_loop3A_217 : vector<16xf32>
      %parallel_loop3A_219 = arith.mulf %parallel_loop3A_218, %parallel_loop3A_218 : vector<16xf32>
      %parallel_loop3A_220 = arith.addf %parallel_loop3A_219, %parallel_loop3A_212 : vector<16xf32>
      %parallel_loop3A_221 = arith.addf %parallel_loop3A_142, %parallel_loop3A_220 : vector<16xf32>
      %parallel_loop3A_222 = arith.constant 80 : i32
      %parallel_loop3A_223 = arith.addi %parallel_loop3A_151, %parallel_loop3A_222 : i32
      %parallel_loop3A_224 = arith.index_cast %parallel_loop3A_147 : i32 to index
      %parallel_loop3A_225 = arith.index_cast %parallel_loop3A_223 : i32 to index
      %parallel_loop3A_226 = tpu.vector_load %arg7[%parallel_loop3A_224, %parallel_loop3A_225] {strides = array<i32>} : memref<96x512xf32, #tpu.memory_space<vmem>>, vector<16xf32>,
      %parallel_loop3A_227 = arith.constant 2.550000e+02 : f32
      %parallel_loop3A_228 = vector.broadcast %parallel_loop3A_227 : f32 to vector<16xf32>
      %parallel_loop3A_229 = arith.mulf %parallel_loop3A_226, %parallel_loop3A_228 : vector<16xf32>
      %parallel_loop3A_230 = arith.fptosi %parallel_loop3A_229 : vector<16xf32> to vector<16xi32>
      %parallel_loop3A_231 = tpu.vector_load_idx %arg5[%parallel_loop3A_230] : memref<256xf32, #tpu.memory_space<vmem>>[vector<16xi32>], vector<16xf32>,
      %parallel_loop3A_232 = arith.subf %parallel_loop3A_226, %parallel_loop3A_231 : vector<16xf32>
      %parallel_loop3A_233 = arith.mulf %parallel_loop3A_232, %parallel_loop3A_232 : vector<16xf32>
      %parallel_loop3A_234 = arith.addf %parallel_loop3A_233, %parallel_loop3A_226 : vector<16xf32>
      %parallel_loop3A_235 = arith.addf %parallel_loop3A_143, %parallel_loop3A_234 : vector<16xf32>
      %parallel_loop3A_236 = arith.constant 96 : i32
      %parallel_loop3A_237 = arith.addi %parallel_loop3A_151, %parallel_loop3A_236 : i32
      %parallel_loop3A_238 = arith.index_cast %parallel_loop3A_147 : i32 to index
      %parallel_loop3A_239 = arith.index_cast %parallel_loop3A_237 : i32 to index
      %parallel_loop3A_240 = tpu.vector_load %arg7[%parallel_loop3A_238, %parallel_loop3A_239] {strides = array<i32>} : memref<96x512xf32, #tpu.memory_space<vmem>>, vector<16xf32>,
      %parallel_loop3A_241 = arith.constant 2.550000e+02 : f32
      %parallel_loop3A_242 = vector.broadcast %parallel_loop3A_241 : f32 to vector<16xf32>
      %parallel_loop3A_243 = arith.mulf %parallel_loop3A_240, %parallel_loop3A_242 : vector<16xf32>
      %parallel_loop3A_244 = arith.fptosi %parallel_loop3A_243 : vector<16xf32> to vector<16xi32>
      %parallel_loop3A_245 = tpu.vector_load_idx %arg5[%parallel_loop3A_244] : memref<256xf32, #tpu.memory_space<vmem>>[vector<16xi32>], vector<16xf32>,
      %parallel_loop3A_246 = arith.subf %parallel_loop3A_240, %parallel_loop3A_245 : vector<16xf32>
      %parallel_loop3A_247 = arith.mulf %parallel_loop3A_246, %parallel_loop3A_246 : vector<16xf32>
      %parallel_loop3A_248 = arith.addf %parallel_loop3A_247, %parallel_loop3A_240 : vector<16xf32>
      %parallel_loop3A_249 = arith.addf %parallel_loop3A_144, %parallel_loop3A_248 : vector<16xf32>
      %parallel_loop3A_250 = arith.constant 112 : i32
      %parallel_loop3A_251 = arith.addi %parallel_loop3A_151, %parallel_loop3A_250 : i32
      %parallel_loop3A_252 = arith.index_cast %parallel_loop3A_147 : i32 to index
      %parallel_loop3A_253 = arith.index_cast %parallel_loop3A_251 : i32 to index
      %parallel_loop3A_254 = tpu.vector_load %arg7[%parallel_loop3A_252, %parallel_loop3A_253] {strides = array<i32>} : memref<96x512xf32, #tpu.memory_space<vmem>>, vector<16xf32>,
      %parallel_loop3A_255 = arith.constant 2.550000e+02 : f32
      %parallel_loop3A_256 = vector.broadcast %parallel_loop3A_255 : f32 to vector<16xf32>
      %parallel_loop3A_257 = arith.mulf %parallel_loop3A_254, %parallel_loop3A_256 : vector<16xf32>
      %parallel_loop3A_258 = arith.fptosi %parallel_loop3A_257 : vector<16xf32> to vector<16xi32>
      %parallel_loop3A_259 = tpu.vector_load_idx %arg5[%parallel_loop3A_258] : memref<256xf32, #tpu.memory_space<vmem>>[vector<16xi32>], vector<16xf32>,
      %parallel_loop3A_260 = arith.subf %parallel_loop3A_254, %parallel_loop3A_259 : vector<16xf32>
      %parallel_loop3A_261 = arith.mulf %parallel_loop3A_260, %parallel_loop3A_260 : vector<16xf32>
      %parallel_loop3A_262 = arith.addf %parallel_loop3A_261, %parallel_loop3A_254 : vector<16xf32>
      %parallel_loop3A_263 = arith.addf %parallel_loop3A_145, %parallel_loop3A_262 : vector<16xf32>
      scf.yield %parallel_loop3A_165, %parallel_loop3A_179, %parallel_loop3A_193, %parallel_loop3A_207, %parallel_loop3A_221, %parallel_loop3A_235, %parallel_loop3A_249, %parallel_loop3A_263 : vector<16xf32>, vector<16xf32>, vector<16xf32>, vector<16xf32>, vector<16xf32>, vector<16xf32>, vector<16xf32>, vector<16xf32>
    } {sc.loop_unroll_factor = 2 : i64, sc.parallel_access}
    %add3A_49 = arith.constant 288 : i32
    %add3A_50 = arith.addi %mul3A_2, %add3A_49 : i32
    %dma_start3A_51 = arith.constant 0 : i32
    %dma_start3A_52 = tpu.memref_slice %arg2[%add3A_50, %dma_start3A_51] : memref<24576x512xf32, #tpu.memory_space<hbm>> -> memref<96x512xf32, #tpu.memory_space<hbm>>
    %dma_start3A_53 = arith.constant 0 : i32
    %dma_start3A_54 = tpu.memref_slice %arg2[%add3A_50, %dma_start3A_53] : memref<24576x512xf32, #tpu.memory_space<hbm>> -> memref<96x512xf32, #tpu.memory_space<hbm>>
    tpu.enqueue_dma source(%dma_start3A_54 : memref<96x512xf32, #tpu.memory_space<hbm>>) target(%arg7 : memref<96x512xf32, #tpu.memory_space<vmem>>) target_semaphore(%arg10 : memref<!tpu.dma_semaphore, #tpu.memory_space<semaphore_mem>>)
    %dma_wait3A_55 = arith.constant 0 : i32
    %dma_wait3A_56 = tpu.memref_slice %arg2[%add3A_36, %dma_wait3A_55] : memref<24576x512xf32, #tpu.memory_space<hbm>> -> memref<96x512xf32, #tpu.memory_space<hbm>>
    %dma_wait3A_57 = arith.constant 0 : i32
    %dma_wait3A_58 = tpu.memref_slice %arg2[%add3A_36, %dma_wait3A_57] : memref<24576x512xf32, #tpu.memory_space<hbm>> -> memref<96x512xf32, #tpu.memory_space<hbm>>
    tpu.wait_dma2 semaphore(%arg9 : memref<!tpu.dma_semaphore, #tpu.memory_space<semaphore_mem>>) src(%dma_wait3A_58 : memref<96x512xf32, #tpu.memory_space<hbm>>) dst(%arg6 : memref<96x512xf32, #tpu.memory_space<vmem>>)
    %parallel_loop3A_59 = arith.constant 0 : i32
    %parallel_loop3A_60 = arith.constant 384 : i32
    %parallel_loop3A_61 = arith.constant 1 : i32
    %parallel_loop3A_62:8 = scf.for %parallel_loop3A_137 = %parallel_loop3A_59 to %parallel_loop3A_60 step %parallel_loop3A_61 iter_args(%parallel_loop3A_138 = %parallel_loop3A_48#0, %parallel_loop3A_139 = %parallel_loop3A_48#1, %parallel_loop3A_140 = %parallel_loop3A_48#2, %parallel_loop3A_141 = %parallel_loop3A_48#3, %parallel_loop3A_142 = %parallel_loop3A_48#4, %parallel_loop3A_143 = %parallel_loop3A_48#5, %parallel_loop3A_144 = %parallel_loop3A_48#6, %parallel_loop3A_145 = %parallel_loop3A_48#7) -> (vector<16xf32>, vector<16xf32>, vector<16xf32>, vector<16xf32>, vector<16xf32>, vector<16xf32>, vector<16xf32>, vector<16xf32>)  : i32 {
      %parallel_loop3A_146 = arith.constant 2 : i32
      %parallel_loop3A_147 = arith.shrsi %parallel_loop3A_137, %parallel_loop3A_146 : i32
      %parallel_loop3A_148 = arith.constant 3 : i32
      %parallel_loop3A_149 = arith.andi %parallel_loop3A_137, %parallel_loop3A_148 : i32
      %parallel_loop3A_150 = arith.constant 128 : i32
      %parallel_loop3A_151 = arith.muli %parallel_loop3A_149, %parallel_loop3A_150 : i32
      %parallel_loop3A_152 = arith.constant 0 : i32
      %parallel_loop3A_153 = arith.addi %parallel_loop3A_151, %parallel_loop3A_152 : i32
      %parallel_loop3A_154 = arith.index_cast %parallel_loop3A_147 : i32 to index
      %parallel_loop3A_155 = arith.index_cast %parallel_loop3A_153 : i32 to index
      %parallel_loop3A_156 = tpu.vector_load %arg6[%parallel_loop3A_154, %parallel_loop3A_155] {strides = array<i32>} : memref<96x512xf32, #tpu.memory_space<vmem>>, vector<16xf32>,
      %parallel_loop3A_157 = arith.constant 2.550000e+02 : f32
      %parallel_loop3A_158 = vector.broadcast %parallel_loop3A_157 : f32 to vector<16xf32>
      %parallel_loop3A_159 = arith.mulf %parallel_loop3A_156, %parallel_loop3A_158 : vector<16xf32>
      %parallel_loop3A_160 = arith.fptosi %parallel_loop3A_159 : vector<16xf32> to vector<16xi32>
      %parallel_loop3A_161 = tpu.vector_load_idx %arg5[%parallel_loop3A_160] : memref<256xf32, #tpu.memory_space<vmem>>[vector<16xi32>], vector<16xf32>,
      %parallel_loop3A_162 = arith.subf %parallel_loop3A_156, %parallel_loop3A_161 : vector<16xf32>
      %parallel_loop3A_163 = arith.mulf %parallel_loop3A_162, %parallel_loop3A_162 : vector<16xf32>
      %parallel_loop3A_164 = arith.addf %parallel_loop3A_163, %parallel_loop3A_156 : vector<16xf32>
      %parallel_loop3A_165 = arith.addf %parallel_loop3A_138, %parallel_loop3A_164 : vector<16xf32>
      %parallel_loop3A_166 = arith.constant 16 : i32
      %parallel_loop3A_167 = arith.addi %parallel_loop3A_151, %parallel_loop3A_166 : i32
      %parallel_loop3A_168 = arith.index_cast %parallel_loop3A_147 : i32 to index
      %parallel_loop3A_169 = arith.index_cast %parallel_loop3A_167 : i32 to index
      %parallel_loop3A_170 = tpu.vector_load %arg6[%parallel_loop3A_168, %parallel_loop3A_169] {strides = array<i32>} : memref<96x512xf32, #tpu.memory_space<vmem>>, vector<16xf32>,
      %parallel_loop3A_171 = arith.constant 2.550000e+02 : f32
      %parallel_loop3A_172 = vector.broadcast %parallel_loop3A_171 : f32 to vector<16xf32>
      %parallel_loop3A_173 = arith.mulf %parallel_loop3A_170, %parallel_loop3A_172 : vector<16xf32>
      %parallel_loop3A_174 = arith.fptosi %parallel_loop3A_173 : vector<16xf32> to vector<16xi32>
      %parallel_loop3A_175 = tpu.vector_load_idx %arg5[%parallel_loop3A_174] : memref<256xf32, #tpu.memory_space<vmem>>[vector<16xi32>], vector<16xf32>,
      %parallel_loop3A_176 = arith.subf %parallel_loop3A_170, %parallel_loop3A_175 : vector<16xf32>
      %parallel_loop3A_177 = arith.mulf %parallel_loop3A_176, %parallel_loop3A_176 : vector<16xf32>
      %parallel_loop3A_178 = arith.addf %parallel_loop3A_177, %parallel_loop3A_170 : vector<16xf32>
      %parallel_loop3A_179 = arith.addf %parallel_loop3A_139, %parallel_loop3A_178 : vector<16xf32>
      %parallel_loop3A_180 = arith.constant 32 : i32
      %parallel_loop3A_181 = arith.addi %parallel_loop3A_151, %parallel_loop3A_180 : i32
      %parallel_loop3A_182 = arith.index_cast %parallel_loop3A_147 : i32 to index
      %parallel_loop3A_183 = arith.index_cast %parallel_loop3A_181 : i32 to index
      %parallel_loop3A_184 = tpu.vector_load %arg6[%parallel_loop3A_182, %parallel_loop3A_183] {strides = array<i32>} : memref<96x512xf32, #tpu.memory_space<vmem>>, vector<16xf32>,
      %parallel_loop3A_185 = arith.constant 2.550000e+02 : f32
      %parallel_loop3A_186 = vector.broadcast %parallel_loop3A_185 : f32 to vector<16xf32>
      %parallel_loop3A_187 = arith.mulf %parallel_loop3A_184, %parallel_loop3A_186 : vector<16xf32>
      %parallel_loop3A_188 = arith.fptosi %parallel_loop3A_187 : vector<16xf32> to vector<16xi32>
      %parallel_loop3A_189 = tpu.vector_load_idx %arg5[%parallel_loop3A_188] : memref<256xf32, #tpu.memory_space<vmem>>[vector<16xi32>], vector<16xf32>,
      %parallel_loop3A_190 = arith.subf %parallel_loop3A_184, %parallel_loop3A_189 : vector<16xf32>
      %parallel_loop3A_191 = arith.mulf %parallel_loop3A_190, %parallel_loop3A_190 : vector<16xf32>
      %parallel_loop3A_192 = arith.addf %parallel_loop3A_191, %parallel_loop3A_184 : vector<16xf32>
      %parallel_loop3A_193 = arith.addf %parallel_loop3A_140, %parallel_loop3A_192 : vector<16xf32>
      %parallel_loop3A_194 = arith.constant 48 : i32
      %parallel_loop3A_195 = arith.addi %parallel_loop3A_151, %parallel_loop3A_194 : i32
      %parallel_loop3A_196 = arith.index_cast %parallel_loop3A_147 : i32 to index
      %parallel_loop3A_197 = arith.index_cast %parallel_loop3A_195 : i32 to index
      %parallel_loop3A_198 = tpu.vector_load %arg6[%parallel_loop3A_196, %parallel_loop3A_197] {strides = array<i32>} : memref<96x512xf32, #tpu.memory_space<vmem>>, vector<16xf32>,
      %parallel_loop3A_199 = arith.constant 2.550000e+02 : f32
      %parallel_loop3A_200 = vector.broadcast %parallel_loop3A_199 : f32 to vector<16xf32>
      %parallel_loop3A_201 = arith.mulf %parallel_loop3A_198, %parallel_loop3A_200 : vector<16xf32>
      %parallel_loop3A_202 = arith.fptosi %parallel_loop3A_201 : vector<16xf32> to vector<16xi32>
      %parallel_loop3A_203 = tpu.vector_load_idx %arg5[%parallel_loop3A_202] : memref<256xf32, #tpu.memory_space<vmem>>[vector<16xi32>], vector<16xf32>,
      %parallel_loop3A_204 = arith.subf %parallel_loop3A_198, %parallel_loop3A_203 : vector<16xf32>
      %parallel_loop3A_205 = arith.mulf %parallel_loop3A_204, %parallel_loop3A_204 : vector<16xf32>
      %parallel_loop3A_206 = arith.addf %parallel_loop3A_205, %parallel_loop3A_198 : vector<16xf32>
      %parallel_loop3A_207 = arith.addf %parallel_loop3A_141, %parallel_loop3A_206 : vector<16xf32>
      %parallel_loop3A_208 = arith.constant 64 : i32
      %parallel_loop3A_209 = arith.addi %parallel_loop3A_151, %parallel_loop3A_208 : i32
      %parallel_loop3A_210 = arith.index_cast %parallel_loop3A_147 : i32 to index
      %parallel_loop3A_211 = arith.index_cast %parallel_loop3A_209 : i32 to index
      %parallel_loop3A_212 = tpu.vector_load %arg6[%parallel_loop3A_210, %parallel_loop3A_211] {strides = array<i32>} : memref<96x512xf32, #tpu.memory_space<vmem>>, vector<16xf32>,
      %parallel_loop3A_213 = arith.constant 2.550000e+02 : f32
      %parallel_loop3A_214 = vector.broadcast %parallel_loop3A_213 : f32 to vector<16xf32>
      %parallel_loop3A_215 = arith.mulf %parallel_loop3A_212, %parallel_loop3A_214 : vector<16xf32>
      %parallel_loop3A_216 = arith.fptosi %parallel_loop3A_215 : vector<16xf32> to vector<16xi32>
      %parallel_loop3A_217 = tpu.vector_load_idx %arg5[%parallel_loop3A_216] : memref<256xf32, #tpu.memory_space<vmem>>[vector<16xi32>], vector<16xf32>,
      %parallel_loop3A_218 = arith.subf %parallel_loop3A_212, %parallel_loop3A_217 : vector<16xf32>
      %parallel_loop3A_219 = arith.mulf %parallel_loop3A_218, %parallel_loop3A_218 : vector<16xf32>
      %parallel_loop3A_220 = arith.addf %parallel_loop3A_219, %parallel_loop3A_212 : vector<16xf32>
      %parallel_loop3A_221 = arith.addf %parallel_loop3A_142, %parallel_loop3A_220 : vector<16xf32>
      %parallel_loop3A_222 = arith.constant 80 : i32
      %parallel_loop3A_223 = arith.addi %parallel_loop3A_151, %parallel_loop3A_222 : i32
      %parallel_loop3A_224 = arith.index_cast %parallel_loop3A_147 : i32 to index
      %parallel_loop3A_225 = arith.index_cast %parallel_loop3A_223 : i32 to index
      %parallel_loop3A_226 = tpu.vector_load %arg6[%parallel_loop3A_224, %parallel_loop3A_225] {strides = array<i32>} : memref<96x512xf32, #tpu.memory_space<vmem>>, vector<16xf32>,
      %parallel_loop3A_227 = arith.constant 2.550000e+02 : f32
      %parallel_loop3A_228 = vector.broadcast %parallel_loop3A_227 : f32 to vector<16xf32>
      %parallel_loop3A_229 = arith.mulf %parallel_loop3A_226, %parallel_loop3A_228 : vector<16xf32>
      %parallel_loop3A_230 = arith.fptosi %parallel_loop3A_229 : vector<16xf32> to vector<16xi32>
      %parallel_loop3A_231 = tpu.vector_load_idx %arg5[%parallel_loop3A_230] : memref<256xf32, #tpu.memory_space<vmem>>[vector<16xi32>], vector<16xf32>,
      %parallel_loop3A_232 = arith.subf %parallel_loop3A_226, %parallel_loop3A_231 : vector<16xf32>
      %parallel_loop3A_233 = arith.mulf %parallel_loop3A_232, %parallel_loop3A_232 : vector<16xf32>
      %parallel_loop3A_234 = arith.addf %parallel_loop3A_233, %parallel_loop3A_226 : vector<16xf32>
      %parallel_loop3A_235 = arith.addf %parallel_loop3A_143, %parallel_loop3A_234 : vector<16xf32>
      %parallel_loop3A_236 = arith.constant 96 : i32
      %parallel_loop3A_237 = arith.addi %parallel_loop3A_151, %parallel_loop3A_236 : i32
      %parallel_loop3A_238 = arith.index_cast %parallel_loop3A_147 : i32 to index
      %parallel_loop3A_239 = arith.index_cast %parallel_loop3A_237 : i32 to index
      %parallel_loop3A_240 = tpu.vector_load %arg6[%parallel_loop3A_238, %parallel_loop3A_239] {strides = array<i32>} : memref<96x512xf32, #tpu.memory_space<vmem>>, vector<16xf32>,
      %parallel_loop3A_241 = arith.constant 2.550000e+02 : f32
      %parallel_loop3A_242 = vector.broadcast %parallel_loop3A_241 : f32 to vector<16xf32>
      %parallel_loop3A_243 = arith.mulf %parallel_loop3A_240, %parallel_loop3A_242 : vector<16xf32>
      %parallel_loop3A_244 = arith.fptosi %parallel_loop3A_243 : vector<16xf32> to vector<16xi32>
      %parallel_loop3A_245 = tpu.vector_load_idx %arg5[%parallel_loop3A_244] : memref<256xf32, #tpu.memory_space<vmem>>[vector<16xi32>], vector<16xf32>,
      %parallel_loop3A_246 = arith.subf %parallel_loop3A_240, %parallel_loop3A_245 : vector<16xf32>
      %parallel_loop3A_247 = arith.mulf %parallel_loop3A_246, %parallel_loop3A_246 : vector<16xf32>
      %parallel_loop3A_248 = arith.addf %parallel_loop3A_247, %parallel_loop3A_240 : vector<16xf32>
      %parallel_loop3A_249 = arith.addf %parallel_loop3A_144, %parallel_loop3A_248 : vector<16xf32>
      %parallel_loop3A_250 = arith.constant 112 : i32
      %parallel_loop3A_251 = arith.addi %parallel_loop3A_151, %parallel_loop3A_250 : i32
      %parallel_loop3A_252 = arith.index_cast %parallel_loop3A_147 : i32 to index
      %parallel_loop3A_253 = arith.index_cast %parallel_loop3A_251 : i32 to index
      %parallel_loop3A_254 = tpu.vector_load %arg6[%parallel_loop3A_252, %parallel_loop3A_253] {strides = array<i32>} : memref<96x512xf32, #tpu.memory_space<vmem>>, vector<16xf32>,
      %parallel_loop3A_255 = arith.constant 2.550000e+02 : f32
      %parallel_loop3A_256 = vector.broadcast %parallel_loop3A_255 : f32 to vector<16xf32>
      %parallel_loop3A_257 = arith.mulf %parallel_loop3A_254, %parallel_loop3A_256 : vector<16xf32>
      %parallel_loop3A_258 = arith.fptosi %parallel_loop3A_257 : vector<16xf32> to vector<16xi32>
      %parallel_loop3A_259 = tpu.vector_load_idx %arg5[%parallel_loop3A_258] : memref<256xf32, #tpu.memory_space<vmem>>[vector<16xi32>], vector<16xf32>,
      %parallel_loop3A_260 = arith.subf %parallel_loop3A_254, %parallel_loop3A_259 : vector<16xf32>
      %parallel_loop3A_261 = arith.mulf %parallel_loop3A_260, %parallel_loop3A_260 : vector<16xf32>
      %parallel_loop3A_262 = arith.addf %parallel_loop3A_261, %parallel_loop3A_254 : vector<16xf32>
      %parallel_loop3A_263 = arith.addf %parallel_loop3A_145, %parallel_loop3A_262 : vector<16xf32>
      scf.yield %parallel_loop3A_165, %parallel_loop3A_179, %parallel_loop3A_193, %parallel_loop3A_207, %parallel_loop3A_221, %parallel_loop3A_235, %parallel_loop3A_249, %parallel_loop3A_263 : vector<16xf32>, vector<16xf32>, vector<16xf32>, vector<16xf32>, vector<16xf32>, vector<16xf32>, vector<16xf32>, vector<16xf32>
    } {sc.loop_unroll_factor = 2 : i64, sc.parallel_access}
    %add3A_63 = arith.constant 384 : i32
    %add3A_64 = arith.addi %mul3A_2, %add3A_63 : i32
    %dma_start3A_65 = arith.constant 0 : i32
    %dma_start3A_66 = tpu.memref_slice %arg2[%add3A_64, %dma_start3A_65] : memref<24576x512xf32, #tpu.memory_space<hbm>> -> memref<96x512xf32, #tpu.memory_space<hbm>>
    %dma_start3A_67 = arith.constant 0 : i32
    %dma_start3A_68 = tpu.memref_slice %arg2[%add3A_64, %dma_start3A_67] : memref<24576x512xf32, #tpu.memory_space<hbm>> -> memref<96x512xf32, #tpu.memory_space<hbm>>
    tpu.enqueue_dma source(%dma_start3A_68 : memref<96x512xf32, #tpu.memory_space<hbm>>) target(%arg6 : memref<96x512xf32, #tpu.memory_space<vmem>>) target_semaphore(%arg9 : memref<!tpu.dma_semaphore, #tpu.memory_space<semaphore_mem>>)
    %dma_wait3A_69 = arith.constant 0 : i32
    %dma_wait3A_70 = tpu.memref_slice %arg2[%add3A_50, %dma_wait3A_69] : memref<24576x512xf32, #tpu.memory_space<hbm>> -> memref<96x512xf32, #tpu.memory_space<hbm>>
    %dma_wait3A_71 = arith.constant 0 : i32
    %dma_wait3A_72 = tpu.memref_slice %arg2[%add3A_50, %dma_wait3A_71] : memref<24576x512xf32, #tpu.memory_space<hbm>> -> memref<96x512xf32, #tpu.memory_space<hbm>>
    tpu.wait_dma2 semaphore(%arg10 : memref<!tpu.dma_semaphore, #tpu.memory_space<semaphore_mem>>) src(%dma_wait3A_72 : memref<96x512xf32, #tpu.memory_space<hbm>>) dst(%arg7 : memref<96x512xf32, #tpu.memory_space<vmem>>)
    %parallel_loop3A_73 = arith.constant 0 : i32
    %parallel_loop3A_74 = arith.constant 384 : i32
    %parallel_loop3A_75 = arith.constant 1 : i32
    %parallel_loop3A_76:8 = scf.for %parallel_loop3A_137 = %parallel_loop3A_73 to %parallel_loop3A_74 step %parallel_loop3A_75 iter_args(%parallel_loop3A_138 = %parallel_loop3A_62#0, %parallel_loop3A_139 = %parallel_loop3A_62#1, %parallel_loop3A_140 = %parallel_loop3A_62#2, %parallel_loop3A_141 = %parallel_loop3A_62#3, %parallel_loop3A_142 = %parallel_loop3A_62#4, %parallel_loop3A_143 = %parallel_loop3A_62#5, %parallel_loop3A_144 = %parallel_loop3A_62#6, %parallel_loop3A_145 = %parallel_loop3A_62#7) -> (vector<16xf32>, vector<16xf32>, vector<16xf32>, vector<16xf32>, vector<16xf32>, vector<16xf32>, vector<16xf32>, vector<16xf32>)  : i32 {
      %parallel_loop3A_146 = arith.constant 2 : i32
      %parallel_loop3A_147 = arith.shrsi %parallel_loop3A_137, %parallel_loop3A_146 : i32
      %parallel_loop3A_148 = arith.constant 3 : i32
      %parallel_loop3A_149 = arith.andi %parallel_loop3A_137, %parallel_loop3A_148 : i32
      %parallel_loop3A_150 = arith.constant 128 : i32
      %parallel_loop3A_151 = arith.muli %parallel_loop3A_149, %parallel_loop3A_150 : i32
      %parallel_loop3A_152 = arith.constant 0 : i32
      %parallel_loop3A_153 = arith.addi %parallel_loop3A_151, %parallel_loop3A_152 : i32
      %parallel_loop3A_154 = arith.index_cast %parallel_loop3A_147 : i32 to index
      %parallel_loop3A_155 = arith.index_cast %parallel_loop3A_153 : i32 to index
      %parallel_loop3A_156 = tpu.vector_load %arg7[%parallel_loop3A_154, %parallel_loop3A_155] {strides = array<i32>} : memref<96x512xf32, #tpu.memory_space<vmem>>, vector<16xf32>,
      %parallel_loop3A_157 = arith.constant 2.550000e+02 : f32
      %parallel_loop3A_158 = vector.broadcast %parallel_loop3A_157 : f32 to vector<16xf32>
      %parallel_loop3A_159 = arith.mulf %parallel_loop3A_156, %parallel_loop3A_158 : vector<16xf32>
      %parallel_loop3A_160 = arith.fptosi %parallel_loop3A_159 : vector<16xf32> to vector<16xi32>
      %parallel_loop3A_161 = tpu.vector_load_idx %arg5[%parallel_loop3A_160] : memref<256xf32, #tpu.memory_space<vmem>>[vector<16xi32>], vector<16xf32>,
      %parallel_loop3A_162 = arith.subf %parallel_loop3A_156, %parallel_loop3A_161 : vector<16xf32>
      %parallel_loop3A_163 = arith.mulf %parallel_loop3A_162, %parallel_loop3A_162 : vector<16xf32>
      %parallel_loop3A_164 = arith.addf %parallel_loop3A_163, %parallel_loop3A_156 : vector<16xf32>
      %parallel_loop3A_165 = arith.addf %parallel_loop3A_138, %parallel_loop3A_164 : vector<16xf32>
      %parallel_loop3A_166 = arith.constant 16 : i32
      %parallel_loop3A_167 = arith.addi %parallel_loop3A_151, %parallel_loop3A_166 : i32
      %parallel_loop3A_168 = arith.index_cast %parallel_loop3A_147 : i32 to index
      %parallel_loop3A_169 = arith.index_cast %parallel_loop3A_167 : i32 to index
      %parallel_loop3A_170 = tpu.vector_load %arg7[%parallel_loop3A_168, %parallel_loop3A_169] {strides = array<i32>} : memref<96x512xf32, #tpu.memory_space<vmem>>, vector<16xf32>,
      %parallel_loop3A_171 = arith.constant 2.550000e+02 : f32
      %parallel_loop3A_172 = vector.broadcast %parallel_loop3A_171 : f32 to vector<16xf32>
      %parallel_loop3A_173 = arith.mulf %parallel_loop3A_170, %parallel_loop3A_172 : vector<16xf32>
      %parallel_loop3A_174 = arith.fptosi %parallel_loop3A_173 : vector<16xf32> to vector<16xi32>
      %parallel_loop3A_175 = tpu.vector_load_idx %arg5[%parallel_loop3A_174] : memref<256xf32, #tpu.memory_space<vmem>>[vector<16xi32>], vector<16xf32>,
      %parallel_loop3A_176 = arith.subf %parallel_loop3A_170, %parallel_loop3A_175 : vector<16xf32>
      %parallel_loop3A_177 = arith.mulf %parallel_loop3A_176, %parallel_loop3A_176 : vector<16xf32>
      %parallel_loop3A_178 = arith.addf %parallel_loop3A_177, %parallel_loop3A_170 : vector<16xf32>
      %parallel_loop3A_179 = arith.addf %parallel_loop3A_139, %parallel_loop3A_178 : vector<16xf32>
      %parallel_loop3A_180 = arith.constant 32 : i32
      %parallel_loop3A_181 = arith.addi %parallel_loop3A_151, %parallel_loop3A_180 : i32
      %parallel_loop3A_182 = arith.index_cast %parallel_loop3A_147 : i32 to index
      %parallel_loop3A_183 = arith.index_cast %parallel_loop3A_181 : i32 to index
      %parallel_loop3A_184 = tpu.vector_load %arg7[%parallel_loop3A_182, %parallel_loop3A_183] {strides = array<i32>} : memref<96x512xf32, #tpu.memory_space<vmem>>, vector<16xf32>,
      %parallel_loop3A_185 = arith.constant 2.550000e+02 : f32
      %parallel_loop3A_186 = vector.broadcast %parallel_loop3A_185 : f32 to vector<16xf32>
      %parallel_loop3A_187 = arith.mulf %parallel_loop3A_184, %parallel_loop3A_186 : vector<16xf32>
      %parallel_loop3A_188 = arith.fptosi %parallel_loop3A_187 : vector<16xf32> to vector<16xi32>
      %parallel_loop3A_189 = tpu.vector_load_idx %arg5[%parallel_loop3A_188] : memref<256xf32, #tpu.memory_space<vmem>>[vector<16xi32>], vector<16xf32>,
      %parallel_loop3A_190 = arith.subf %parallel_loop3A_184, %parallel_loop3A_189 : vector<16xf32>
      %parallel_loop3A_191 = arith.mulf %parallel_loop3A_190, %parallel_loop3A_190 : vector<16xf32>
      %parallel_loop3A_192 = arith.addf %parallel_loop3A_191, %parallel_loop3A_184 : vector<16xf32>
      %parallel_loop3A_193 = arith.addf %parallel_loop3A_140, %parallel_loop3A_192 : vector<16xf32>
      %parallel_loop3A_194 = arith.constant 48 : i32
      %parallel_loop3A_195 = arith.addi %parallel_loop3A_151, %parallel_loop3A_194 : i32
      %parallel_loop3A_196 = arith.index_cast %parallel_loop3A_147 : i32 to index
      %parallel_loop3A_197 = arith.index_cast %parallel_loop3A_195 : i32 to index
      %parallel_loop3A_198 = tpu.vector_load %arg7[%parallel_loop3A_196, %parallel_loop3A_197] {strides = array<i32>} : memref<96x512xf32, #tpu.memory_space<vmem>>, vector<16xf32>,
      %parallel_loop3A_199 = arith.constant 2.550000e+02 : f32
      %parallel_loop3A_200 = vector.broadcast %parallel_loop3A_199 : f32 to vector<16xf32>
      %parallel_loop3A_201 = arith.mulf %parallel_loop3A_198, %parallel_loop3A_200 : vector<16xf32>
      %parallel_loop3A_202 = arith.fptosi %parallel_loop3A_201 : vector<16xf32> to vector<16xi32>
      %parallel_loop3A_203 = tpu.vector_load_idx %arg5[%parallel_loop3A_202] : memref<256xf32, #tpu.memory_space<vmem>>[vector<16xi32>], vector<16xf32>,
      %parallel_loop3A_204 = arith.subf %parallel_loop3A_198, %parallel_loop3A_203 : vector<16xf32>
      %parallel_loop3A_205 = arith.mulf %parallel_loop3A_204, %parallel_loop3A_204 : vector<16xf32>
      %parallel_loop3A_206 = arith.addf %parallel_loop3A_205, %parallel_loop3A_198 : vector<16xf32>
      %parallel_loop3A_207 = arith.addf %parallel_loop3A_141, %parallel_loop3A_206 : vector<16xf32>
      %parallel_loop3A_208 = arith.constant 64 : i32
      %parallel_loop3A_209 = arith.addi %parallel_loop3A_151, %parallel_loop3A_208 : i32
      %parallel_loop3A_210 = arith.index_cast %parallel_loop3A_147 : i32 to index
      %parallel_loop3A_211 = arith.index_cast %parallel_loop3A_209 : i32 to index
      %parallel_loop3A_212 = tpu.vector_load %arg7[%parallel_loop3A_210, %parallel_loop3A_211] {strides = array<i32>} : memref<96x512xf32, #tpu.memory_space<vmem>>, vector<16xf32>,
      %parallel_loop3A_213 = arith.constant 2.550000e+02 : f32
      %parallel_loop3A_214 = vector.broadcast %parallel_loop3A_213 : f32 to vector<16xf32>
      %parallel_loop3A_215 = arith.mulf %parallel_loop3A_212, %parallel_loop3A_214 : vector<16xf32>
      %parallel_loop3A_216 = arith.fptosi %parallel_loop3A_215 : vector<16xf32> to vector<16xi32>
      %parallel_loop3A_217 = tpu.vector_load_idx %arg5[%parallel_loop3A_216] : memref<256xf32, #tpu.memory_space<vmem>>[vector<16xi32>], vector<16xf32>,
      %parallel_loop3A_218 = arith.subf %parallel_loop3A_212, %parallel_loop3A_217 : vector<16xf32>
      %parallel_loop3A_219 = arith.mulf %parallel_loop3A_218, %parallel_loop3A_218 : vector<16xf32>
      %parallel_loop3A_220 = arith.addf %parallel_loop3A_219, %parallel_loop3A_212 : vector<16xf32>
      %parallel_loop3A_221 = arith.addf %parallel_loop3A_142, %parallel_loop3A_220 : vector<16xf32>
      %parallel_loop3A_222 = arith.constant 80 : i32
      %parallel_loop3A_223 = arith.addi %parallel_loop3A_151, %parallel_loop3A_222 : i32
      %parallel_loop3A_224 = arith.index_cast %parallel_loop3A_147 : i32 to index
      %parallel_loop3A_225 = arith.index_cast %parallel_loop3A_223 : i32 to index
      %parallel_loop3A_226 = tpu.vector_load %arg7[%parallel_loop3A_224, %parallel_loop3A_225] {strides = array<i32>} : memref<96x512xf32, #tpu.memory_space<vmem>>, vector<16xf32>,
      %parallel_loop3A_227 = arith.constant 2.550000e+02 : f32
      %parallel_loop3A_228 = vector.broadcast %parallel_loop3A_227 : f32 to vector<16xf32>
      %parallel_loop3A_229 = arith.mulf %parallel_loop3A_226, %parallel_loop3A_228 : vector<16xf32>
      %parallel_loop3A_230 = arith.fptosi %parallel_loop3A_229 : vector<16xf32> to vector<16xi32>
      %parallel_loop3A_231 = tpu.vector_load_idx %arg5[%parallel_loop3A_230] : memref<256xf32, #tpu.memory_space<vmem>>[vector<16xi32>], vector<16xf32>,
      %parallel_loop3A_232 = arith.subf %parallel_loop3A_226, %parallel_loop3A_231 : vector<16xf32>
      %parallel_loop3A_233 = arith.mulf %parallel_loop3A_232, %parallel_loop3A_232 : vector<16xf32>
      %parallel_loop3A_234 = arith.addf %parallel_loop3A_233, %parallel_loop3A_226 : vector<16xf32>
      %parallel_loop3A_235 = arith.addf %parallel_loop3A_143, %parallel_loop3A_234 : vector<16xf32>
      %parallel_loop3A_236 = arith.constant 96 : i32
      %parallel_loop3A_237 = arith.addi %parallel_loop3A_151, %parallel_loop3A_236 : i32
      %parallel_loop3A_238 = arith.index_cast %parallel_loop3A_147 : i32 to index
      %parallel_loop3A_239 = arith.index_cast %parallel_loop3A_237 : i32 to index
      %parallel_loop3A_240 = tpu.vector_load %arg7[%parallel_loop3A_238, %parallel_loop3A_239] {strides = array<i32>} : memref<96x512xf32, #tpu.memory_space<vmem>>, vector<16xf32>,
      %parallel_loop3A_241 = arith.constant 2.550000e+02 : f32
      %parallel_loop3A_242 = vector.broadcast %parallel_loop3A_241 : f32 to vector<16xf32>
      %parallel_loop3A_243 = arith.mulf %parallel_loop3A_240, %parallel_loop3A_242 : vector<16xf32>
      %parallel_loop3A_244 = arith.fptosi %parallel_loop3A_243 : vector<16xf32> to vector<16xi32>
      %parallel_loop3A_245 = tpu.vector_load_idx %arg5[%parallel_loop3A_244] : memref<256xf32, #tpu.memory_space<vmem>>[vector<16xi32>], vector<16xf32>,
      %parallel_loop3A_246 = arith.subf %parallel_loop3A_240, %parallel_loop3A_245 : vector<16xf32>
      %parallel_loop3A_247 = arith.mulf %parallel_loop3A_246, %parallel_loop3A_246 : vector<16xf32>
      %parallel_loop3A_248 = arith.addf %parallel_loop3A_247, %parallel_loop3A_240 : vector<16xf32>
      %parallel_loop3A_249 = arith.addf %parallel_loop3A_144, %parallel_loop3A_248 : vector<16xf32>
      %parallel_loop3A_250 = arith.constant 112 : i32
      %parallel_loop3A_251 = arith.addi %parallel_loop3A_151, %parallel_loop3A_250 : i32
      %parallel_loop3A_252 = arith.index_cast %parallel_loop3A_147 : i32 to index
      %parallel_loop3A_253 = arith.index_cast %parallel_loop3A_251 : i32 to index
      %parallel_loop3A_254 = tpu.vector_load %arg7[%parallel_loop3A_252, %parallel_loop3A_253] {strides = array<i32>} : memref<96x512xf32, #tpu.memory_space<vmem>>, vector<16xf32>,
      %parallel_loop3A_255 = arith.constant 2.550000e+02 : f32
      %parallel_loop3A_256 = vector.broadcast %parallel_loop3A_255 : f32 to vector<16xf32>
      %parallel_loop3A_257 = arith.mulf %parallel_loop3A_254, %parallel_loop3A_256 : vector<16xf32>
      %parallel_loop3A_258 = arith.fptosi %parallel_loop3A_257 : vector<16xf32> to vector<16xi32>
      %parallel_loop3A_259 = tpu.vector_load_idx %arg5[%parallel_loop3A_258] : memref<256xf32, #tpu.memory_space<vmem>>[vector<16xi32>], vector<16xf32>,
      %parallel_loop3A_260 = arith.subf %parallel_loop3A_254, %parallel_loop3A_259 : vector<16xf32>
      %parallel_loop3A_261 = arith.mulf %parallel_loop3A_260, %parallel_loop3A_260 : vector<16xf32>
      %parallel_loop3A_262 = arith.addf %parallel_loop3A_261, %parallel_loop3A_254 : vector<16xf32>
      %parallel_loop3A_263 = arith.addf %parallel_loop3A_145, %parallel_loop3A_262 : vector<16xf32>
      scf.yield %parallel_loop3A_165, %parallel_loop3A_179, %parallel_loop3A_193, %parallel_loop3A_207, %parallel_loop3A_221, %parallel_loop3A_235, %parallel_loop3A_249, %parallel_loop3A_263 : vector<16xf32>, vector<16xf32>, vector<16xf32>, vector<16xf32>, vector<16xf32>, vector<16xf32>, vector<16xf32>, vector<16xf32>
    } {sc.loop_unroll_factor = 2 : i64, sc.parallel_access}
    %add3A_77 = arith.constant 480 : i32
    %add3A_78 = arith.addi %mul3A_2, %add3A_77 : i32
    %dma_start3A_79 = arith.constant 0 : i32
    %dma_start3A_80 = tpu.memref_slice %arg2[%add3A_78, %dma_start3A_79] : memref<24576x512xf32, #tpu.memory_space<hbm>> -> memref<96x512xf32, #tpu.memory_space<hbm>>
    %dma_start3A_81 = arith.constant 0 : i32
    %dma_start3A_82 = tpu.memref_slice %arg2[%add3A_78, %dma_start3A_81] : memref<24576x512xf32, #tpu.memory_space<hbm>> -> memref<96x512xf32, #tpu.memory_space<hbm>>
    tpu.enqueue_dma source(%dma_start3A_82 : memref<96x512xf32, #tpu.memory_space<hbm>>) target(%arg7 : memref<96x512xf32, #tpu.memory_space<vmem>>) target_semaphore(%arg10 : memref<!tpu.dma_semaphore, #tpu.memory_space<semaphore_mem>>)
    %dma_wait3A_83 = arith.constant 0 : i32
    %dma_wait3A_84 = tpu.memref_slice %arg2[%add3A_64, %dma_wait3A_83] : memref<24576x512xf32, #tpu.memory_space<hbm>> -> memref<96x512xf32, #tpu.memory_space<hbm>>
    %dma_wait3A_85 = arith.constant 0 : i32
    %dma_wait3A_86 = tpu.memref_slice %arg2[%add3A_64, %dma_wait3A_85] : memref<24576x512xf32, #tpu.memory_space<hbm>> -> memref<96x512xf32, #tpu.memory_space<hbm>>
    tpu.wait_dma2 semaphore(%arg9 : memref<!tpu.dma_semaphore, #tpu.memory_space<semaphore_mem>>) src(%dma_wait3A_86 : memref<96x512xf32, #tpu.memory_space<hbm>>) dst(%arg6 : memref<96x512xf32, #tpu.memory_space<vmem>>)
    %parallel_loop3A_87 = arith.constant 0 : i32
    %parallel_loop3A_88 = arith.constant 384 : i32
    %parallel_loop3A_89 = arith.constant 1 : i32
    %parallel_loop3A_90:8 = scf.for %parallel_loop3A_137 = %parallel_loop3A_87 to %parallel_loop3A_88 step %parallel_loop3A_89 iter_args(%parallel_loop3A_138 = %parallel_loop3A_76#0, %parallel_loop3A_139 = %parallel_loop3A_76#1, %parallel_loop3A_140 = %parallel_loop3A_76#2, %parallel_loop3A_141 = %parallel_loop3A_76#3, %parallel_loop3A_142 = %parallel_loop3A_76#4, %parallel_loop3A_143 = %parallel_loop3A_76#5, %parallel_loop3A_144 = %parallel_loop3A_76#6, %parallel_loop3A_145 = %parallel_loop3A_76#7) -> (vector<16xf32>, vector<16xf32>, vector<16xf32>, vector<16xf32>, vector<16xf32>, vector<16xf32>, vector<16xf32>, vector<16xf32>)  : i32 {
      %parallel_loop3A_146 = arith.constant 2 : i32
      %parallel_loop3A_147 = arith.shrsi %parallel_loop3A_137, %parallel_loop3A_146 : i32
      %parallel_loop3A_148 = arith.constant 3 : i32
      %parallel_loop3A_149 = arith.andi %parallel_loop3A_137, %parallel_loop3A_148 : i32
      %parallel_loop3A_150 = arith.constant 128 : i32
      %parallel_loop3A_151 = arith.muli %parallel_loop3A_149, %parallel_loop3A_150 : i32
      %parallel_loop3A_152 = arith.constant 0 : i32
      %parallel_loop3A_153 = arith.addi %parallel_loop3A_151, %parallel_loop3A_152 : i32
      %parallel_loop3A_154 = arith.index_cast %parallel_loop3A_147 : i32 to index
      %parallel_loop3A_155 = arith.index_cast %parallel_loop3A_153 : i32 to index
      %parallel_loop3A_156 = tpu.vector_load %arg6[%parallel_loop3A_154, %parallel_loop3A_155] {strides = array<i32>} : memref<96x512xf32, #tpu.memory_space<vmem>>, vector<16xf32>,
      %parallel_loop3A_157 = arith.constant 2.550000e+02 : f32
      %parallel_loop3A_158 = vector.broadcast %parallel_loop3A_157 : f32 to vector<16xf32>
      %parallel_loop3A_159 = arith.mulf %parallel_loop3A_156, %parallel_loop3A_158 : vector<16xf32>
      %parallel_loop3A_160 = arith.fptosi %parallel_loop3A_159 : vector<16xf32> to vector<16xi32>
      %parallel_loop3A_161 = tpu.vector_load_idx %arg5[%parallel_loop3A_160] : memref<256xf32, #tpu.memory_space<vmem>>[vector<16xi32>], vector<16xf32>,
      %parallel_loop3A_162 = arith.subf %parallel_loop3A_156, %parallel_loop3A_161 : vector<16xf32>
      %parallel_loop3A_163 = arith.mulf %parallel_loop3A_162, %parallel_loop3A_162 : vector<16xf32>
      %parallel_loop3A_164 = arith.addf %parallel_loop3A_163, %parallel_loop3A_156 : vector<16xf32>
      %parallel_loop3A_165 = arith.addf %parallel_loop3A_138, %parallel_loop3A_164 : vector<16xf32>
      %parallel_loop3A_166 = arith.constant 16 : i32
      %parallel_loop3A_167 = arith.addi %parallel_loop3A_151, %parallel_loop3A_166 : i32
      %parallel_loop3A_168 = arith.index_cast %parallel_loop3A_147 : i32 to index
      %parallel_loop3A_169 = arith.index_cast %parallel_loop3A_167 : i32 to index
      %parallel_loop3A_170 = tpu.vector_load %arg6[%parallel_loop3A_168, %parallel_loop3A_169] {strides = array<i32>} : memref<96x512xf32, #tpu.memory_space<vmem>>, vector<16xf32>,
      %parallel_loop3A_171 = arith.constant 2.550000e+02 : f32
      %parallel_loop3A_172 = vector.broadcast %parallel_loop3A_171 : f32 to vector<16xf32>
      %parallel_loop3A_173 = arith.mulf %parallel_loop3A_170, %parallel_loop3A_172 : vector<16xf32>
      %parallel_loop3A_174 = arith.fptosi %parallel_loop3A_173 : vector<16xf32> to vector<16xi32>
      %parallel_loop3A_175 = tpu.vector_load_idx %arg5[%parallel_loop3A_174] : memref<256xf32, #tpu.memory_space<vmem>>[vector<16xi32>], vector<16xf32>,
      %parallel_loop3A_176 = arith.subf %parallel_loop3A_170, %parallel_loop3A_175 : vector<16xf32>
      %parallel_loop3A_177 = arith.mulf %parallel_loop3A_176, %parallel_loop3A_176 : vector<16xf32>
      %parallel_loop3A_178 = arith.addf %parallel_loop3A_177, %parallel_loop3A_170 : vector<16xf32>
      %parallel_loop3A_179 = arith.addf %parallel_loop3A_139, %parallel_loop3A_178 : vector<16xf32>
      %parallel_loop3A_180 = arith.constant 32 : i32
      %parallel_loop3A_181 = arith.addi %parallel_loop3A_151, %parallel_loop3A_180 : i32
      %parallel_loop3A_182 = arith.index_cast %parallel_loop3A_147 : i32 to index
      %parallel_loop3A_183 = arith.index_cast %parallel_loop3A_181 : i32 to index
      %parallel_loop3A_184 = tpu.vector_load %arg6[%parallel_loop3A_182, %parallel_loop3A_183] {strides = array<i32>} : memref<96x512xf32, #tpu.memory_space<vmem>>, vector<16xf32>,
      %parallel_loop3A_185 = arith.constant 2.550000e+02 : f32
      %parallel_loop3A_186 = vector.broadcast %parallel_loop3A_185 : f32 to vector<16xf32>
      %parallel_loop3A_187 = arith.mulf %parallel_loop3A_184, %parallel_loop3A_186 : vector<16xf32>
      %parallel_loop3A_188 = arith.fptosi %parallel_loop3A_187 : vector<16xf32> to vector<16xi32>
      %parallel_loop3A_189 = tpu.vector_load_idx %arg5[%parallel_loop3A_188] : memref<256xf32, #tpu.memory_space<vmem>>[vector<16xi32>], vector<16xf32>,
      %parallel_loop3A_190 = arith.subf %parallel_loop3A_184, %parallel_loop3A_189 : vector<16xf32>
      %parallel_loop3A_191 = arith.mulf %parallel_loop3A_190, %parallel_loop3A_190 : vector<16xf32>
      %parallel_loop3A_192 = arith.addf %parallel_loop3A_191, %parallel_loop3A_184 : vector<16xf32>
      %parallel_loop3A_193 = arith.addf %parallel_loop3A_140, %parallel_loop3A_192 : vector<16xf32>
      %parallel_loop3A_194 = arith.constant 48 : i32
      %parallel_loop3A_195 = arith.addi %parallel_loop3A_151, %parallel_loop3A_194 : i32
      %parallel_loop3A_196 = arith.index_cast %parallel_loop3A_147 : i32 to index
      %parallel_loop3A_197 = arith.index_cast %parallel_loop3A_195 : i32 to index
      %parallel_loop3A_198 = tpu.vector_load %arg6[%parallel_loop3A_196, %parallel_loop3A_197] {strides = array<i32>} : memref<96x512xf32, #tpu.memory_space<vmem>>, vector<16xf32>,
      %parallel_loop3A_199 = arith.constant 2.550000e+02 : f32
      %parallel_loop3A_200 = vector.broadcast %parallel_loop3A_199 : f32 to vector<16xf32>
      %parallel_loop3A_201 = arith.mulf %parallel_loop3A_198, %parallel_loop3A_200 : vector<16xf32>
      %parallel_loop3A_202 = arith.fptosi %parallel_loop3A_201 : vector<16xf32> to vector<16xi32>
      %parallel_loop3A_203 = tpu.vector_load_idx %arg5[%parallel_loop3A_202] : memref<256xf32, #tpu.memory_space<vmem>>[vector<16xi32>], vector<16xf32>,
      %parallel_loop3A_204 = arith.subf %parallel_loop3A_198, %parallel_loop3A_203 : vector<16xf32>
      %parallel_loop3A_205 = arith.mulf %parallel_loop3A_204, %parallel_loop3A_204 : vector<16xf32>
      %parallel_loop3A_206 = arith.addf %parallel_loop3A_205, %parallel_loop3A_198 : vector<16xf32>
      %parallel_loop3A_207 = arith.addf %parallel_loop3A_141, %parallel_loop3A_206 : vector<16xf32>
      %parallel_loop3A_208 = arith.constant 64 : i32
      %parallel_loop3A_209 = arith.addi %parallel_loop3A_151, %parallel_loop3A_208 : i32
      %parallel_loop3A_210 = arith.index_cast %parallel_loop3A_147 : i32 to index
      %parallel_loop3A_211 = arith.index_cast %parallel_loop3A_209 : i32 to index
      %parallel_loop3A_212 = tpu.vector_load %arg6[%parallel_loop3A_210, %parallel_loop3A_211] {strides = array<i32>} : memref<96x512xf32, #tpu.memory_space<vmem>>, vector<16xf32>,
      %parallel_loop3A_213 = arith.constant 2.550000e+02 : f32
      %parallel_loop3A_214 = vector.broadcast %parallel_loop3A_213 : f32 to vector<16xf32>
      %parallel_loop3A_215 = arith.mulf %parallel_loop3A_212, %parallel_loop3A_214 : vector<16xf32>
      %parallel_loop3A_216 = arith.fptosi %parallel_loop3A_215 : vector<16xf32> to vector<16xi32>
      %parallel_loop3A_217 = tpu.vector_load_idx %arg5[%parallel_loop3A_216] : memref<256xf32, #tpu.memory_space<vmem>>[vector<16xi32>], vector<16xf32>,
      %parallel_loop3A_218 = arith.subf %parallel_loop3A_212, %parallel_loop3A_217 : vector<16xf32>
      %parallel_loop3A_219 = arith.mulf %parallel_loop3A_218, %parallel_loop3A_218 : vector<16xf32>
      %parallel_loop3A_220 = arith.addf %parallel_loop3A_219, %parallel_loop3A_212 : vector<16xf32>
      %parallel_loop3A_221 = arith.addf %parallel_loop3A_142, %parallel_loop3A_220 : vector<16xf32>
      %parallel_loop3A_222 = arith.constant 80 : i32
      %parallel_loop3A_223 = arith.addi %parallel_loop3A_151, %parallel_loop3A_222 : i32
      %parallel_loop3A_224 = arith.index_cast %parallel_loop3A_147 : i32 to index
      %parallel_loop3A_225 = arith.index_cast %parallel_loop3A_223 : i32 to index
      %parallel_loop3A_226 = tpu.vector_load %arg6[%parallel_loop3A_224, %parallel_loop3A_225] {strides = array<i32>} : memref<96x512xf32, #tpu.memory_space<vmem>>, vector<16xf32>,
      %parallel_loop3A_227 = arith.constant 2.550000e+02 : f32
      %parallel_loop3A_228 = vector.broadcast %parallel_loop3A_227 : f32 to vector<16xf32>
      %parallel_loop3A_229 = arith.mulf %parallel_loop3A_226, %parallel_loop3A_228 : vector<16xf32>
      %parallel_loop3A_230 = arith.fptosi %parallel_loop3A_229 : vector<16xf32> to vector<16xi32>
      %parallel_loop3A_231 = tpu.vector_load_idx %arg5[%parallel_loop3A_230] : memref<256xf32, #tpu.memory_space<vmem>>[vector<16xi32>], vector<16xf32>,
      %parallel_loop3A_232 = arith.subf %parallel_loop3A_226, %parallel_loop3A_231 : vector<16xf32>
      %parallel_loop3A_233 = arith.mulf %parallel_loop3A_232, %parallel_loop3A_232 : vector<16xf32>
      %parallel_loop3A_234 = arith.addf %parallel_loop3A_233, %parallel_loop3A_226 : vector<16xf32>
      %parallel_loop3A_235 = arith.addf %parallel_loop3A_143, %parallel_loop3A_234 : vector<16xf32>
      %parallel_loop3A_236 = arith.constant 96 : i32
      %parallel_loop3A_237 = arith.addi %parallel_loop3A_151, %parallel_loop3A_236 : i32
      %parallel_loop3A_238 = arith.index_cast %parallel_loop3A_147 : i32 to index
      %parallel_loop3A_239 = arith.index_cast %parallel_loop3A_237 : i32 to index
      %parallel_loop3A_240 = tpu.vector_load %arg6[%parallel_loop3A_238, %parallel_loop3A_239] {strides = array<i32>} : memref<96x512xf32, #tpu.memory_space<vmem>>, vector<16xf32>,
      %parallel_loop3A_241 = arith.constant 2.550000e+02 : f32
      %parallel_loop3A_242 = vector.broadcast %parallel_loop3A_241 : f32 to vector<16xf32>
      %parallel_loop3A_243 = arith.mulf %parallel_loop3A_240, %parallel_loop3A_242 : vector<16xf32>
      %parallel_loop3A_244 = arith.fptosi %parallel_loop3A_243 : vector<16xf32> to vector<16xi32>
      %parallel_loop3A_245 = tpu.vector_load_idx %arg5[%parallel_loop3A_244] : memref<256xf32, #tpu.memory_space<vmem>>[vector<16xi32>], vector<16xf32>,
      %parallel_loop3A_246 = arith.subf %parallel_loop3A_240, %parallel_loop3A_245 : vector<16xf32>
      %parallel_loop3A_247 = arith.mulf %parallel_loop3A_246, %parallel_loop3A_246 : vector<16xf32>
      %parallel_loop3A_248 = arith.addf %parallel_loop3A_247, %parallel_loop3A_240 : vector<16xf32>
      %parallel_loop3A_249 = arith.addf %parallel_loop3A_144, %parallel_loop3A_248 : vector<16xf32>
      %parallel_loop3A_250 = arith.constant 112 : i32
      %parallel_loop3A_251 = arith.addi %parallel_loop3A_151, %parallel_loop3A_250 : i32
      %parallel_loop3A_252 = arith.index_cast %parallel_loop3A_147 : i32 to index
      %parallel_loop3A_253 = arith.index_cast %parallel_loop3A_251 : i32 to index
      %parallel_loop3A_254 = tpu.vector_load %arg6[%parallel_loop3A_252, %parallel_loop3A_253] {strides = array<i32>} : memref<96x512xf32, #tpu.memory_space<vmem>>, vector<16xf32>,
      %parallel_loop3A_255 = arith.constant 2.550000e+02 : f32
      %parallel_loop3A_256 = vector.broadcast %parallel_loop3A_255 : f32 to vector<16xf32>
      %parallel_loop3A_257 = arith.mulf %parallel_loop3A_254, %parallel_loop3A_256 : vector<16xf32>
      %parallel_loop3A_258 = arith.fptosi %parallel_loop3A_257 : vector<16xf32> to vector<16xi32>
      %parallel_loop3A_259 = tpu.vector_load_idx %arg5[%parallel_loop3A_258] : memref<256xf32, #tpu.memory_space<vmem>>[vector<16xi32>], vector<16xf32>,
      %parallel_loop3A_260 = arith.subf %parallel_loop3A_254, %parallel_loop3A_259 : vector<16xf32>
      %parallel_loop3A_261 = arith.mulf %parallel_loop3A_260, %parallel_loop3A_260 : vector<16xf32>
      %parallel_loop3A_262 = arith.addf %parallel_loop3A_261, %parallel_loop3A_254 : vector<16xf32>
      %parallel_loop3A_263 = arith.addf %parallel_loop3A_145, %parallel_loop3A_262 : vector<16xf32>
      scf.yield %parallel_loop3A_165, %parallel_loop3A_179, %parallel_loop3A_193, %parallel_loop3A_207, %parallel_loop3A_221, %parallel_loop3A_235, %parallel_loop3A_249, %parallel_loop3A_263 : vector<16xf32>, vector<16xf32>, vector<16xf32>, vector<16xf32>, vector<16xf32>, vector<16xf32>, vector<16xf32>, vector<16xf32>
    } {sc.loop_unroll_factor = 2 : i64, sc.parallel_access}
    %add3A_91 = arith.constant 576 : i32
    %add3A_92 = arith.addi %mul3A_2, %add3A_91 : i32
    %dma_start3A_93 = arith.constant 0 : i32
    %dma_start3A_94 = tpu.memref_slice %arg2[%add3A_92, %dma_start3A_93] : memref<24576x512xf32, #tpu.memory_space<hbm>> -> memref<96x512xf32, #tpu.memory_space<hbm>>
    %dma_start3A_95 = arith.constant 0 : i32
    %dma_start3A_96 = tpu.memref_slice %arg2[%add3A_92, %dma_start3A_95] : memref<24576x512xf32, #tpu.memory_space<hbm>> -> memref<96x512xf32, #tpu.memory_space<hbm>>
    tpu.enqueue_dma source(%dma_start3A_96 : memref<96x512xf32, #tpu.memory_space<hbm>>) target(%arg6 : memref<96x512xf32, #tpu.memory_space<vmem>>) target_semaphore(%arg9 : memref<!tpu.dma_semaphore, #tpu.memory_space<semaphore_mem>>)
    %dma_wait3A_97 = arith.constant 0 : i32
    %dma_wait3A_98 = tpu.memref_slice %arg2[%add3A_78, %dma_wait3A_97] : memref<24576x512xf32, #tpu.memory_space<hbm>> -> memref<96x512xf32, #tpu.memory_space<hbm>>
    %dma_wait3A_99 = arith.constant 0 : i32
    %dma_wait3A_100 = tpu.memref_slice %arg2[%add3A_78, %dma_wait3A_99] : memref<24576x512xf32, #tpu.memory_space<hbm>> -> memref<96x512xf32, #tpu.memory_space<hbm>>
    tpu.wait_dma2 semaphore(%arg10 : memref<!tpu.dma_semaphore, #tpu.memory_space<semaphore_mem>>) src(%dma_wait3A_100 : memref<96x512xf32, #tpu.memory_space<hbm>>) dst(%arg7 : memref<96x512xf32, #tpu.memory_space<vmem>>)
    %parallel_loop3A_101 = arith.constant 0 : i32
    %parallel_loop3A_102 = arith.constant 384 : i32
    %parallel_loop3A_103 = arith.constant 1 : i32
    %parallel_loop3A_104:8 = scf.for %parallel_loop3A_137 = %parallel_loop3A_101 to %parallel_loop3A_102 step %parallel_loop3A_103 iter_args(%parallel_loop3A_138 = %parallel_loop3A_90#0, %parallel_loop3A_139 = %parallel_loop3A_90#1, %parallel_loop3A_140 = %parallel_loop3A_90#2, %parallel_loop3A_141 = %parallel_loop3A_90#3, %parallel_loop3A_142 = %parallel_loop3A_90#4, %parallel_loop3A_143 = %parallel_loop3A_90#5, %parallel_loop3A_144 = %parallel_loop3A_90#6, %parallel_loop3A_145 = %parallel_loop3A_90#7) -> (vector<16xf32>, vector<16xf32>, vector<16xf32>, vector<16xf32>, vector<16xf32>, vector<16xf32>, vector<16xf32>, vector<16xf32>)  : i32 {
      %parallel_loop3A_146 = arith.constant 2 : i32
      %parallel_loop3A_147 = arith.shrsi %parallel_loop3A_137, %parallel_loop3A_146 : i32
      %parallel_loop3A_148 = arith.constant 3 : i32
      %parallel_loop3A_149 = arith.andi %parallel_loop3A_137, %parallel_loop3A_148 : i32
      %parallel_loop3A_150 = arith.constant 128 : i32
      %parallel_loop3A_151 = arith.muli %parallel_loop3A_149, %parallel_loop3A_150 : i32
      %parallel_loop3A_152 = arith.constant 0 : i32
      %parallel_loop3A_153 = arith.addi %parallel_loop3A_151, %parallel_loop3A_152 : i32
      %parallel_loop3A_154 = arith.index_cast %parallel_loop3A_147 : i32 to index
      %parallel_loop3A_155 = arith.index_cast %parallel_loop3A_153 : i32 to index
      %parallel_loop3A_156 = tpu.vector_load %arg7[%parallel_loop3A_154, %parallel_loop3A_155] {strides = array<i32>} : memref<96x512xf32, #tpu.memory_space<vmem>>, vector<16xf32>,
      %parallel_loop3A_157 = arith.constant 2.550000e+02 : f32
      %parallel_loop3A_158 = vector.broadcast %parallel_loop3A_157 : f32 to vector<16xf32>
      %parallel_loop3A_159 = arith.mulf %parallel_loop3A_156, %parallel_loop3A_158 : vector<16xf32>
      %parallel_loop3A_160 = arith.fptosi %parallel_loop3A_159 : vector<16xf32> to vector<16xi32>
      %parallel_loop3A_161 = tpu.vector_load_idx %arg5[%parallel_loop3A_160] : memref<256xf32, #tpu.memory_space<vmem>>[vector<16xi32>], vector<16xf32>,
      %parallel_loop3A_162 = arith.subf %parallel_loop3A_156, %parallel_loop3A_161 : vector<16xf32>
      %parallel_loop3A_163 = arith.mulf %parallel_loop3A_162, %parallel_loop3A_162 : vector<16xf32>
      %parallel_loop3A_164 = arith.addf %parallel_loop3A_163, %parallel_loop3A_156 : vector<16xf32>
      %parallel_loop3A_165 = arith.addf %parallel_loop3A_138, %parallel_loop3A_164 : vector<16xf32>
      %parallel_loop3A_166 = arith.constant 16 : i32
      %parallel_loop3A_167 = arith.addi %parallel_loop3A_151, %parallel_loop3A_166 : i32
      %parallel_loop3A_168 = arith.index_cast %parallel_loop3A_147 : i32 to index
      %parallel_loop3A_169 = arith.index_cast %parallel_loop3A_167 : i32 to index
      %parallel_loop3A_170 = tpu.vector_load %arg7[%parallel_loop3A_168, %parallel_loop3A_169] {strides = array<i32>} : memref<96x512xf32, #tpu.memory_space<vmem>>, vector<16xf32>,
      %parallel_loop3A_171 = arith.constant 2.550000e+02 : f32
      %parallel_loop3A_172 = vector.broadcast %parallel_loop3A_171 : f32 to vector<16xf32>
      %parallel_loop3A_173 = arith.mulf %parallel_loop3A_170, %parallel_loop3A_172 : vector<16xf32>
      %parallel_loop3A_174 = arith.fptosi %parallel_loop3A_173 : vector<16xf32> to vector<16xi32>
      %parallel_loop3A_175 = tpu.vector_load_idx %arg5[%parallel_loop3A_174] : memref<256xf32, #tpu.memory_space<vmem>>[vector<16xi32>], vector<16xf32>,
      %parallel_loop3A_176 = arith.subf %parallel_loop3A_170, %parallel_loop3A_175 : vector<16xf32>
      %parallel_loop3A_177 = arith.mulf %parallel_loop3A_176, %parallel_loop3A_176 : vector<16xf32>
      %parallel_loop3A_178 = arith.addf %parallel_loop3A_177, %parallel_loop3A_170 : vector<16xf32>
      %parallel_loop3A_179 = arith.addf %parallel_loop3A_139, %parallel_loop3A_178 : vector<16xf32>
      %parallel_loop3A_180 = arith.constant 32 : i32
      %parallel_loop3A_181 = arith.addi %parallel_loop3A_151, %parallel_loop3A_180 : i32
      %parallel_loop3A_182 = arith.index_cast %parallel_loop3A_147 : i32 to index
      %parallel_loop3A_183 = arith.index_cast %parallel_loop3A_181 : i32 to index
      %parallel_loop3A_184 = tpu.vector_load %arg7[%parallel_loop3A_182, %parallel_loop3A_183] {strides = array<i32>} : memref<96x512xf32, #tpu.memory_space<vmem>>, vector<16xf32>,
      %parallel_loop3A_185 = arith.constant 2.550000e+02 : f32
      %parallel_loop3A_186 = vector.broadcast %parallel_loop3A_185 : f32 to vector<16xf32>
      %parallel_loop3A_187 = arith.mulf %parallel_loop3A_184, %parallel_loop3A_186 : vector<16xf32>
      %parallel_loop3A_188 = arith.fptosi %parallel_loop3A_187 : vector<16xf32> to vector<16xi32>
      %parallel_loop3A_189 = tpu.vector_load_idx %arg5[%parallel_loop3A_188] : memref<256xf32, #tpu.memory_space<vmem>>[vector<16xi32>], vector<16xf32>,
      %parallel_loop3A_190 = arith.subf %parallel_loop3A_184, %parallel_loop3A_189 : vector<16xf32>
      %parallel_loop3A_191 = arith.mulf %parallel_loop3A_190, %parallel_loop3A_190 : vector<16xf32>
      %parallel_loop3A_192 = arith.addf %parallel_loop3A_191, %parallel_loop3A_184 : vector<16xf32>
      %parallel_loop3A_193 = arith.addf %parallel_loop3A_140, %parallel_loop3A_192 : vector<16xf32>
      %parallel_loop3A_194 = arith.constant 48 : i32
      %parallel_loop3A_195 = arith.addi %parallel_loop3A_151, %parallel_loop3A_194 : i32
      %parallel_loop3A_196 = arith.index_cast %parallel_loop3A_147 : i32 to index
      %parallel_loop3A_197 = arith.index_cast %parallel_loop3A_195 : i32 to index
      %parallel_loop3A_198 = tpu.vector_load %arg7[%parallel_loop3A_196, %parallel_loop3A_197] {strides = array<i32>} : memref<96x512xf32, #tpu.memory_space<vmem>>, vector<16xf32>,
      %parallel_loop3A_199 = arith.constant 2.550000e+02 : f32
      %parallel_loop3A_200 = vector.broadcast %parallel_loop3A_199 : f32 to vector<16xf32>
      %parallel_loop3A_201 = arith.mulf %parallel_loop3A_198, %parallel_loop3A_200 : vector<16xf32>
      %parallel_loop3A_202 = arith.fptosi %parallel_loop3A_201 : vector<16xf32> to vector<16xi32>
      %parallel_loop3A_203 = tpu.vector_load_idx %arg5[%parallel_loop3A_202] : memref<256xf32, #tpu.memory_space<vmem>>[vector<16xi32>], vector<16xf32>,
      %parallel_loop3A_204 = arith.subf %parallel_loop3A_198, %parallel_loop3A_203 : vector<16xf32>
      %parallel_loop3A_205 = arith.mulf %parallel_loop3A_204, %parallel_loop3A_204 : vector<16xf32>
      %parallel_loop3A_206 = arith.addf %parallel_loop3A_205, %parallel_loop3A_198 : vector<16xf32>
      %parallel_loop3A_207 = arith.addf %parallel_loop3A_141, %parallel_loop3A_206 : vector<16xf32>
      %parallel_loop3A_208 = arith.constant 64 : i32
      %parallel_loop3A_209 = arith.addi %parallel_loop3A_151, %parallel_loop3A_208 : i32
      %parallel_loop3A_210 = arith.index_cast %parallel_loop3A_147 : i32 to index
      %parallel_loop3A_211 = arith.index_cast %parallel_loop3A_209 : i32 to index
      %parallel_loop3A_212 = tpu.vector_load %arg7[%parallel_loop3A_210, %parallel_loop3A_211] {strides = array<i32>} : memref<96x512xf32, #tpu.memory_space<vmem>>, vector<16xf32>,
      %parallel_loop3A_213 = arith.constant 2.550000e+02 : f32
      %parallel_loop3A_214 = vector.broadcast %parallel_loop3A_213 : f32 to vector<16xf32>
      %parallel_loop3A_215 = arith.mulf %parallel_loop3A_212, %parallel_loop3A_214 : vector<16xf32>
      %parallel_loop3A_216 = arith.fptosi %parallel_loop3A_215 : vector<16xf32> to vector<16xi32>
      %parallel_loop3A_217 = tpu.vector_load_idx %arg5[%parallel_loop3A_216] : memref<256xf32, #tpu.memory_space<vmem>>[vector<16xi32>], vector<16xf32>,
      %parallel_loop3A_218 = arith.subf %parallel_loop3A_212, %parallel_loop3A_217 : vector<16xf32>
      %parallel_loop3A_219 = arith.mulf %parallel_loop3A_218, %parallel_loop3A_218 : vector<16xf32>
      %parallel_loop3A_220 = arith.addf %parallel_loop3A_219, %parallel_loop3A_212 : vector<16xf32>
      %parallel_loop3A_221 = arith.addf %parallel_loop3A_142, %parallel_loop3A_220 : vector<16xf32>
      %parallel_loop3A_222 = arith.constant 80 : i32
      %parallel_loop3A_223 = arith.addi %parallel_loop3A_151, %parallel_loop3A_222 : i32
      %parallel_loop3A_224 = arith.index_cast %parallel_loop3A_147 : i32 to index
      %parallel_loop3A_225 = arith.index_cast %parallel_loop3A_223 : i32 to index
      %parallel_loop3A_226 = tpu.vector_load %arg7[%parallel_loop3A_224, %parallel_loop3A_225] {strides = array<i32>} : memref<96x512xf32, #tpu.memory_space<vmem>>, vector<16xf32>,
      %parallel_loop3A_227 = arith.constant 2.550000e+02 : f32
      %parallel_loop3A_228 = vector.broadcast %parallel_loop3A_227 : f32 to vector<16xf32>
      %parallel_loop3A_229 = arith.mulf %parallel_loop3A_226, %parallel_loop3A_228 : vector<16xf32>
      %parallel_loop3A_230 = arith.fptosi %parallel_loop3A_229 : vector<16xf32> to vector<16xi32>
      %parallel_loop3A_231 = tpu.vector_load_idx %arg5[%parallel_loop3A_230] : memref<256xf32, #tpu.memory_space<vmem>>[vector<16xi32>], vector<16xf32>,
      %parallel_loop3A_232 = arith.subf %parallel_loop3A_226, %parallel_loop3A_231 : vector<16xf32>
      %parallel_loop3A_233 = arith.mulf %parallel_loop3A_232, %parallel_loop3A_232 : vector<16xf32>
      %parallel_loop3A_234 = arith.addf %parallel_loop3A_233, %parallel_loop3A_226 : vector<16xf32>
      %parallel_loop3A_235 = arith.addf %parallel_loop3A_143, %parallel_loop3A_234 : vector<16xf32>
      %parallel_loop3A_236 = arith.constant 96 : i32
      %parallel_loop3A_237 = arith.addi %parallel_loop3A_151, %parallel_loop3A_236 : i32
      %parallel_loop3A_238 = arith.index_cast %parallel_loop3A_147 : i32 to index
      %parallel_loop3A_239 = arith.index_cast %parallel_loop3A_237 : i32 to index
      %parallel_loop3A_240 = tpu.vector_load %arg7[%parallel_loop3A_238, %parallel_loop3A_239] {strides = array<i32>} : memref<96x512xf32, #tpu.memory_space<vmem>>, vector<16xf32>,
      %parallel_loop3A_241 = arith.constant 2.550000e+02 : f32
      %parallel_loop3A_242 = vector.broadcast %parallel_loop3A_241 : f32 to vector<16xf32>
      %parallel_loop3A_243 = arith.mulf %parallel_loop3A_240, %parallel_loop3A_242 : vector<16xf32>
      %parallel_loop3A_244 = arith.fptosi %parallel_loop3A_243 : vector<16xf32> to vector<16xi32>
      %parallel_loop3A_245 = tpu.vector_load_idx %arg5[%parallel_loop3A_244] : memref<256xf32, #tpu.memory_space<vmem>>[vector<16xi32>], vector<16xf32>,
      %parallel_loop3A_246 = arith.subf %parallel_loop3A_240, %parallel_loop3A_245 : vector<16xf32>
      %parallel_loop3A_247 = arith.mulf %parallel_loop3A_246, %parallel_loop3A_246 : vector<16xf32>
      %parallel_loop3A_248 = arith.addf %parallel_loop3A_247, %parallel_loop3A_240 : vector<16xf32>
      %parallel_loop3A_249 = arith.addf %parallel_loop3A_144, %parallel_loop3A_248 : vector<16xf32>
      %parallel_loop3A_250 = arith.constant 112 : i32
      %parallel_loop3A_251 = arith.addi %parallel_loop3A_151, %parallel_loop3A_250 : i32
      %parallel_loop3A_252 = arith.index_cast %parallel_loop3A_147 : i32 to index
      %parallel_loop3A_253 = arith.index_cast %parallel_loop3A_251 : i32 to index
      %parallel_loop3A_254 = tpu.vector_load %arg7[%parallel_loop3A_252, %parallel_loop3A_253] {strides = array<i32>} : memref<96x512xf32, #tpu.memory_space<vmem>>, vector<16xf32>,
      %parallel_loop3A_255 = arith.constant 2.550000e+02 : f32
      %parallel_loop3A_256 = vector.broadcast %parallel_loop3A_255 : f32 to vector<16xf32>
      %parallel_loop3A_257 = arith.mulf %parallel_loop3A_254, %parallel_loop3A_256 : vector<16xf32>
      %parallel_loop3A_258 = arith.fptosi %parallel_loop3A_257 : vector<16xf32> to vector<16xi32>
      %parallel_loop3A_259 = tpu.vector_load_idx %arg5[%parallel_loop3A_258] : memref<256xf32, #tpu.memory_space<vmem>>[vector<16xi32>], vector<16xf32>,
      %parallel_loop3A_260 = arith.subf %parallel_loop3A_254, %parallel_loop3A_259 : vector<16xf32>
      %parallel_loop3A_261 = arith.mulf %parallel_loop3A_260, %parallel_loop3A_260 : vector<16xf32>
      %parallel_loop3A_262 = arith.addf %parallel_loop3A_261, %parallel_loop3A_254 : vector<16xf32>
      %parallel_loop3A_263 = arith.addf %parallel_loop3A_145, %parallel_loop3A_262 : vector<16xf32>
      scf.yield %parallel_loop3A_165, %parallel_loop3A_179, %parallel_loop3A_193, %parallel_loop3A_207, %parallel_loop3A_221, %parallel_loop3A_235, %parallel_loop3A_249, %parallel_loop3A_263 : vector<16xf32>, vector<16xf32>, vector<16xf32>, vector<16xf32>, vector<16xf32>, vector<16xf32>, vector<16xf32>, vector<16xf32>
    } {sc.loop_unroll_factor = 2 : i64, sc.parallel_access}
    %add3A_105 = arith.constant 672 : i32
    %add3A_106 = arith.addi %mul3A_2, %add3A_105 : i32
    %dma_start3A_107 = arith.constant 0 : i32
    %dma_start3A_108 = tpu.memref_slice %arg2[%add3A_106, %dma_start3A_107] : memref<24576x512xf32, #tpu.memory_space<hbm>> -> memref<96x512xf32, #tpu.memory_space<hbm>>
    %dma_start3A_109 = arith.constant 0 : i32
    %dma_start3A_110 = tpu.memref_slice %arg2[%add3A_106, %dma_start3A_109] : memref<24576x512xf32, #tpu.memory_space<hbm>> -> memref<96x512xf32, #tpu.memory_space<hbm>>
    tpu.enqueue_dma source(%dma_start3A_110 : memref<96x512xf32, #tpu.memory_space<hbm>>) target(%arg7 : memref<96x512xf32, #tpu.memory_space<vmem>>) target_semaphore(%arg10 : memref<!tpu.dma_semaphore, #tpu.memory_space<semaphore_mem>>)
    %dma_wait3A_111 = arith.constant 0 : i32
    %dma_wait3A_112 = tpu.memref_slice %arg2[%add3A_92, %dma_wait3A_111] : memref<24576x512xf32, #tpu.memory_space<hbm>> -> memref<96x512xf32, #tpu.memory_space<hbm>>
    %dma_wait3A_113 = arith.constant 0 : i32
    %dma_wait3A_114 = tpu.memref_slice %arg2[%add3A_92, %dma_wait3A_113] : memref<24576x512xf32, #tpu.memory_space<hbm>> -> memref<96x512xf32, #tpu.memory_space<hbm>>
    tpu.wait_dma2 semaphore(%arg9 : memref<!tpu.dma_semaphore, #tpu.memory_space<semaphore_mem>>) src(%dma_wait3A_114 : memref<96x512xf32, #tpu.memory_space<hbm>>) dst(%arg6 : memref<96x512xf32, #tpu.memory_space<vmem>>)
    %parallel_loop3A_115 = arith.constant 0 : i32
    %parallel_loop3A_116 = arith.constant 384 : i32
    %parallel_loop3A_117 = arith.constant 1 : i32
    %parallel_loop3A_118:8 = scf.for %parallel_loop3A_137 = %parallel_loop3A_115 to %parallel_loop3A_116 step %parallel_loop3A_117 iter_args(%parallel_loop3A_138 = %parallel_loop3A_104#0, %parallel_loop3A_139 = %parallel_loop3A_104#1, %parallel_loop3A_140 = %parallel_loop3A_104#2, %parallel_loop3A_141 = %parallel_loop3A_104#3, %parallel_loop3A_142 = %parallel_loop3A_104#4, %parallel_loop3A_143 = %parallel_loop3A_104#5, %parallel_loop3A_144 = %parallel_loop3A_104#6, %parallel_loop3A_145 = %parallel_loop3A_104#7) -> (vector<16xf32>, vector<16xf32>, vector<16xf32>, vector<16xf32>, vector<16xf32>, vector<16xf32>, vector<16xf32>, vector<16xf32>)  : i32 {
      %parallel_loop3A_146 = arith.constant 2 : i32
      %parallel_loop3A_147 = arith.shrsi %parallel_loop3A_137, %parallel_loop3A_146 : i32
      %parallel_loop3A_148 = arith.constant 3 : i32
      %parallel_loop3A_149 = arith.andi %parallel_loop3A_137, %parallel_loop3A_148 : i32
      %parallel_loop3A_150 = arith.constant 128 : i32
      %parallel_loop3A_151 = arith.muli %parallel_loop3A_149, %parallel_loop3A_150 : i32
      %parallel_loop3A_152 = arith.constant 0 : i32
      %parallel_loop3A_153 = arith.addi %parallel_loop3A_151, %parallel_loop3A_152 : i32
      %parallel_loop3A_154 = arith.index_cast %parallel_loop3A_147 : i32 to index
      %parallel_loop3A_155 = arith.index_cast %parallel_loop3A_153 : i32 to index
      %parallel_loop3A_156 = tpu.vector_load %arg6[%parallel_loop3A_154, %parallel_loop3A_155] {strides = array<i32>} : memref<96x512xf32, #tpu.memory_space<vmem>>, vector<16xf32>,
      %parallel_loop3A_157 = arith.constant 2.550000e+02 : f32
      %parallel_loop3A_158 = vector.broadcast %parallel_loop3A_157 : f32 to vector<16xf32>
      %parallel_loop3A_159 = arith.mulf %parallel_loop3A_156, %parallel_loop3A_158 : vector<16xf32>
      %parallel_loop3A_160 = arith.fptosi %parallel_loop3A_159 : vector<16xf32> to vector<16xi32>
      %parallel_loop3A_161 = tpu.vector_load_idx %arg5[%parallel_loop3A_160] : memref<256xf32, #tpu.memory_space<vmem>>[vector<16xi32>], vector<16xf32>,
      %parallel_loop3A_162 = arith.subf %parallel_loop3A_156, %parallel_loop3A_161 : vector<16xf32>
      %parallel_loop3A_163 = arith.mulf %parallel_loop3A_162, %parallel_loop3A_162 : vector<16xf32>
      %parallel_loop3A_164 = arith.addf %parallel_loop3A_163, %parallel_loop3A_156 : vector<16xf32>
      %parallel_loop3A_165 = arith.addf %parallel_loop3A_138, %parallel_loop3A_164 : vector<16xf32>
      %parallel_loop3A_166 = arith.constant 16 : i32
      %parallel_loop3A_167 = arith.addi %parallel_loop3A_151, %parallel_loop3A_166 : i32
      %parallel_loop3A_168 = arith.index_cast %parallel_loop3A_147 : i32 to index
      %parallel_loop3A_169 = arith.index_cast %parallel_loop3A_167 : i32 to index
      %parallel_loop3A_170 = tpu.vector_load %arg6[%parallel_loop3A_168, %parallel_loop3A_169] {strides = array<i32>} : memref<96x512xf32, #tpu.memory_space<vmem>>, vector<16xf32>,
      %parallel_loop3A_171 = arith.constant 2.550000e+02 : f32
      %parallel_loop3A_172 = vector.broadcast %parallel_loop3A_171 : f32 to vector<16xf32>
      %parallel_loop3A_173 = arith.mulf %parallel_loop3A_170, %parallel_loop3A_172 : vector<16xf32>
      %parallel_loop3A_174 = arith.fptosi %parallel_loop3A_173 : vector<16xf32> to vector<16xi32>
      %parallel_loop3A_175 = tpu.vector_load_idx %arg5[%parallel_loop3A_174] : memref<256xf32, #tpu.memory_space<vmem>>[vector<16xi32>], vector<16xf32>,
      %parallel_loop3A_176 = arith.subf %parallel_loop3A_170, %parallel_loop3A_175 : vector<16xf32>
      %parallel_loop3A_177 = arith.mulf %parallel_loop3A_176, %parallel_loop3A_176 : vector<16xf32>
      %parallel_loop3A_178 = arith.addf %parallel_loop3A_177, %parallel_loop3A_170 : vector<16xf32>
      %parallel_loop3A_179 = arith.addf %parallel_loop3A_139, %parallel_loop3A_178 : vector<16xf32>
      %parallel_loop3A_180 = arith.constant 32 : i32
      %parallel_loop3A_181 = arith.addi %parallel_loop3A_151, %parallel_loop3A_180 : i32
      %parallel_loop3A_182 = arith.index_cast %parallel_loop3A_147 : i32 to index
      %parallel_loop3A_183 = arith.index_cast %parallel_loop3A_181 : i32 to index
      %parallel_loop3A_184 = tpu.vector_load %arg6[%parallel_loop3A_182, %parallel_loop3A_183] {strides = array<i32>} : memref<96x512xf32, #tpu.memory_space<vmem>>, vector<16xf32>,
      %parallel_loop3A_185 = arith.constant 2.550000e+02 : f32
      %parallel_loop3A_186 = vector.broadcast %parallel_loop3A_185 : f32 to vector<16xf32>
      %parallel_loop3A_187 = arith.mulf %parallel_loop3A_184, %parallel_loop3A_186 : vector<16xf32>
      %parallel_loop3A_188 = arith.fptosi %parallel_loop3A_187 : vector<16xf32> to vector<16xi32>
      %parallel_loop3A_189 = tpu.vector_load_idx %arg5[%parallel_loop3A_188] : memref<256xf32, #tpu.memory_space<vmem>>[vector<16xi32>], vector<16xf32>,
      %parallel_loop3A_190 = arith.subf %parallel_loop3A_184, %parallel_loop3A_189 : vector<16xf32>
      %parallel_loop3A_191 = arith.mulf %parallel_loop3A_190, %parallel_loop3A_190 : vector<16xf32>
      %parallel_loop3A_192 = arith.addf %parallel_loop3A_191, %parallel_loop3A_184 : vector<16xf32>
      %parallel_loop3A_193 = arith.addf %parallel_loop3A_140, %parallel_loop3A_192 : vector<16xf32>
      %parallel_loop3A_194 = arith.constant 48 : i32
      %parallel_loop3A_195 = arith.addi %parallel_loop3A_151, %parallel_loop3A_194 : i32
      %parallel_loop3A_196 = arith.index_cast %parallel_loop3A_147 : i32 to index
      %parallel_loop3A_197 = arith.index_cast %parallel_loop3A_195 : i32 to index
      %parallel_loop3A_198 = tpu.vector_load %arg6[%parallel_loop3A_196, %parallel_loop3A_197] {strides = array<i32>} : memref<96x512xf32, #tpu.memory_space<vmem>>, vector<16xf32>,
      %parallel_loop3A_199 = arith.constant 2.550000e+02 : f32
      %parallel_loop3A_200 = vector.broadcast %parallel_loop3A_199 : f32 to vector<16xf32>
      %parallel_loop3A_201 = arith.mulf %parallel_loop3A_198, %parallel_loop3A_200 : vector<16xf32>
      %parallel_loop3A_202 = arith.fptosi %parallel_loop3A_201 : vector<16xf32> to vector<16xi32>
      %parallel_loop3A_203 = tpu.vector_load_idx %arg5[%parallel_loop3A_202] : memref<256xf32, #tpu.memory_space<vmem>>[vector<16xi32>], vector<16xf32>,
      %parallel_loop3A_204 = arith.subf %parallel_loop3A_198, %parallel_loop3A_203 : vector<16xf32>
      %parallel_loop3A_205 = arith.mulf %parallel_loop3A_204, %parallel_loop3A_204 : vector<16xf32>
      %parallel_loop3A_206 = arith.addf %parallel_loop3A_205, %parallel_loop3A_198 : vector<16xf32>
      %parallel_loop3A_207 = arith.addf %parallel_loop3A_141, %parallel_loop3A_206 : vector<16xf32>
      %parallel_loop3A_208 = arith.constant 64 : i32
      %parallel_loop3A_209 = arith.addi %parallel_loop3A_151, %parallel_loop3A_208 : i32
      %parallel_loop3A_210 = arith.index_cast %parallel_loop3A_147 : i32 to index
      %parallel_loop3A_211 = arith.index_cast %parallel_loop3A_209 : i32 to index
      %parallel_loop3A_212 = tpu.vector_load %arg6[%parallel_loop3A_210, %parallel_loop3A_211] {strides = array<i32>} : memref<96x512xf32, #tpu.memory_space<vmem>>, vector<16xf32>,
      %parallel_loop3A_213 = arith.constant 2.550000e+02 : f32
      %parallel_loop3A_214 = vector.broadcast %parallel_loop3A_213 : f32 to vector<16xf32>
      %parallel_loop3A_215 = arith.mulf %parallel_loop3A_212, %parallel_loop3A_214 : vector<16xf32>
      %parallel_loop3A_216 = arith.fptosi %parallel_loop3A_215 : vector<16xf32> to vector<16xi32>
      %parallel_loop3A_217 = tpu.vector_load_idx %arg5[%parallel_loop3A_216] : memref<256xf32, #tpu.memory_space<vmem>>[vector<16xi32>], vector<16xf32>,
      %parallel_loop3A_218 = arith.subf %parallel_loop3A_212, %parallel_loop3A_217 : vector<16xf32>
      %parallel_loop3A_219 = arith.mulf %parallel_loop3A_218, %parallel_loop3A_218 : vector<16xf32>
      %parallel_loop3A_220 = arith.addf %parallel_loop3A_219, %parallel_loop3A_212 : vector<16xf32>
      %parallel_loop3A_221 = arith.addf %parallel_loop3A_142, %parallel_loop3A_220 : vector<16xf32>
      %parallel_loop3A_222 = arith.constant 80 : i32
      %parallel_loop3A_223 = arith.addi %parallel_loop3A_151, %parallel_loop3A_222 : i32
      %parallel_loop3A_224 = arith.index_cast %parallel_loop3A_147 : i32 to index
      %parallel_loop3A_225 = arith.index_cast %parallel_loop3A_223 : i32 to index
      %parallel_loop3A_226 = tpu.vector_load %arg6[%parallel_loop3A_224, %parallel_loop3A_225] {strides = array<i32>} : memref<96x512xf32, #tpu.memory_space<vmem>>, vector<16xf32>,
      %parallel_loop3A_227 = arith.constant 2.550000e+02 : f32
      %parallel_loop3A_228 = vector.broadcast %parallel_loop3A_227 : f32 to vector<16xf32>
      %parallel_loop3A_229 = arith.mulf %parallel_loop3A_226, %parallel_loop3A_228 : vector<16xf32>
      %parallel_loop3A_230 = arith.fptosi %parallel_loop3A_229 : vector<16xf32> to vector<16xi32>
      %parallel_loop3A_231 = tpu.vector_load_idx %arg5[%parallel_loop3A_230] : memref<256xf32, #tpu.memory_space<vmem>>[vector<16xi32>], vector<16xf32>,
      %parallel_loop3A_232 = arith.subf %parallel_loop3A_226, %parallel_loop3A_231 : vector<16xf32>
      %parallel_loop3A_233 = arith.mulf %parallel_loop3A_232, %parallel_loop3A_232 : vector<16xf32>
      %parallel_loop3A_234 = arith.addf %parallel_loop3A_233, %parallel_loop3A_226 : vector<16xf32>
      %parallel_loop3A_235 = arith.addf %parallel_loop3A_143, %parallel_loop3A_234 : vector<16xf32>
      %parallel_loop3A_236 = arith.constant 96 : i32
      %parallel_loop3A_237 = arith.addi %parallel_loop3A_151, %parallel_loop3A_236 : i32
      %parallel_loop3A_238 = arith.index_cast %parallel_loop3A_147 : i32 to index
      %parallel_loop3A_239 = arith.index_cast %parallel_loop3A_237 : i32 to index
      %parallel_loop3A_240 = tpu.vector_load %arg6[%parallel_loop3A_238, %parallel_loop3A_239] {strides = array<i32>} : memref<96x512xf32, #tpu.memory_space<vmem>>, vector<16xf32>,
      %parallel_loop3A_241 = arith.constant 2.550000e+02 : f32
      %parallel_loop3A_242 = vector.broadcast %parallel_loop3A_241 : f32 to vector<16xf32>
      %parallel_loop3A_243 = arith.mulf %parallel_loop3A_240, %parallel_loop3A_242 : vector<16xf32>
      %parallel_loop3A_244 = arith.fptosi %parallel_loop3A_243 : vector<16xf32> to vector<16xi32>
      %parallel_loop3A_245 = tpu.vector_load_idx %arg5[%parallel_loop3A_244] : memref<256xf32, #tpu.memory_space<vmem>>[vector<16xi32>], vector<16xf32>,
      %parallel_loop3A_246 = arith.subf %parallel_loop3A_240, %parallel_loop3A_245 : vector<16xf32>
      %parallel_loop3A_247 = arith.mulf %parallel_loop3A_246, %parallel_loop3A_246 : vector<16xf32>
      %parallel_loop3A_248 = arith.addf %parallel_loop3A_247, %parallel_loop3A_240 : vector<16xf32>
      %parallel_loop3A_249 = arith.addf %parallel_loop3A_144, %parallel_loop3A_248 : vector<16xf32>
      %parallel_loop3A_250 = arith.constant 112 : i32
      %parallel_loop3A_251 = arith.addi %parallel_loop3A_151, %parallel_loop3A_250 : i32
      %parallel_loop3A_252 = arith.index_cast %parallel_loop3A_147 : i32 to index
      %parallel_loop3A_253 = arith.index_cast %parallel_loop3A_251 : i32 to index
      %parallel_loop3A_254 = tpu.vector_load %arg6[%parallel_loop3A_252, %parallel_loop3A_253] {strides = array<i32>} : memref<96x512xf32, #tpu.memory_space<vmem>>, vector<16xf32>,
      %parallel_loop3A_255 = arith.constant 2.550000e+02 : f32
      %parallel_loop3A_256 = vector.broadcast %parallel_loop3A_255 : f32 to vector<16xf32>
      %parallel_loop3A_257 = arith.mulf %parallel_loop3A_254, %parallel_loop3A_256 : vector<16xf32>
      %parallel_loop3A_258 = arith.fptosi %parallel_loop3A_257 : vector<16xf32> to vector<16xi32>
      %parallel_loop3A_259 = tpu.vector_load_idx %arg5[%parallel_loop3A_258] : memref<256xf32, #tpu.memory_space<vmem>>[vector<16xi32>], vector<16xf32>,
      %parallel_loop3A_260 = arith.subf %parallel_loop3A_254, %parallel_loop3A_259 : vector<16xf32>
      %parallel_loop3A_261 = arith.mulf %parallel_loop3A_260, %parallel_loop3A_260 : vector<16xf32>
      %parallel_loop3A_262 = arith.addf %parallel_loop3A_261, %parallel_loop3A_254 : vector<16xf32>
      %parallel_loop3A_263 = arith.addf %parallel_loop3A_145, %parallel_loop3A_262 : vector<16xf32>
      scf.yield %parallel_loop3A_165, %parallel_loop3A_179, %parallel_loop3A_193, %parallel_loop3A_207, %parallel_loop3A_221, %parallel_loop3A_235, %parallel_loop3A_249, %parallel_loop3A_263 : vector<16xf32>, vector<16xf32>, vector<16xf32>, vector<16xf32>, vector<16xf32>, vector<16xf32>, vector<16xf32>, vector<16xf32>
    } {sc.loop_unroll_factor = 2 : i64, sc.parallel_access}
    %dma_wait3A_119 = arith.constant 0 : i32
    %dma_wait3A_120 = tpu.memref_slice %arg2[%add3A_106, %dma_wait3A_119] : memref<24576x512xf32, #tpu.memory_space<hbm>> -> memref<96x512xf32, #tpu.memory_space<hbm>>
    %dma_wait3A_121 = arith.constant 0 : i32
    %dma_wait3A_122 = tpu.memref_slice %arg2[%add3A_106, %dma_wait3A_121] : memref<24576x512xf32, #tpu.memory_space<hbm>> -> memref<96x512xf32, #tpu.memory_space<hbm>>
    tpu.wait_dma2 semaphore(%arg10 : memref<!tpu.dma_semaphore, #tpu.memory_space<semaphore_mem>>) src(%dma_wait3A_122 : memref<96x512xf32, #tpu.memory_space<hbm>>) dst(%arg7 : memref<96x512xf32, #tpu.memory_space<vmem>>)
    %parallel_loop3A_123 = arith.constant 0 : i32
    %parallel_loop3A_124 = arith.constant 384 : i32
    %parallel_loop3A_125 = arith.constant 1 : i32
    %parallel_loop3A_126:8 = scf.for %parallel_loop3A_137 = %parallel_loop3A_123 to %parallel_loop3A_124 step %parallel_loop3A_125 iter_args(%parallel_loop3A_138 = %parallel_loop3A_118#0, %parallel_loop3A_139 = %parallel_loop3A_118#1, %parallel_loop3A_140 = %parallel_loop3A_118#2, %parallel_loop3A_141 = %parallel_loop3A_118#3, %parallel_loop3A_142 = %parallel_loop3A_118#4, %parallel_loop3A_143 = %parallel_loop3A_118#5, %parallel_loop3A_144 = %parallel_loop3A_118#6, %parallel_loop3A_145 = %parallel_loop3A_118#7) -> (vector<16xf32>, vector<16xf32>, vector<16xf32>, vector<16xf32>, vector<16xf32>, vector<16xf32>, vector<16xf32>, vector<16xf32>)  : i32 {
      %parallel_loop3A_146 = arith.constant 2 : i32
      %parallel_loop3A_147 = arith.shrsi %parallel_loop3A_137, %parallel_loop3A_146 : i32
      %parallel_loop3A_148 = arith.constant 3 : i32
      %parallel_loop3A_149 = arith.andi %parallel_loop3A_137, %parallel_loop3A_148 : i32
      %parallel_loop3A_150 = arith.constant 128 : i32
      %parallel_loop3A_151 = arith.muli %parallel_loop3A_149, %parallel_loop3A_150 : i32
      %parallel_loop3A_152 = arith.constant 0 : i32
      %parallel_loop3A_153 = arith.addi %parallel_loop3A_151, %parallel_loop3A_152 : i32
      %parallel_loop3A_154 = arith.index_cast %parallel_loop3A_147 : i32 to index
      %parallel_loop3A_155 = arith.index_cast %parallel_loop3A_153 : i32 to index
      %parallel_loop3A_156 = tpu.vector_load %arg7[%parallel_loop3A_154, %parallel_loop3A_155] {strides = array<i32>} : memref<96x512xf32, #tpu.memory_space<vmem>>, vector<16xf32>,
      %parallel_loop3A_157 = arith.constant 2.550000e+02 : f32
      %parallel_loop3A_158 = vector.broadcast %parallel_loop3A_157 : f32 to vector<16xf32>
      %parallel_loop3A_159 = arith.mulf %parallel_loop3A_156, %parallel_loop3A_158 : vector<16xf32>
      %parallel_loop3A_160 = arith.fptosi %parallel_loop3A_159 : vector<16xf32> to vector<16xi32>
      %parallel_loop3A_161 = tpu.vector_load_idx %arg5[%parallel_loop3A_160] : memref<256xf32, #tpu.memory_space<vmem>>[vector<16xi32>], vector<16xf32>,
      %parallel_loop3A_162 = arith.subf %parallel_loop3A_156, %parallel_loop3A_161 : vector<16xf32>
      %parallel_loop3A_163 = arith.mulf %parallel_loop3A_162, %parallel_loop3A_162 : vector<16xf32>
      %parallel_loop3A_164 = arith.addf %parallel_loop3A_163, %parallel_loop3A_156 : vector<16xf32>
      %parallel_loop3A_165 = arith.addf %parallel_loop3A_138, %parallel_loop3A_164 : vector<16xf32>
      %parallel_loop3A_166 = arith.constant 16 : i32
      %parallel_loop3A_167 = arith.addi %parallel_loop3A_151, %parallel_loop3A_166 : i32
      %parallel_loop3A_168 = arith.index_cast %parallel_loop3A_147 : i32 to index
      %parallel_loop3A_169 = arith.index_cast %parallel_loop3A_167 : i32 to index
      %parallel_loop3A_170 = tpu.vector_load %arg7[%parallel_loop3A_168, %parallel_loop3A_169] {strides = array<i32>} : memref<96x512xf32, #tpu.memory_space<vmem>>, vector<16xf32>,
      %parallel_loop3A_171 = arith.constant 2.550000e+02 : f32
      %parallel_loop3A_172 = vector.broadcast %parallel_loop3A_171 : f32 to vector<16xf32>
      %parallel_loop3A_173 = arith.mulf %parallel_loop3A_170, %parallel_loop3A_172 : vector<16xf32>
      %parallel_loop3A_174 = arith.fptosi %parallel_loop3A_173 : vector<16xf32> to vector<16xi32>
      %parallel_loop3A_175 = tpu.vector_load_idx %arg5[%parallel_loop3A_174] : memref<256xf32, #tpu.memory_space<vmem>>[vector<16xi32>], vector<16xf32>,
      %parallel_loop3A_176 = arith.subf %parallel_loop3A_170, %parallel_loop3A_175 : vector<16xf32>
      %parallel_loop3A_177 = arith.mulf %parallel_loop3A_176, %parallel_loop3A_176 : vector<16xf32>
      %parallel_loop3A_178 = arith.addf %parallel_loop3A_177, %parallel_loop3A_170 : vector<16xf32>
      %parallel_loop3A_179 = arith.addf %parallel_loop3A_139, %parallel_loop3A_178 : vector<16xf32>
      %parallel_loop3A_180 = arith.constant 32 : i32
      %parallel_loop3A_181 = arith.addi %parallel_loop3A_151, %parallel_loop3A_180 : i32
      %parallel_loop3A_182 = arith.index_cast %parallel_loop3A_147 : i32 to index
      %parallel_loop3A_183 = arith.index_cast %parallel_loop3A_181 : i32 to index
      %parallel_loop3A_184 = tpu.vector_load %arg7[%parallel_loop3A_182, %parallel_loop3A_183] {strides = array<i32>} : memref<96x512xf32, #tpu.memory_space<vmem>>, vector<16xf32>,
      %parallel_loop3A_185 = arith.constant 2.550000e+02 : f32
      %parallel_loop3A_186 = vector.broadcast %parallel_loop3A_185 : f32 to vector<16xf32>
      %parallel_loop3A_187 = arith.mulf %parallel_loop3A_184, %parallel_loop3A_186 : vector<16xf32>
      %parallel_loop3A_188 = arith.fptosi %parallel_loop3A_187 : vector<16xf32> to vector<16xi32>
      %parallel_loop3A_189 = tpu.vector_load_idx %arg5[%parallel_loop3A_188] : memref<256xf32, #tpu.memory_space<vmem>>[vector<16xi32>], vector<16xf32>,
      %parallel_loop3A_190 = arith.subf %parallel_loop3A_184, %parallel_loop3A_189 : vector<16xf32>
      %parallel_loop3A_191 = arith.mulf %parallel_loop3A_190, %parallel_loop3A_190 : vector<16xf32>
      %parallel_loop3A_192 = arith.addf %parallel_loop3A_191, %parallel_loop3A_184 : vector<16xf32>
      %parallel_loop3A_193 = arith.addf %parallel_loop3A_140, %parallel_loop3A_192 : vector<16xf32>
      %parallel_loop3A_194 = arith.constant 48 : i32
      %parallel_loop3A_195 = arith.addi %parallel_loop3A_151, %parallel_loop3A_194 : i32
      %parallel_loop3A_196 = arith.index_cast %parallel_loop3A_147 : i32 to index
      %parallel_loop3A_197 = arith.index_cast %parallel_loop3A_195 : i32 to index
      %parallel_loop3A_198 = tpu.vector_load %arg7[%parallel_loop3A_196, %parallel_loop3A_197] {strides = array<i32>} : memref<96x512xf32, #tpu.memory_space<vmem>>, vector<16xf32>,
      %parallel_loop3A_199 = arith.constant 2.550000e+02 : f32
      %parallel_loop3A_200 = vector.broadcast %parallel_loop3A_199 : f32 to vector<16xf32>
      %parallel_loop3A_201 = arith.mulf %parallel_loop3A_198, %parallel_loop3A_200 : vector<16xf32>
      %parallel_loop3A_202 = arith.fptosi %parallel_loop3A_201 : vector<16xf32> to vector<16xi32>
      %parallel_loop3A_203 = tpu.vector_load_idx %arg5[%parallel_loop3A_202] : memref<256xf32, #tpu.memory_space<vmem>>[vector<16xi32>], vector<16xf32>,
      %parallel_loop3A_204 = arith.subf %parallel_loop3A_198, %parallel_loop3A_203 : vector<16xf32>
      %parallel_loop3A_205 = arith.mulf %parallel_loop3A_204, %parallel_loop3A_204 : vector<16xf32>
      %parallel_loop3A_206 = arith.addf %parallel_loop3A_205, %parallel_loop3A_198 : vector<16xf32>
      %parallel_loop3A_207 = arith.addf %parallel_loop3A_141, %parallel_loop3A_206 : vector<16xf32>
      %parallel_loop3A_208 = arith.constant 64 : i32
      %parallel_loop3A_209 = arith.addi %parallel_loop3A_151, %parallel_loop3A_208 : i32
      %parallel_loop3A_210 = arith.index_cast %parallel_loop3A_147 : i32 to index
      %parallel_loop3A_211 = arith.index_cast %parallel_loop3A_209 : i32 to index
      %parallel_loop3A_212 = tpu.vector_load %arg7[%parallel_loop3A_210, %parallel_loop3A_211] {strides = array<i32>} : memref<96x512xf32, #tpu.memory_space<vmem>>, vector<16xf32>,
      %parallel_loop3A_213 = arith.constant 2.550000e+02 : f32
      %parallel_loop3A_214 = vector.broadcast %parallel_loop3A_213 : f32 to vector<16xf32>
      %parallel_loop3A_215 = arith.mulf %parallel_loop3A_212, %parallel_loop3A_214 : vector<16xf32>
      %parallel_loop3A_216 = arith.fptosi %parallel_loop3A_215 : vector<16xf32> to vector<16xi32>
      %parallel_loop3A_217 = tpu.vector_load_idx %arg5[%parallel_loop3A_216] : memref<256xf32, #tpu.memory_space<vmem>>[vector<16xi32>], vector<16xf32>,
      %parallel_loop3A_218 = arith.subf %parallel_loop3A_212, %parallel_loop3A_217 : vector<16xf32>
      %parallel_loop3A_219 = arith.mulf %parallel_loop3A_218, %parallel_loop3A_218 : vector<16xf32>
      %parallel_loop3A_220 = arith.addf %parallel_loop3A_219, %parallel_loop3A_212 : vector<16xf32>
      %parallel_loop3A_221 = arith.addf %parallel_loop3A_142, %parallel_loop3A_220 : vector<16xf32>
      %parallel_loop3A_222 = arith.constant 80 : i32
      %parallel_loop3A_223 = arith.addi %parallel_loop3A_151, %parallel_loop3A_222 : i32
      %parallel_loop3A_224 = arith.index_cast %parallel_loop3A_147 : i32 to index
      %parallel_loop3A_225 = arith.index_cast %parallel_loop3A_223 : i32 to index
      %parallel_loop3A_226 = tpu.vector_load %arg7[%parallel_loop3A_224, %parallel_loop3A_225] {strides = array<i32>} : memref<96x512xf32, #tpu.memory_space<vmem>>, vector<16xf32>,
      %parallel_loop3A_227 = arith.constant 2.550000e+02 : f32
      %parallel_loop3A_228 = vector.broadcast %parallel_loop3A_227 : f32 to vector<16xf32>
      %parallel_loop3A_229 = arith.mulf %parallel_loop3A_226, %parallel_loop3A_228 : vector<16xf32>
      %parallel_loop3A_230 = arith.fptosi %parallel_loop3A_229 : vector<16xf32> to vector<16xi32>
      %parallel_loop3A_231 = tpu.vector_load_idx %arg5[%parallel_loop3A_230] : memref<256xf32, #tpu.memory_space<vmem>>[vector<16xi32>], vector<16xf32>,
      %parallel_loop3A_232 = arith.subf %parallel_loop3A_226, %parallel_loop3A_231 : vector<16xf32>
      %parallel_loop3A_233 = arith.mulf %parallel_loop3A_232, %parallel_loop3A_232 : vector<16xf32>
      %parallel_loop3A_234 = arith.addf %parallel_loop3A_233, %parallel_loop3A_226 : vector<16xf32>
      %parallel_loop3A_235 = arith.addf %parallel_loop3A_143, %parallel_loop3A_234 : vector<16xf32>
      %parallel_loop3A_236 = arith.constant 96 : i32
      %parallel_loop3A_237 = arith.addi %parallel_loop3A_151, %parallel_loop3A_236 : i32
      %parallel_loop3A_238 = arith.index_cast %parallel_loop3A_147 : i32 to index
      %parallel_loop3A_239 = arith.index_cast %parallel_loop3A_237 : i32 to index
      %parallel_loop3A_240 = tpu.vector_load %arg7[%parallel_loop3A_238, %parallel_loop3A_239] {strides = array<i32>} : memref<96x512xf32, #tpu.memory_space<vmem>>, vector<16xf32>,
      %parallel_loop3A_241 = arith.constant 2.550000e+02 : f32
      %parallel_loop3A_242 = vector.broadcast %parallel_loop3A_241 : f32 to vector<16xf32>
      %parallel_loop3A_243 = arith.mulf %parallel_loop3A_240, %parallel_loop3A_242 : vector<16xf32>
      %parallel_loop3A_244 = arith.fptosi %parallel_loop3A_243 : vector<16xf32> to vector<16xi32>
      %parallel_loop3A_245 = tpu.vector_load_idx %arg5[%parallel_loop3A_244] : memref<256xf32, #tpu.memory_space<vmem>>[vector<16xi32>], vector<16xf32>,
      %parallel_loop3A_246 = arith.subf %parallel_loop3A_240, %parallel_loop3A_245 : vector<16xf32>
      %parallel_loop3A_247 = arith.mulf %parallel_loop3A_246, %parallel_loop3A_246 : vector<16xf32>
      %parallel_loop3A_248 = arith.addf %parallel_loop3A_247, %parallel_loop3A_240 : vector<16xf32>
      %parallel_loop3A_249 = arith.addf %parallel_loop3A_144, %parallel_loop3A_248 : vector<16xf32>
      %parallel_loop3A_250 = arith.constant 112 : i32
      %parallel_loop3A_251 = arith.addi %parallel_loop3A_151, %parallel_loop3A_250 : i32
      %parallel_loop3A_252 = arith.index_cast %parallel_loop3A_147 : i32 to index
      %parallel_loop3A_253 = arith.index_cast %parallel_loop3A_251 : i32 to index
      %parallel_loop3A_254 = tpu.vector_load %arg7[%parallel_loop3A_252, %parallel_loop3A_253] {strides = array<i32>} : memref<96x512xf32, #tpu.memory_space<vmem>>, vector<16xf32>,
      %parallel_loop3A_255 = arith.constant 2.550000e+02 : f32
      %parallel_loop3A_256 = vector.broadcast %parallel_loop3A_255 : f32 to vector<16xf32>
      %parallel_loop3A_257 = arith.mulf %parallel_loop3A_254, %parallel_loop3A_256 : vector<16xf32>
      %parallel_loop3A_258 = arith.fptosi %parallel_loop3A_257 : vector<16xf32> to vector<16xi32>
      %parallel_loop3A_259 = tpu.vector_load_idx %arg5[%parallel_loop3A_258] : memref<256xf32, #tpu.memory_space<vmem>>[vector<16xi32>], vector<16xf32>,
      %parallel_loop3A_260 = arith.subf %parallel_loop3A_254, %parallel_loop3A_259 : vector<16xf32>
      %parallel_loop3A_261 = arith.mulf %parallel_loop3A_260, %parallel_loop3A_260 : vector<16xf32>
      %parallel_loop3A_262 = arith.addf %parallel_loop3A_261, %parallel_loop3A_254 : vector<16xf32>
      %parallel_loop3A_263 = arith.addf %parallel_loop3A_145, %parallel_loop3A_262 : vector<16xf32>
      scf.yield %parallel_loop3A_165, %parallel_loop3A_179, %parallel_loop3A_193, %parallel_loop3A_207, %parallel_loop3A_221, %parallel_loop3A_235, %parallel_loop3A_249, %parallel_loop3A_263 : vector<16xf32>, vector<16xf32>, vector<16xf32>, vector<16xf32>, vector<16xf32>, vector<16xf32>, vector<16xf32>, vector<16xf32>
    } {sc.loop_unroll_factor = 2 : i64, sc.parallel_access}
    %add3A_127 = arith.addf %parallel_loop3A_126#0, %parallel_loop3A_126#1 : vector<16xf32>
    %add3A_128 = arith.addf %add3A_127, %parallel_loop3A_126#2 : vector<16xf32>
    %add3A_129 = arith.addf %add3A_128, %parallel_loop3A_126#3 : vector<16xf32>
    %add3A_130 = arith.addf %add3A_129, %parallel_loop3A_126#4 : vector<16xf32>
    %add3A_131 = arith.addf %add3A_130, %parallel_loop3A_126#5 : vector<16xf32>
    %add3A_132 = arith.addf %add3A_131, %parallel_loop3A_126#6 : vector<16xf32>
    %add3A_133 = arith.addf %add3A_132, %parallel_loop3A_126#7 : vector<16xf32>
    %swap3A = arith.constant 0 : index
    %swap3A_134 = tpu.vector_load %arg8[%swap3A] {strides = array<i32>} : memref<16xf32, #tpu.memory_space<vmem>>, vector<16xf32>,
    tpu.vector_store %arg8[%swap3A], %add3A_133 {strides = array<i32>} : memref<16xf32, #tpu.memory_space<vmem>>, vector<16xf32>,
    %mul3A_135 = arith.constant 16 : i32
    %mul3A_136 = arith.muli %add3A, %mul3A_135 : i32
    "tpu.region"() ({
      %run_scoped3A = tpu.sem_alloc : memref<!tpu.dma_semaphore, #tpu.memory_space<semaphore_mem>>
      %dma_start3A_137 = tpu.memref_slice %arg4[%mul3A_136] : memref<512xf32, #tpu.memory_space<hbm>> -> memref<16xf32, #tpu.memory_space<hbm>>
      %dma_start3A_138 = tpu.memref_slice %arg4[%mul3A_136] : memref<512xf32, #tpu.memory_space<hbm>> -> memref<16xf32, #tpu.memory_space<hbm>>
      tpu.enqueue_dma source(%arg8 : memref<16xf32, #tpu.memory_space<vmem>>) target(%dma_start3A_138 : memref<16xf32, #tpu.memory_space<hbm>>) target_semaphore(%run_scoped3A : memref<!tpu.dma_semaphore, #tpu.memory_space<semaphore_mem>>)
      %dma_wait3A_139 = tpu.memref_slice %arg4[%mul3A_136] : memref<512xf32, #tpu.memory_space<hbm>> -> memref<16xf32, #tpu.memory_space<hbm>>
      %dma_wait3A_140 = tpu.memref_slice %arg4[%mul3A_136] : memref<512xf32, #tpu.memory_space<hbm>> -> memref<16xf32, #tpu.memory_space<hbm>>
      tpu.wait_dma2 semaphore(%run_scoped3A : memref<!tpu.dma_semaphore, #tpu.memory_space<semaphore_mem>>) src(%arg8 : memref<16xf32, #tpu.memory_space<vmem>>) dst(%dma_wait3A_140 : memref<16xf32, #tpu.memory_space<hbm>>)
      tpu.yield
    }) : () -> ()
    return
  }
}

</mosaic_0001>

<sc_bundles>
// kernel: kernel.3.cloned.1.call-start
scs
__scs_entry_jumppad:
0x0: {  	(pc) =	sbr.rel $0x88, $3  }
0x1: {  	(tag) =	ssettag $0x0;
	lr =	simm.s32 $0x1  }
0x2: {  	[smem:$0x3F9F] =	sst lr;
	_ =	strace $0xD0000000  }
0x3: {  	_ = 	snop  }
0x4: {  	_ = 	snop  }
0x5: {  	_ = 	snop  }
0x6: {  	_ = 	snop  }
0x7: {  	_ = 	snop  }
__scs_overlays_trampoline_lowered:
0x8: {  	[smem:$0x3FAE] =	sst s0  }
0x9: {  	[smem:$0x3FAF] =	sst s1  }
0xa: {  	[smem:$0x3FB0] =	sst s2  }
0xb: {  	[smem:$0x3FB1] =	sst s3  }
0xc: {  	[smem:$0x3FB2] =	sst s4  }
0xd: {  	[smem:$0x3FB3] =	sst s5  }
0xe: {  	[smem:$0x3FB4] =	sst s6  }
0xf: {  	[smem:$0x3FB5] =	sst s7  }
0x10: {  	[smem:$0x3FB6] =	sst s8  }
0x11: {  	[smem:$0x3FB7] =	sst s9;
	s0 =	simm.s32 @!p0 $0x0  }
0x12: {  	s1 =	sld [smem:$0x3F9D];
	s0 =	simm.s32 @p0 $0x1  }
0x13: {  	[smem:$0x3FB8] =	sst s0;
	s0 =	simm.s32 @!p1 $0x0  }
0x14: {  	s2 =	sld [smem:$0x3F9C];
	s0 =	simm.s32 @p1 $0x1  }
0x15: {  	[smem:$0x3FB9] =	sst s0;
	s0 =	simm.s32 @!p2 $0x0  }
0x16: {  	s3 =	sld [smem:$0x3FDB];
	s0 =	simm.s32 @p2 $0x1  }
0x17: {  	s4 =	simm.s32 $0x1BF5;
	[smem:$0x3FBB] =	sst s0  }
0x18: {  	s0 =	sld [smem:$0x3F9E];
	_ =	swait.ge [sflag:s4], $0x0  }
0x19: {  	s7 =	sld [smem:$0x3F9F]  }
0x1a: {  	s8 =	sadd.s32 $0xFFFFE003, lr  }
0x1b: {  	s9 =	sadd.s32 $0xFFFFFEF7, lr;
	s5 =	simm.s32 $0xFFFFFFFF;
	p2 =	slt.u32 s8, $0xFFFFF086  }
0x1c: {  	p1 =	slt.u32 s9, $0xF7A;
	s5 =	simm.s32 @!p2 $0x0  }
0x1d: {  	s5 =	simm.s32 @p1 $0x1;
	p0 =	seq.s32 s7, s2  }
0x1e: {  	s7 =	smul.u32 @!p0 $0xF7A, s2;
	p2 =	seq.s32 @!p0 s5, $0x0  }
0x1f: {  	s9 =	smul.u32 $0xF7A, s1;
	s8 =	simm.s32 @!p0 $0x1BF5;
	p2 =	por !p2, p0  }
0x20: {  	[sflag:s8] =	ssyncset.s32 @!p0 $0xFFFFF086;
	s6 =	sadd.s32 @!p0 s3, s7;
	s7 =	simm.s32 @!p0 $0x108  }
0x21: {  	s3 =	sadd.s32 s3, s9;
	s6 =	sadd.s32 @!p0 $0x88, s6;
	s7 =	simm.s32 @p2 $0x1082  }
0x22: {  	[simem:s7], [sflag:s8] =	dma.local @!p0 [hbm:s6], $0xF7A  }
0x23: {  	s9 =	sor.u32 $0xD0000000, s2;
	s6 =	simm.s32 $0x108;
	_ =	swait.ge @!p0 [sflag:s8], $0x0  }
0x24: {  	s3 =	sadd.s32 $0x88, s3;
	s6 =	simm.s32 @!p1 $0x1082;
	[sflag:s4] =	ssyncset.s32 $0xFFFFF086  }
0x25: {  	[simem:s6], [sflag:s4] =	dma.local [hbm:s3], $0xF7A  }
0x26: {  	[smem:$0x3F9F] =	sst s1;
	(tag) =	ssettag s2;
	_ =	strace s9  }
0x27: {  	s1 =	sld [smem:$0x3FAF]  }
0x28: {  	s2 =	sld [smem:$0x3FB0]  }
0x29: {  	s4 =	sld [smem:$0x3FB2]  }
0x2a: {  	p0 =	seq.s32 s5, $0x0;
	s5 =	sld [smem:$0x3FB3]  }
0x2b: {  	s6 =	sld [smem:$0x3FB4]  }
0x2c: {  	s7 =	sld [smem:$0x3FB5]  }
0x2d: {  	s3 =	simm.s32 $0x108;
	s8 =	sld [smem:$0x3FB6]  }
0x2e: {  	s3 =	simm.s32 @!p0 $0x1082;
	s9 =	sld [smem:$0x3FB7]  }
0x2f: {  	lr =	sadd.s32 s0, s3;
	s0 =	sld [smem:$0x3FAE]  }
0x30: {  	s3 =	sld [smem:$0x3FB1]  }
0x31: {  	[smem:$0x3FBA] =	sst s10  }
0x32: {  	s10 =	sld [smem:$0x3FB8];
	_ =	sdelay $0x3  }
0x33: {  	p0 =	seq.s32 s10, $0x1;
	s10 =	sld [smem:$0x3FBA];
	_ =	sdelay $0x3  }
0x34: {  	[smem:$0x3FBA] =	sst s10  }
0x35: {  	s10 =	sld [smem:$0x3FB9];
	_ =	sdelay $0x3  }
0x36: {  	p1 =	seq.s32 s10, $0x1;
	s10 =	sld [smem:$0x3FBA];
	_ =	sdelay $0x3  }
0x37: {  	[smem:$0x3FBA] =	sst s10  }
0x38: {  	s10 =	sld [smem:$0x3FBB]  }
0x39: {  	_ = 	snop;
	(pc) =	sbr.ind lr, $3  }
0x3a: {  	_ = 	snop  }
0x3b: {  	_ = 	snop  }
0x3c: {  	p2 =	seq.s32 s10, $0x1;
	s10 =	sld [smem:$0x3FBA]  }
0x3d: {  	_ =	shalt  }
0x3e: {  	_ =	shalt  }
0x3f: {  	_ =	shalt  }
0x40: {  	_ =	shalt  }
0x41: {  	_ =	shalt  }
0x42: {  	_ =	shalt  }
0x43: {  	_ =	shalt  }
0x44: {  	_ =	shalt  }
0x45: {  	_ =	shalt  }
0x46: {  	_ =	shalt  }
0x47: {  	_ =	shalt  }
0x48: {  	_ =	shalt  }
0x49: {  	_ =	shalt  }
0x4a: {  	_ =	shalt  }
0x4b: {  	_ =	shalt  }
0x4c: {  	_ =	shalt  }
0x4d: {  	_ =	shalt  }
0x4e: {  	_ =	shalt  }
0x4f: {  	_ =	shalt  }
0x50: {  	_ =	shalt  }
0x51: {  	_ =	shalt  }
0x52: {  	_ =	shalt  }
0x53: {  	_ =	shalt  }
0x54: {  	_ =	shalt  }
0x55: {  	_ =	shalt  }
0x56: {  	_ =	shalt  }
0x57: {  	_ =	shalt  }
0x58: {  	_ =	shalt  }
0x59: {  	_ =	shalt  }
0x5a: {  	_ =	shalt  }
0x5b: {  	_ =	shalt  }
0x5c: {  	_ =	shalt  }
0x5d: {  	_ =	shalt  }
0x5e: {  	_ =	shalt  }
0x5f: {  	_ =	shalt  }
0x60: {  	_ =	shalt  }
0x61: {  	_ =	shalt  }
0x62: {  	_ =	shalt  }
0x63: {  	_ =	shalt  }
0x64: {  	_ =	shalt  }
0x65: {  	_ =	shalt  }
0x66: {  	_ =	shalt  }
0x67: {  	_ =	shalt  }
0x68: {  	_ =	shalt  }
0x69: {  	_ =	shalt  }
0x6a: {  	_ =	shalt  }
0x6b: {  	_ =	shalt  }
0x6c: {  	_ =	shalt  }
0x6d: {  	_ =	shalt  }
0x6e: {  	_ =	shalt  }
0x6f: {  	_ =	shalt  }
0x70: {  	_ =	shalt  }
0x71: {  	_ =	shalt  }
0x72: {  	_ =	shalt  }
0x73: {  	_ =	shalt  }
0x74: {  	_ =	shalt  }
0x75: {  	_ =	shalt  }
0x76: {  	_ =	shalt  }
0x77: {  	_ =	shalt  }
0x78: {  	_ =	shalt  }
0x79: {  	_ =	shalt  }
0x7a: {  	_ =	shalt  }
0x7b: {  	_ =	shalt  }
0x7c: {  	_ =	shalt  }
0x7d: {  	_ =	shalt  }
0x7e: {  	_ =	shalt  }
0x7f: {  	_ =	shalt  }
0x80: {  	_ =	shalt  }
0x81: {  	_ =	shalt  }
0x82: {  	_ =	shalt  }
0x83: {  	_ =	shalt  }
0x84: {  	_ =	shalt  }
0x85: {  	_ =	shalt  }
0x86: {  	_ =	shalt  }
0x87: {  	_ =	shalt  }
.Lfunc_end0:
.L_simem_size_0:
called_computation_lowered:
.L_overlay_start_0:
0x88: {  	s2 =	sld [smem:$0x3FD9]  }
0x89: {  	s3 =	sld [smem:$0x3FFE];
	_ =	sdelay $0x1  }
0x8a: {  	s1 =	srdreg.scid  }
0x8b: {  	s0 =	sand.u32 $0x1, s1  }
0x8c: {  	s17 =	sshll.u32 s0, $0xA;
	s2 =	sadd.s32 s3, s2  }
0x8d: {  	s2 =	sadd.s32 s2, s17  }
0x8e: {  	[smem:$0x3FC6] =	sst s2  }
0x8f: {  	_ = 	snop  }
0x90: {  	s2 =	sld [smem:$0x3FC9]  }
0x91: {  	s18 =	sld [smem:$0x3FC8];
	(tm) =	ssettm $0x1  }
0x92: {  	s4 =	sld [smem:$0x3FFB];
	_ =	sdelay $0x3  }
0x93: {  	_ =	strace s4  }
0x94: {  	s4 =	sld [smem:$0x3FFC];
	_ =	sdelay $0x3  }
0x95: {  	_ =	strace s4  }
0x96: {  	s4 =	sld [smem:$0x3FFD];
	_ =	sdelay $0x3  }
0x97: {  	_ =	strace s4  }
0x98: {  	_ =	strace $0x8FFFFFFF  }
0x99: {  	s19 =	sld [smem:$0x3FDB];
	_ =	sdelay $0x1  }
0x9a: {  	s5 =	simm.s32 $_scs_section_size  }
0x9b: {  	s6 =	simm.s32 $_size__tile_overlayer_lowered;
	s7 =	simm.s32 $_tile_overlayer_lowered  }
0x9c: {  	s22 =	simm.s32 $0x1BFF;
	s21 =	sshll.u32 s7, $0x1;
	s4 =	sadd.s32 s5, s19  }
0x9d: {  	s8 =	simm.s32 $0x0;
	s20 =	sshll.u32 s6, $0x1;
	s6 =	sadd.s32 s21, s4  }
0x9e: {  	[timem:s8], [sflag:s22] =	dma.local [hbm:s6], s20  }
0x9f: {  	_ =	swait.ge [sflag:s22], s20  }
0xa0: {  	s5 =	ssub.s32 $0x0, s20;
	[sflag:s22] =	ssyncset.done $0x0  }
0xa1: {  	[sflag:s22] =	ssyncadd.s32 s5;
	_ =	sdelay $0x1  }
0xa2: {  	s23 =	simm.s32 $0x1B8B  }
0xa3: {  	_ =	swait.ge [sflag:s23], $0x1  }
0xa4: {  	[sflag:s23] =	ssyncset.done $0x0  }
0xa5: {  	s25 =	simm.s32 $0x1B8E;
	s24 =	sld [smem:$0x3FFE];
	[sflag:s23] =	ssyncadd.s32 $0xFFFFFFFF  }
0xa6: {  	s26 =	simm.s32 $execute0_lowered;
	[smem:$0x3FD2] =	sst s25  }
0xa7: {  	s6 =	sshll.u32 s26, $0x1;
	_ =	strace $0x80000046;
	[dreg:$0x1] =	wrdreg $0xFFFFFFFF  }
0xa8: {  	s28 =	simm.s32 $_size_execute0_lowered;
	s4 =	sadd.s32 s4, s6;
	[dreg:$0x0] =	wrdreg $0x0  }
0xa9: {  	s6 =	sshll.u32 s28, $0x1;
	[dreg:$0x2] =	wrdreg s4  }
0xaa: {  	[dreg:$0x3] =	wrdreg s6  }
0xab: {  	[dreg:$0x4] =	wrdreg $0xC0  }
0xac: {  	_ =	task [dreg:s8], $0x5FFFF  }
0xad: {  	[dreg:$0x1] =	wrdreg $0xFFFFFFFF  }
0xae: {  	[dreg:$0x0] =	wrdreg $0x60  }
0xaf: {  	[dreg:$0x2] =	wrdreg s2  }
0xb0: {  	[dreg:$0x3] =	wrdreg s18  }
0xb1: {  	[dreg:$0x4] =	wrdreg s24  }
0xb2: {  	[dreg:$0x5] =	wrdreg $0x9  }
0xb3: {  	_ =	task.clear_ibuf [dreg:s8], $0x6FFFF;
	_ =	strace $0x90000046  }
0xb4: {  	s29 =	simm.s32 $0x9;
	_ =	strace $0x80000048  }
0xb5: {  	_ =	swait.ge [sflag:s29], $0x1  }
0xb6: {  	[sflag:s29] =	ssyncadd.s32 $0xFFFFFFFF  }
0xb7: {  	_ =	strace $0x90000048  }
0xb8: {  	_ =	sfence  }
0xb9: {  	s30 =	sld [smem:$0x0];
	_ =	sdelay $0x2  }
0xba: {  	s31 =	sshll.u32 s1, $0xD;
	s1 =	sshrl.u32 s1, $0x2  }
0xbb: {  	s3 =	sand.u32 $0x4000, s31;
	s1 =	sadd.s32 s1, s30  }
0xbc: {  	s0 =	sor.u32 s3, s0;
	s1 =	sshll.u32 s1, $0x11  }
0xbd: {  	s0 =	sor.u32 s1, s0  }
0xbe: {  	s0 =	sadd.s32 $0x8F2B, s0  }
0xbf: {  	[sflag:s0] =	ssyncadd.remote.s32 $0x1  }
0xc0: {  	_ =	sfence.sel $0xFFFF  }
0xc1: {  	[dreg:$0x0] =	wrdreg $0xFFFFFFFF;
	(pc) =	sbr.abs _section_cstart, $3  }
0xc2: {  	[dreg:$0x1] =	wrdreg $0xFFFFFFFF  }
0xc3: {  	_ =	task.clear_ibuf [dreg:s8], $0x2FFFF;
	_ =	strace $0x9FFFFFFF  }
0xc4: {  	(tm) =	ssettm $0x7FFFFFFF  }
0xc5: {  	_ =	shalt  }
tec
execute0_lowered:
.L_overlay_start_1:
0x0: {  	(tag) =	ssettag $0x1  }
0x1: {  	s7 =	rddreg [dreg:$0x0];
	s1 =	srdreg.scid  }
0x2: {  	s0 =	stileid.u32;
	s2 =	rddreg [dreg:$0x1]  }
0x3: {  	s12 =	rddreg [dreg:$0x2];
	s3 =	simm.s32 $0x0;
	s15 =	simm.s32 $0x100  }
0x4: {  	s16 =	simm.s32 $0xC100;
	s17 =	simm.s32 $0x1;
	s18 =	simm.s32 $0x2  }
0x5: {  	s19 =	simm.s32 $0x18100;
	s4 =	sand.u32 $0x1, s1;
	s30 =	sshll.u32 s0, $0x1  }
0x6: {  	s20 =	simm.s32 $0x0;
	s1 =	rddreg [dreg:$0x3];
	s13 =	sor.u32 s4, s30  }
0x7: {  	[smem:$0x7FF] =	sst s3;
	s4 =	ssub.s32 $0x2, s4;
	s5 =	smul.u32 $0xC000, s13  }
0x8: {  	s6 =	smul.u32 $0x60000, s13;
	s8 =	sshrl.u32 s4, $0x1;
	s13 =	sshll.u32 s13, $0x1  }
0x9: {  	_ =	strace $0x80000047;
	s14 =	ssub.s32 s4, s8;
	s12 =	sadd.s32 s12, s13  }
0xa: {  	s4 =	sadd.s32 s7, s5;
	s31 =	sshrl.u32 s6, $0x3;
	s13 =	smax.u32 s14, $0x1  }
0xb: {  	s14 =	simm.s32 $0x3;
	s5 =	sadd.s32 $0x1800, s4;
	s11 =	sadd.s32 s7, s31  }
0xc: {  	s6 =	sadd.s32 $0x3000, s4;
	s7 =	sadd.s32 $0x4800, s11;
	s8 =	sadd.s32 $0x6000, s11  }
0xd: {  	s9 =	sadd.s32 $0x7800, s11;
	s10 =	sadd.s32 $0x9000, s11;
	s11 =	sadd.s32 $0xA800, s11  }
.LBB2_1:
0xe: {  	[tilespmem:s3], [sflag:$0x3] =	stream.linear.gather [hbm4b:s2+s3], $0x100, $0x38;
	[tilespmem:$0x18180] =	vst v63  }
0xf: {  	_ =	swait.ge [sflag:s14], $0x100  }
0x10: {  	[sflag:s14] =	ssyncset.done $0x0  }
0x11: {  	[sflag:s14] =	ssyncadd.s32 $0xFFFFFF00  }
0x12: {  	[tilespmem:s15], [sflag:$0x1] =	stream.linear.gather [hbm4b:s4+s3], $0xC000, $0x38;
	[tilespmem:$0x18180] =	vst v63  }
0x13: {  	s21 =	sand.u32 $0x2000, s3;
	s22 =	simm.s32 $0x0;
	s23 =	simm.s32 $0x0  }
0x14: {  	[tilespmem:s16], [sflag:$0x2] =	stream.linear.gather [hbm4b:s5+s3], $0xC000, $0x38;
	[tilespmem:$0x18180] =	vst v63  }
0x15: {  	s22 =	sand.u32 $0xF000, s22;
	s21 =	sshrl.u32 s21, $0x2;
	_ =	swait.ge [sflag:s17], $0xC000  }
0x16: {  	s23 =	sand.u32 $0x380, s23;
	s21 =	sor.u32 s21, s22;
	[sflag:s17] =	ssyncset.done $0x0  }
0x17: {  	s22 =	sor.u32 s21, s23;
	[sflag:s17] =	ssyncadd.s32 $0xFFFF4000  }
0x18: {  	v1 =	vld [tilespmem:s22+$0x550]  }
0x19: {  	v5 =	vld [tilespmem:s22+$0x150]  }
0x1a: {  	v15 =	vld [tilespmem:s22+$0x560]  }
0x1b: {  	v17 =	vld [tilespmem:s22+$0x520]  }
0x1c: {  	v16 =	vld [tilespmem:s22+$0x100]  }
0x1d: {  	v23 =	vld [tilespmem:s22+$0x530]  }
0x1e: {  	v21 =	vld [tilespmem:s22+$0x160];
	_ =	sdelay $0x1  }
0x1f: {  	v0 =	vmul.f32 $2.550000000e+02, v1  }
0x20: {  	v3 =	vmul.f32 $2.550000000e+02, v15;
	v7 =	vmul.f32 $2.550000000e+02, v17  }
0x21: {  	v2 =	vld [tilespmem:s22+$0x510];
	v8 =	vmul.f32 $2.550000000e+02, v5;
	v12 =	vmul.f32 $2.550000000e+02, v16  }
0x22: {  	v14 =	vmul.f32 $2.550000000e+02, v23;
	v18 =	vmul.f32 $2.550000000e+02, v21  }
0x23: {  	v0 =	vtrunc.f32 v0;
	v3 =	vtrunc.f32 v3  }
0x24: {  	v6 =	vld [tilespmem:s22+$0x130];
	v7 =	vtrunc.f32 v7;
	v20 =	vtrunc.f32 v18  }
0x25: {  	v22 =	vld [tilespmem:s22+$0x540];
	v14 =	vtrunc.f32 v14;
	v4 =	vcvt.f32.s32 v0  }
0x26: {  	v29 =	vld [tilespmem:s22+$0x140];
	v0 =	vmul.f32 $2.550000000e+02, v2;
	v11 =	vcvt.f32.s32 v3  }
0x27: {  	v7 =	vcvt.f32.s32 v7;
	v3 =	vld [tilespmem:s22+$0x120];
	v14 =	vcvt.f32.s32 v14  }
0x28: {  	v25 =	vcvt.f32.s32 v20;
	v20 =	vld [tilespmem:s22+$0x570];
	v0 =	vtrunc.f32 v0  }
0x29: {  	v18 =	vld [tilespmem:s22+$0x170];
	v9 =	vcvt.f32.s32 v0;
	v0 =	vtrunc.f32 v8  }
0x2a: {  	v8 =	vmul.f32 $2.550000000e+02, v6;
	v10 =	vcvt.f32.s32 v0;
	v0 =	vld [tilespmem:s22+$0x110]  }
0x2b: {  	v12 =	vtrunc.f32 v12;
	v13 =	vld.idx.msk [tilespmem:v4+s3+$0x0], $0xffff  }
0x2c: {  	v8 =	vtrunc.f32 v8;
	v24 =	vmul.f32 $2.550000000e+02, v3;
	v4 =	vld [tilespmem:s22+$0x500]  }
0x2d: {  	v34 =	vmul.f32 $2.550000000e+02, v20;
	v8 =	vcvt.f32.s32 v8;
	v7 =	vld.idx.msk [tilespmem:v7+s3+$0x0], $0xffff  }
0x2e: {  	v12 =	vcvt.f32.s32 v12;
	v25 =	vld.idx.msk [tilespmem:v25+s3+$0x0], $0xffff;
	v24 =	vtrunc.f32 v24  }
0x2f: {  	v34 =	vtrunc.f32 v34;
	v35 =	vcvt.f32.s32 v24;
	v9 =	vld.idx.msk [tilespmem:v9+s3+$0x0], $0xffff  }
0x30: {  	v31 =	vld.idx.msk [tilespmem:v14+s3+$0x0], $0xffff;
	v34 =	vcvt.f32.s32 v34  }
0x31: {  	v19 =	vmul.f32 $2.550000000e+02, v22;
	v10 =	vld.idx.msk [tilespmem:v10+s3+$0x0], $0xffff;
	v27 =	vmul.f32 $2.550000000e+02, v4  }
0x32: {  	s21 =	simm.s32 $0x2000;
	v30 =	vld.idx.msk [tilespmem:v11+s3+$0x0], $0xffff;
	v26 =	vmul.f32 $2.550000000e+02, v0;
	v13 =	vsub.f32 v1, v13;
	v7 =	vsub.f32 v17, v7  }
0x33: {  	s31 =	simm.s32 $0x100;
	s30 =	sand.u32 $0x2000, s21;
	v25 =	vsub.f32 v21, v25;
	v28 =	vld.idx.msk [tilespmem:v8+s3+$0x0], $0xffff;
	v8 =	vtrunc.f32 v19;
	v19 =	vtrunc.f32 v27  }
0x34: {  	s24 =	simm.s32 $0x40;
	s23 =	sand.u32 $0xF000, s31;
	s22 =	sshrl.u32 s30, $0x2;
	v12 =	vld.idx.msk [tilespmem:v12+s3+$0x0], $0xffff;
	v27 =	vcvt.f32.s32 v8;
	v11 =	vmul.f32 v13, v13;
	v8 =	vsub.f32 v2, v9  }
0x35: {  	s24 =	sand.u32 $0x380, s24;
	s22 =	sor.u32 s22, s23;
	v36 =	vsub.f32 v23, v31;
	v13 =	vmul.f32 $2.550000000e+02, v29;
	v9 =	vmul.f32 $2.550000000e+02, v18;
	v35 =	vld.idx.msk [tilespmem:v35+s3+$0x0], $0xffff  }
0x36: {  	s22 =	sor.u32 s22, s24;
	v19 =	vcvt.f32.s32 v19;
	v34 =	vld.idx.msk [tilespmem:v34+s3+$0x0], $0xffff;
	v32 =	vsub.f32 v5, v10;
	v14 =	vmul.f32 v8, v8  }
0x37: {  	v1 =	vadd.f32 v11, v1;
	v11 =	vld [tilespmem:s22+$0x150];
	v8 =	vtrunc.f32 v9;
	v9 =	vtrunc.f32 v13  }
0x38: {  	v33 =	vcvt.f32.s32 v8;
	v8 =	vld [tilespmem:s22+$0x550];
	v13 =	vsub.f32 v6, v28;
	v28 =	vmul.f32 v32, v32  }
0x39: {  	v30 =	vsub.f32 v15, v30;
	v58 =	vcvt.f32.s32 v9;
	v9 =	vadd.f32 v14, v2;
	v2 =	vld [tilespmem:s22+$0x560]  }
0x3a: {  	v49 =	vmul.f32 v36, v36;
	v27 =	vld.idx.msk [tilespmem:v27+s3+$0x0], $0xffff;
	v13 =	vmul.f32 v13, v13;
	v14 =	vadd.f32 v28, v5  }
0x3b: {  	v10 =	vimm.f32 $0.0e+00;
	v28 =	vmul.f32 v7, v7;
	v5 =	vld [tilespmem:s22+$0x520];
	v7 =	vtrunc.f32 v26  }
0x3c: {  	v31 =	vcvt.f32.s32 v7;
	v39 =	vld.idx.msk [tilespmem:v19+s3+$0x0], $0xffff;
	v24 =	vadd.f32 v14, v10;
	v7 =	vadd.f32 v13, v6  }
0x3d: {  	v14 =	vld [tilespmem:s22+$0x510];
	v19 =	vadd.f32 v28, v17;
	v17 =	vmul.f32 v30, v30;
	v26 =	vmul.f32 $2.550000000e+02, v8  }
0x3e: {  	v6 =	vld [tilespmem:s22+$0x100];
	v13 =	vadd.f32 v1, v24;
	v1 =	vmul.f32 v25, v25;
	v25 =	vsub.f32 v16, v12  }
0x3f: {  	v12 =	vld [tilespmem:s22+$0x130];
	v41 =	vadd.f32 v17, v15;
	v15 =	vmul.f32 $2.550000000e+02, v11;
	v24 =	vtrunc.f32 v26  }
0x40: {  	v32 =	vld.idx.msk [tilespmem:v58+s3+$0x0], $0xffff;
	v26 =	vmul.f32 $2.550000000e+02, v2;
	v27 =	vsub.f32 v22, v27;
	v38 =	vmul.f32 $2.550000000e+02, v5  }
0x41: {  	v48 =	vsub.f32 v3, v35;
	v33 =	vld.idx.msk [tilespmem:v33+s3+$0x0], $0xffff;
	v37 =	vcvt.f32.s32 v24;
	v25 =	vmul.f32 v25, v25  }
0x42: {  	v17 =	vld [tilespmem:s22+$0x160];
	v24 =	vadd.f32 v7, v10;
	v26 =	vtrunc.f32 v26;
	v27 =	vmul.f32 v27, v27  }
0x43: {  	v7 =	vld [tilespmem:s22+$0x540];
	v21 =	vadd.f32 v1, v21;
	v38 =	vtrunc.f32 v38;
	v59 =	vmul.f32 $2.550000000e+02, v14  }
0x44: {  	v34 =	vsub.f32 v20, v34;
	v1 =	vld [tilespmem:s22+$0x530];
	v42 =	vmul.f32 $2.550000000e+02, v6;
	v28 =	vcvt.f32.s32 v26  }
0x45: {  	v26 =	vcvt.f32.s32 v38;
	v16 =	vadd.f32 v25, v16;
	v21 =	vadd.f32 v21, v10  }
0x46: {  	v30 =	vmul.f32 $2.550000000e+02, v12;
	v25 =	vadd.f32 v27, v22;
	v22 =	vtrunc.f32 v59  }
0x47: {  	v40 =	vld.idx.msk [tilespmem:v31+s3+$0x0], $0xffff;
	v33 =	vsub.f32 v18, v33;
	v60 =	vmul.f32 $2.550000000e+02, v17;
	v44 =	vcvt.f32.s32 v22  }
0x48: {  	v27 =	vadd.f32 v16, v10;
	v16 =	vtrunc.f32 v15;
	v31 =	vmul.f32 $2.550000000e+02, v7  }
0x49: {  	v32 =	vsub.f32 v29, v32;
	v15 =	vld [tilespmem:s22+$0x110];
	v45 =	vmul.f32 $2.550000000e+02, v1;
	v46 =	vcvt.f32.s32 v16  }
0x4a: {  	v38 =	vsub.f32 v4, v39;
	v22 =	vld [tilespmem:s22+$0x120];
	v33 =	vmul.f32 v33, v33;
	v30 =	vtrunc.f32 v30  }
0x4b: {  	v16 =	vadd.f32 v41, v21;
	v32 =	vmul.f32 v32, v32;
	v21 =	vld [tilespmem:s22+$0x500];
	v61 =	vtrunc.f32 v60  }
0x4c: {  	v37 =	vld.idx.msk [tilespmem:v37+s3+$0x0], $0xffff;
	v47 =	vsub.f32 v0, v40;
	v40 =	vtrunc.f32 v42;
	v43 =	vcvt.f32.s32 v30  }
0x4d: {  	v30 =	vmul.f32 v34, v34;
	v36 =	vcvt.f32.s32 v61;
	v29 =	vadd.f32 v32, v29  }
0x4e: {  	v18 =	vadd.f32 v33, v18;
	v62 =	vtrunc.f32 v45;
	v45 =	vadd.f32 v49, v23  }
0x4f: {  	v35 =	vmul.f32 v47, v47;
	v42 =	vcvt.f32.s32 v62;
	v30 =	vadd.f32 v30, v20;
	v41 =	vld.idx.msk [tilespmem:v44+s3+$0x0], $0xffff  }
0x50: {  	v32 =	vadd.f32 v29, v10;
	v63 =	vmul.f32 $2.550000000e+02, v22;
	v29 =	vadd.f32 v18, v10;
	v18 =	vld [tilespmem:s22+$0x170]  }
0x51: {  	v33 =	vmul.f32 $2.550000000e+02, v15;
	v39 =	vsub.f32 v8, v37;
	v37 =	vld.idx.msk [tilespmem:v46+s3+$0x0], $0xffff;
	v46 =	vmul.f32 $2.550000000e+02, v21  }
0x52: {  	s23 =	simm.s32 $0x2;
	v23 =	vimm.f32 $0.0e+00;
	v20 =	vld [tilespmem:s22+$0x140];
	v44 =	vmul.f32 v48, v48;
	v34 =	vtrunc.f32 v63  }
.LBB2_2:
0x53: {  	s23 =	sadd.s32 $0x2, s23;
	v43 =	vld.idx.msk [tilespmem:v43+s3+$0x0], $0xffff;
	v46 =	vtrunc.f32 v46;
	s21 =	sadd.s32 $0x2000, s21;
	v38 =	vmul.f32 v38, v38;
	v29 =	vadd.f32 v30, v29  }
0x54: {  	v40 =	vcvt.f32.s32 v40;
	v41 =	vsub.f32 v14, v41;
	s24 =	sand.u32 $0x2000, s21;
	s25 =	sshll.u32 s23, $0x7;
	s26 =	sshll.u32 s23, $0x5;
	v46 =	vcvt.f32.s32 v46;
	v30 =	vld [tilespmem:s22+$0x570]  }
0x55: {  	v31 =	vtrunc.f32 v31;
	v39 =	vmul.f32 v39, v39;
	p0 =	slt.u32 s23, $0x17E;
	v24 =	vadd.f32 v45, v24;
	s22 =	sand.u32 $0xF000, s25;
	s24 =	sshrl.u32 s24, $0x2;
	v28 =	vld.idx.msk [tilespmem:v28+s3+$0x0], $0xffff  }
0x56: {  	v31 =	vcvt.f32.s32 v31;
	v44 =	vadd.f32 v44, v3;
	v3 =	vmovc v22;
	s25 =	sand.u32 $0x380, s26;
	s22 =	sor.u32 s24, s22;
	v45 =	vmul.f32 $2.550000000e+02, v18;
	v26 =	vld.idx.msk [tilespmem:v26+s3+$0x0], $0xffff  }
0x57: {  	v41 =	vmul.f32 v41, v41;
	v38 =	vadd.f32 v38, v4;
	v4 =	vmovc v21;
	s22 =	sor.u32 s22, s25;
	v22 =	vmul.f32 $2.550000000e+02, v20;
	v42 =	vld.idx.msk [tilespmem:v42+s3+$0x0], $0xffff  }
0x58: {  	v32 =	vadd.f32 v25, v32;
	v37 =	vsub.f32 v11, v37;
	v21 =	vld [tilespmem:s22+$0x150];
	v45 =	vtrunc.f32 v45  }
0x59: {  	v35 =	vadd.f32 v35, v0;
	v0 =	vmovc v15;
	v22 =	vtrunc.f32 v22;
	v25 =	vld.idx.msk [tilespmem:v36+s3+$0x0], $0xffff;
	v36 =	vcvt.f32.s32 v45  }
0x5a: {  	v37 =	vmul.f32 v37, v37;
	v27 =	vadd.f32 v38, v27;
	v15 =	vld.idx.msk [tilespmem:v40+s3+$0x0], $0xffff;
	v40 =	vsub.f32 v12, v43  }
0x5b: {  	v10 =	vadd.f32 v35, v10;
	v23 =	vadd.f32 v44, v23;
	v22 =	vcvt.f32.s32 v22;
	v38 =	vld [tilespmem:s22+$0x550]  }
0x5c: {  	v35 =	vadd.f32 v41, v14;
	v41 =	vmul.f32 $2.550000000e+02, v30;
	v26 =	vsub.f32 v5, v26;
	v31 =	vld.idx.msk [tilespmem:v31+s3+$0x0], $0xffff  }
0x5d: {  	v10 =	vadd.f32 v9, v10;
	v37 =	vadd.f32 v37, v11;
	v40 =	vmul.f32 v40, v40;
	v43 =	vld [tilespmem:s22+$0x560];
	v11 =	vmovc v21  }
0x5e: {  	v23 =	vadd.f32 v19, v23;
	v9 =	vmovc v35;
	v21 =	vmul.f32 v26, v26;
	v26 =	vadd.f32 v39, v8;
	v14 =	vld [tilespmem:s22+$0x510]  }
0x5f: {  	v19 =	vtrunc.f32 v33;
	v33 =	vcvt.f32.s32 v34;
	v13 =	vadd.f32 v37, v13;
	v35 =	vld [tilespmem:s22+$0x520]  }
0x60: {  	v39 =	vsub.f32 v1, v42;
	v25 =	vsub.f32 v17, v25;
	v34 =	vld [tilespmem:s22+$0x100];
	v37 =	vmul.f32 $2.550000000e+02, v38;
	v8 =	vmovc v38  }
0x61: {  	v12 =	vadd.f32 v40, v12;
	v13 =	vadd.f32 v26, v13;
	v38 =	vcvt.f32.s32 v19;
	v22 =	vld.idx.msk [tilespmem:v22+s3+$0x0], $0xffff  }
0x62: {  	v15 =	vsub.f32 v6, v15;
	v25 =	vmul.f32 v25, v25;
	v26 =	vsub.f32 v7, v31  }
0x63: {  	v24 =	vadd.f32 v12, v24;
	v19 =	vtrunc.f32 v37;
	v31 =	vmul.f32 $2.550000000e+02, v43;
	v37 =	vld.idx.msk [tilespmem:v46+s3+$0x0], $0xffff  }
0x64: {  	v41 =	vtrunc.f32 v41;
	v40 =	vcvt.f32.s32 v19;
	v12 =	vld [tilespmem:s22+$0x130]  }
0x65: {  	v19 =	vadd.f32 v21, v5;
	v21 =	vcvt.f32.s32 v41;
	v42 =	vmul.f32 $2.550000000e+02, v35;
	v5 =	vmovc v35;
	v44 =	vld [tilespmem:s22+$0x540]  }
0x66: {  	v41 =	vsub.f32 v2, v28;
	v31 =	vtrunc.f32 v31;
	v35 =	vld.idx.msk [tilespmem:v36+s3+$0x0], $0xffff;
	v36 =	vmul.f32 v26, v26  }
0x67: {  	v28 =	vcvt.f32.s32 v31;
	v26 =	vtrunc.f32 v42;
	v42 =	vld.idx.msk [tilespmem:v38+s3+$0x0], $0xffff  }
0x68: {  	v26 =	vcvt.f32.s32 v26;
	v38 =	vadd.f32 v25, v17;
	v17 =	vmul.f32 v41, v41;
	v33 =	vld.idx.msk [tilespmem:v33+s3+$0x0], $0xffff  }
0x69: {  	v22 =	vsub.f32 v20, v22;
	v25 =	vmul.f32 v15, v15;
	v41 =	vmul.f32 $2.550000000e+02, v12;
	v47 =	vld [tilespmem:s22+$0x530]  }
0x6a: {  	v45 =	vmul.f32 $2.550000000e+02, v14;
	v46 =	vadd.f32 v17, v2;
	v2 =	vmovc v43;
	v15 =	vld [tilespmem:s22+$0x110];
	v31 =	vmul.f32 $2.550000000e+02, v44  }
0x6b: {  	v43 =	vmul.f32 $2.550000000e+02, v11;
	v48 =	vadd.f32 v25, v6;
	v25 =	vadd.f32 v36, v7;
	v6 =	vmovc v34;
	v21 =	vld.idx.msk [tilespmem:v21+s3+$0x0], $0xffff  }
0x6c: {  	v34 =	vtrunc.f32 v45;
	v16 =	vadd.f32 v38, v16;
	v7 =	vmovc v44;
	v35 =	vsub.f32 v18, v35;
	v17 =	vld [tilespmem:s22+$0x160]  }
0x6d: {  	v36 =	vmul.f32 $2.550000000e+02, v6;
	v34 =	vcvt.f32.s32 v34;
	v27 =	vadd.f32 v48, v27  }
0x6e: {  	v38 =	vsub.f32 v4, v37;
	v43 =	vtrunc.f32 v43;
	v44 =	vmul.f32 $2.550000000e+02, v47  }
0x6f: {  	v16 =	vadd.f32 v46, v16;
	v37 =	vcvt.f32.s32 v43;
	v35 =	vmul.f32 v35, v35;
	v45 =	vld.idx.msk [tilespmem:v40+s3+$0x0], $0xffff  }
0x70: {  	v41 =	vtrunc.f32 v41;
	v42 =	vsub.f32 v0, v42;
	v43 =	vmul.f32 v22, v22  }
0x71: {  	v48 =	vsub.f32 v3, v33;
	v40 =	vtrunc.f32 v36;
	v33 =	vsub.f32 v30, v21;
	v22 =	vld [tilespmem:s22+$0x120]  }
0x72: {  	v49 =	vmul.f32 v39, v39;
	v20 =	vadd.f32 v43, v20;
	v36 =	vmul.f32 $2.550000000e+02, v17;
	v21 =	vld [tilespmem:s22+$0x500]  }
0x73: {  	v43 =	vcvt.f32.s32 v41;
	v18 =	vadd.f32 v35, v18;
	v41 =	vld.idx.msk [tilespmem:v34+s3+$0x0], $0xffff;
	v34 =	vmul.f32 v33, v33  }
.Ltmp0:
0x74: {  	v44 =	vtrunc.f32 v44;
	v32 =	vadd.f32 v20, v32;
	v33 =	vtrunc.f32 v36;
	(pc) =	sbr.rel @p0 .LBB2_2-.Ltmp0, $4  }
0x75: {  	v35 =	vmul.f32 v42, v42;
	v36 =	vcvt.f32.s32 v33;
	v39 =	vsub.f32 v8, v45;
	v37 =	vld.idx.msk [tilespmem:v37+s3+$0x0], $0xffff  }
0x76: {  	v29 =	vadd.f32 v18, v29;
	v33 =	vmul.f32 $2.550000000e+02, v15;
	v20 =	vmul.f32 $2.550000000e+02, v22  }
0x77: {  	v42 =	vcvt.f32.s32 v44;
	v30 =	vadd.f32 v34, v30;
	v18 =	vld [tilespmem:s22+$0x170];
	v46 =	vmul.f32 $2.550000000e+02, v21  }
0x78: {  	v44 =	vmul.f32 v48, v48;
	v45 =	vadd.f32 v49, v1;
	v1 =	vmovc v47;
	v34 =	vtrunc.f32 v20;
	v20 =	vld [tilespmem:s22+$0x140]  }
0x79: {  	v46 =	vtrunc.f32 v46  }
0x7a: {  	v38 =	vmul.f32 v38, v38;
	v40 =	vcvt.f32.s32 v40  }
0x7b: {  	v31 =	vtrunc.f32 v31;
	v29 =	vadd.f32 v30, v29;
	v33 =	vtrunc.f32 v33  }
0x7c: {  	v41 =	vsub.f32 v14, v41;
	v34 =	vcvt.f32.s32 v34;
	v0 =	vadd.f32 v35, v0  }
0x7d: {  	v47 =	vld [tilespmem:s22+$0x570];
	v25 =	vadd.f32 v25, v32;
	v31 =	vcvt.f32.s32 v31;
	v24 =	vadd.f32 v45, v24  }
0x7e: {  	v30 =	vcvt.f32.s32 v46;
	v3 =	vadd.f32 v44, v3;
	v37 =	vsub.f32 v11, v37  }
0x7f: {  	v43 =	vld.idx.msk [tilespmem:v43+s3+$0x0], $0xffff;
	v33 =	vcvt.f32.s32 v33;
	v4 =	vadd.f32 v38, v4;
	v54 =	vmul.f32 v41, v41  }
0x80: {  	v26 =	vld.idx.msk [tilespmem:v26+s3+$0x0], $0xffff;
	v0 =	vadd.f32 v0, v10;
	v49 =	vmul.f32 $2.550000000e+02, v18;
	v37 =	vmul.f32 v37, v37  }
0x81: {  	v42 =	vld.idx.msk [tilespmem:v42+s3+$0x0], $0xffff;
	v3 =	vadd.f32 v3, v23;
	v48 =	vmul.f32 $2.550000000e+02, v20;
	v27 =	vadd.f32 v4, v27  }
0x82: {  	v36 =	vld.idx.msk [tilespmem:v36+s3+$0x0], $0xffff;
	v4 =	vadd.f32 v54, v14;
	v49 =	vtrunc.f32 v49;
	v50 =	vmul.f32 $2.550000000e+02, v47  }
0x83: {  	v28 =	vld.idx.msk [tilespmem:v28+s3+$0x0], $0xffff;
	v9 =	vadd.f32 v9, v0;
	v48 =	vtrunc.f32 v48;
	v49 =	vcvt.f32.s32 v49  }
0x84: {  	v55 =	vsub.f32 v12, v43;
	v51 =	vld.idx.msk [tilespmem:v40+s3+$0x0], $0xffff;
	v48 =	vcvt.f32.s32 v48;
	v52 =	vtrunc.f32 v50  }
0x85: {  	v23 =	vsub.f32 v5, v26;
	v11 =	vadd.f32 v37, v11;
	v31 =	vld.idx.msk [tilespmem:v31+s3+$0x0], $0xffff;
	v53 =	vcvt.f32.s32 v52  }
0x86: {  	v57 =	vadd.f32 v19, v3;
	v58 =	vsub.f32 v1, v42;
	v10 =	vld.idx.msk [tilespmem:v30+s3+$0x0], $0xffff;
	v30 =	vmul.f32 v39, v39  }
0x87: {  	v26 =	vld.idx.msk [tilespmem:v33+s3+$0x0], $0xffff;
	v3 =	vadd.f32 v11, v13;
	v13 =	vsub.f32 v17, v36;
	v19 =	vmul.f32 v23, v23  }
0x88: {  	v23 =	vsub.f32 v2, v28;
	v0 =	vadd.f32 v30, v8;
	v8 =	vld.idx.msk [tilespmem:v34+s3+$0x0], $0xffff  }
0x89: {  	v30 =	vmul.f32 v55, v55;
	v13 =	vmul.f32 v13, v13;
	v5 =	vadd.f32 v19, v5;
	v14 =	vld.idx.msk [tilespmem:v49+s3+$0x0], $0xffff  }
0x8a: {  	s21 =	simm.s32 $0x0;
	v23 =	vmul.f32 v23, v23;
	v3 =	vadd.f32 v0, v3;
	v0 =	vsub.f32 v6, v51;
	v56 =	vld.idx.msk [tilespmem:v48+s3+$0x0], $0xffff  }
0x8b: {  	v12 =	vadd.f32 v30, v12;
	v28 =	vsub.f32 v7, v31;
	v11 =	vld.idx.msk [tilespmem:v53+s3+$0x0], $0xffff;
	[tilespmem:s15], [sflag:$0x1] =	stream.linear.gather [hbm4b:s6+s21], $0xC000, $0x38  }
0x8c: {  	s29 =	simm.s32 $0x0;
	s23 =	simm.s32 $0x0;
	v13 =	vadd.f32 v13, v17;
	v2 =	vadd.f32 v23, v2;
	v0 =	vmul.f32 v0, v0;
	s21 =	sand.u32 $0x2000, s21  }
0x8d: {  	s22 =	sand.u32 $0xF000, s29;
	v10 =	vsub.f32 v21, v10;
	v12 =	vadd.f32 v12, v24;
	v17 =	vmul.f32 v28, v28;
	_ =	swait.ge [sflag:s18], $0xC000;
	s21 =	sshrl.u32 s21, $0x2  }
0x8e: {  	s23 =	sand.u32 $0x380, s23;
	v8 =	vsub.f32 v22, v8;
	v0 =	vadd.f32 v0, v6;
	[sflag:s18] =	ssyncset.done $0x0;
	s21 =	sor.u32 s21, s22  }
0x8f: {  	v13 =	vadd.f32 v13, v16;
	v7 =	vadd.f32 v17, v7;
	[sflag:s18] =	ssyncadd.s32 $0xFFFF4000;
	s22 =	sor.u32 s23, s21  }
0x90: {  	v6 =	vsub.f32 v18, v14;
	v27 =	vadd.f32 v0, v27;
	v0 =	vmul.f32 v8, v8;
	v28 =	vld [tilespmem:s22+$0xC550]  }
0x91: {  	v17 =	vadd.f32 v2, v13;
	v14 =	vsub.f32 v15, v26;
	v16 =	vld [tilespmem:s22+$0xC560]  }
0x92: {  	v24 =	vsub.f32 v20, v56;
	v6 =	vmul.f32 v6, v6;
	v22 =	vadd.f32 v0, v22;
	v0 =	vld [tilespmem:s22+$0xC110]  }
0x93: {  	v8 =	vmul.f32 v10, v10;
	v19 =	vld [tilespmem:s22+$0xC520];
	v11 =	vsub.f32 v47, v11;
	v14 =	vmul.f32 v14, v14  }
0x94: {  	v26 =	vld [tilespmem:s22+$0xC510];
	v23 =	vmul.f32 v24, v24;
	v24 =	vmul.f32 v58, v58;
	v6 =	vadd.f32 v6, v18  }
0x95: {  	v13 =	vld [tilespmem:s22+$0xC150];
	v11 =	vmul.f32 v11, v11;
	v14 =	vadd.f32 v14, v15;
	v30 =	vmul.f32 $2.550000000e+02, v28  }
0x96: {  	v10 =	vadd.f32 v23, v20;
	v23 =	vld [tilespmem:s22+$0xC100];
	v20 =	vmul.f32 $2.550000000e+02, v16;
	v6 =	vadd.f32 v6, v29  }
0x97: {  	v9 =	vadd.f32 v14, v9;
	v14 =	vmul.f32 $2.550000000e+02, v0;
	v2 =	vtrunc.f32 v30  }
0x98: {  	v31 =	vld [tilespmem:s22+$0xC130];
	v11 =	vadd.f32 v11, v47;
	v30 =	vmul.f32 $2.550000000e+02, v19;
	v18 =	vtrunc.f32 v20  }
0x99: {  	v10 =	vadd.f32 v10, v25;
	v25 =	vld [tilespmem:s22+$0xC540];
	v59 =	vcvt.f32.s32 v2;
	v2 =	vmul.f32 $2.550000000e+02, v26  }
0x9a: {  	v29 =	vld [tilespmem:s22+$0xC530];
	v60 =	vcvt.f32.s32 v18;
	v20 =	vtrunc.f32 v30  }
0x9b: {  	v18 =	vadd.f32 v11, v6;
	v30 =	vmul.f32 $2.550000000e+02, v13;
	v6 =	vmul.f32 $2.550000000e+02, v23  }
0x9c: {  	v36 =	vld [tilespmem:s22+$0xC140];
	v2 =	vtrunc.f32 v2;
	v20 =	vcvt.f32.s32 v20  }
0x9d: {  	v62 =	vcvt.f32.s32 v2;
	v2 =	vadd.f32 v24, v1;
	v24 =	vmul.f32 $2.550000000e+02, v31  }
0x9e: {  	v61 =	vld [tilespmem:s22+$0xC160];
	v11 =	vtrunc.f32 v30;
	v47 =	vmul.f32 $2.550000000e+02, v25  }
0x9f: {  	v30 =	vmul.f32 $2.550000000e+02, v29;
	v6 =	vtrunc.f32 v6  }
0xa0: {  	v1 =	vld [tilespmem:s22+$0xC120];
	v11 =	vcvt.f32.s32 v11;
	v48 =	vcvt.f32.s32 v6  }
0xa1: {  	v6 =	vadd.f32 v4, v9;
	v4 =	vmul.f32 $2.550000000e+02, v36;
	v63 =	vadd.f32 v2, v12;
	v2 =	vld [tilespmem:s22+$0xC500]  }
0xa2: {  	v12 =	vtrunc.f32 v24;
	v15 =	vtrunc.f32 v30;
	v30 =	vld [tilespmem:s22+$0xC170]  }
0xa3: {  	v24 =	vmul.f32 $2.550000000e+02, v61;
	v12 =	vcvt.f32.s32 v12;
	v33 =	vld.idx.msk [tilespmem:v59+s3+$0x0], $0xffff  }
0xa4: {  	v8 =	vadd.f32 v8, v21;
	v15 =	vcvt.f32.s32 v15;
	v34 =	vld.idx.msk [tilespmem:v60+s3+$0x0], $0xffff;
	v4 =	vtrunc.f32 v4  }
0xa5: {  	v32 =	vld [tilespmem:s22+$0xC570];
	v21 =	vadd.f32 v7, v10;
	v10 =	vtrunc.f32 v24;
	v24 =	vmul.f32 $2.550000000e+02, v1  }
0xa6: {  	v27 =	vadd.f32 v8, v27;
	v51 =	vcvt.f32.s32 v4;
	v7 =	vld.idx.msk [tilespmem:v62+s3+$0x0], $0xffff;
	v8 =	vmul.f32 $2.550000000e+02, v2  }
0xa7: {  	v10 =	vcvt.f32.s32 v10;
	v11 =	vld.idx.msk [tilespmem:v11+s3+$0x0], $0xffff;
	v24 =	vtrunc.f32 v24  }
0xa8: {  	v50 =	vmul.f32 $2.550000000e+02, v30;
	v39 =	vld.idx.msk [tilespmem:v48+s3+$0x0], $0xffff;
	v33 =	vsub.f32 v28, v33;
	v8 =	vtrunc.f32 v8  }
0xa9: {  	s21 =	simm.s32 $0x2000;
	v53 =	vcvt.f32.s32 v24;
	v34 =	vsub.f32 v16, v34;
	v12 =	vld.idx.msk [tilespmem:v12+s3+$0x0], $0xffff;
	v49 =	vcvt.f32.s32 v8  }
0xaa: {  	s31 =	simm.s32 $0x100;
	s30 =	sand.u32 $0x2000, s21;
	v22 =	vadd.f32 v22, v57;
	v15 =	vld.idx.msk [tilespmem:v15+s3+$0x0], $0xffff;
	v8 =	vtrunc.f32 v47;
	v33 =	vmul.f32 v33, v33  }
0xab: {  	s24 =	simm.s32 $0x40;
	s23 =	sand.u32 $0xF000, s31;
	s22 =	sshrl.u32 s30, $0x2;
	v20 =	vld.idx.msk [tilespmem:v20+s3+$0x0], $0xffff;
	v34 =	vmul.f32 v34, v34;
	v7 =	vsub.f32 v26, v7;
	v8 =	vcvt.f32.s32 v8  }
0xac: {  	s24 =	sand.u32 $0x380, s24;
	s22 =	sor.u32 s22, s23;
	v9 =	vsub.f32 v13, v11;
	v11 =	vadd.f32 v5, v22;
	v5 =	vtrunc.f32 v50  }
0xad: {  	s22 =	sor.u32 s24, s22;
	v22 =	vld.idx.msk [tilespmem:v10+s3+$0x0], $0xffff;
	v39 =	vsub.f32 v23, v39;
	v16 =	vadd.f32 v34, v16;
	v7 =	vmul.f32 v7, v7  }
0xae: {  	v10 =	vld [tilespmem:s22+$0xC550];
	v38 =	vcvt.f32.s32 v5;
	v5 =	vsub.f32 v31, v12;
	v12 =	vmul.f32 v9, v9  }
0xaf: {  	v43 =	vsub.f32 v29, v15;
	v15 =	vld [tilespmem:s22+$0xC510];
	v39 =	vmul.f32 v39, v39;
	v9 =	vadd.f32 v7, v26  }
0xb0: {  	v4 =	vld [tilespmem:s22+$0xC560];
	v7 =	vsub.f32 v19, v20;
	v20 =	vmul.f32 $2.550000000e+02, v32;
	v26 =	vmul.f32 v5, v5  }
0xb1: {  	v12 =	vadd.f32 v12, v13;
	v13 =	vtrunc.f32 v14;
	v5 =	vld [tilespmem:s22+$0xC520];
	v23 =	vadd.f32 v39, v23  }
0xb2: {  	v50 =	vmul.f32 v43, v43;
	v8 =	vld.idx.msk [tilespmem:v8+s3+$0x0], $0xffff;
	v52 =	vmul.f32 v7, v7;
	v7 =	vadd.f32 v33, v28  }
0xb3: {  	v14 =	vsub.f32 v61, v22;
	v22 =	vmul.f32 $2.550000000e+02, v10;
	v33 =	vld.idx.msk [tilespmem:v53+s3+$0x0], $0xffff;
	v3 =	vadd.f32 v12, v3  }
0xb4: {  	v54 =	vcvt.f32.s32 v13;
	v12 =	vld [tilespmem:s22+$0xC150];
	v24 =	vadd.f32 v26, v31;
	v59 =	vmul.f32 $2.550000000e+02, v15  }
0xb5: {  	v31 =	vld.idx.msk [tilespmem:v51+s3+$0x0], $0xffff;
	v13 =	vadd.f32 v7, v3;
	v3 =	vmul.f32 v14, v14;
	v7 =	vtrunc.f32 v22  }
0xb6: {  	v27 =	vadd.f32 v23, v27;
	v22 =	vmul.f32 $2.550000000e+02, v4;
	v14 =	vld [tilespmem:s22+$0xC130];
	v41 =	vcvt.f32.s32 v7  }
0xb7: {  	v7 =	vtrunc.f32 v20;
	v28 =	vmul.f32 $2.550000000e+02, v5;
	v20 =	vadd.f32 v52, v19;
	v19 =	vld.idx.msk [tilespmem:v38+s3+$0x0], $0xffff  }
0xb8: {  	v26 =	vsub.f32 v25, v8;
	v8 =	vld [tilespmem:s22+$0xC540];
	v55 =	vcvt.f32.s32 v7;
	v22 =	vtrunc.f32 v22  }
0xb9: {  	v7 =	vld [tilespmem:s22+$0xC100];
	v35 =	vadd.f32 v3, v61;
	v61 =	vtrunc.f32 v59;
	v60 =	vmul.f32 $2.550000000e+02, v12  }
0xba: {  	v45 =	vadd.f32 v50, v29;
	v3 =	vld [tilespmem:s22+$0xC530];
	v52 =	vcvt.f32.s32 v61;
	v56 =	vmul.f32 v26, v26  }
0xbb: {  	v40 =	vsub.f32 v36, v31;
	v58 =	vld.idx.msk [tilespmem:v54+s3+$0x0], $0xffff;
	v26 =	vtrunc.f32 v28;
	v28 =	vcvt.f32.s32 v22  }
0xbc: {  	v24 =	vadd.f32 v24, v63;
	v22 =	vld.idx.msk [tilespmem:v49+s3+$0x0], $0xffff;
	v26 =	vcvt.f32.s32 v26;
	v57 =	vmul.f32 $2.550000000e+02, v14  }
0xbd: {  	v35 =	vadd.f32 v35, v17;
	v17 =	vld [tilespmem:s22+$0xC110];
	v23 =	vtrunc.f32 v60;
	v40 =	vmul.f32 v40, v40  }
0xbe: {  	v62 =	vsub.f32 v30, v19;
	v54 =	vcvt.f32.s32 v23;
	v31 =	vmul.f32 $2.550000000e+02, v8;
	v37 =	vld.idx.msk [tilespmem:v55+s3+$0x0], $0xffff  }
0xbf: {  	v25 =	vadd.f32 v56, v25;
	v19 =	vld [tilespmem:s22+$0xC160];
	v63 =	vmul.f32 $2.550000000e+02, v7;
	v53 =	vmul.f32 $2.550000000e+02, v3  }
0xc0: {  	v23 =	vld [tilespmem:s22+$0xC120];
	v38 =	vtrunc.f32 v57;
	v36 =	vadd.f32 v40, v36;
	v55 =	vmul.f32 v62, v62  }
0xc1: {  	v56 =	vld.idx.msk [tilespmem:v41+s3+$0x0], $0xffff;
	v57 =	vsub.f32 v0, v58;
	v58 =	vsub.f32 v1, v33;
	v44 =	vcvt.f32.s32 v38  }
0xc2: {  	v39 =	vsub.f32 v2, v22;
	v41 =	vtrunc.f32 v63;
	v22 =	vld [tilespmem:s22+$0xC500];
	v63 =	vtrunc.f32 v53  }
0xc3: {  	v34 =	vadd.f32 v36, v21;
	v33 =	vmul.f32 $2.550000000e+02, v17;
	v59 =	vsub.f32 v32, v37  }
0xc4: {  	v30 =	vadd.f32 v55, v30;
	v36 =	vmul.f32 v57, v57;
	v60 =	vmul.f32 $2.550000000e+02, v19  }
0xc5: {  	v16 =	vadd.f32 v16, v35;
	v42 =	vld.idx.msk [tilespmem:v52+s3+$0x0], $0xffff;
	v21 =	vmul.f32 $2.550000000e+02, v23;
	v61 =	vmul.f32 v59, v59  }
0xc6: {  	v43 =	vcvt.f32.s32 v63;
	v38 =	vld.idx.msk [tilespmem:v54+s3+$0x0], $0xffff;
	v46 =	vadd.f32 v30, v18;
	v62 =	vtrunc.f32 v60  }
0xc7: {  	v18 =	vld [tilespmem:s22+$0xC170];
	v35 =	vtrunc.f32 v21;
	v47 =	vmul.f32 $2.550000000e+02, v22;
	v30 =	vadd.f32 v61, v32  }
0xc8: {  	s23 =	simm.s32 $0x2;
	v40 =	vsub.f32 v10, v56;
	v21 =	vld [tilespmem:s22+$0xC140];
	v37 =	vcvt.f32.s32 v62;
	v32 =	vmul.f32 v58, v58  }
.LBB2_4:
0xc9: {  	s23 =	sadd.s32 $0x2, s23;
	v44 =	vld.idx.msk [tilespmem:v44+s3+$0x0], $0xffff;
	v47 =	vtrunc.f32 v47;
	s21 =	sadd.s32 $0x2000, s21;
	v39 =	vmul.f32 v39, v39;
	v29 =	vadd.f32 v30, v46  }
0xca: {  	v41 =	vcvt.f32.s32 v41;
	v42 =	vsub.f32 v15, v42;
	s24 =	sand.u32 $0x2000, s21;
	s25 =	sshll.u32 s23, $0x7;
	s26 =	sshll.u32 s23, $0x5;
	v46 =	vcvt.f32.s32 v47;
	v30 =	vld [tilespmem:s22+$0xC570]  }
0xcb: {  	v31 =	vtrunc.f32 v31;
	v40 =	vmul.f32 v40, v40;
	p0 =	slt.u32 s23, $0x17E;
	v24 =	vadd.f32 v45, v24;
	s22 =	sand.u32 $0xF000, s25;
	s24 =	sshrl.u32 s24, $0x2;
	v28 =	vld.idx.msk [tilespmem:v28+s3+$0x0], $0xffff  }
0xcc: {  	v31 =	vcvt.f32.s32 v31;
	v47 =	vadd.f32 v32, v1;
	v1 =	vmovc v23;
	s25 =	sand.u32 $0x380, s26;
	s22 =	sor.u32 s24, s22;
	v45 =	vmul.f32 $2.550000000e+02, v18;
	v26 =	vld.idx.msk [tilespmem:v26+s3+$0x0], $0xffff  }
0xcd: {  	v42 =	vmul.f32 v42, v42;
	v39 =	vadd.f32 v39, v2;
	v2 =	vmovc v22;
	s22 =	sor.u32 s25, s22;
	v23 =	vmul.f32 $2.550000000e+02, v21;
	v43 =	vld.idx.msk [tilespmem:v43+s3+$0x0], $0xffff  }
0xce: {  	v38 =	vsub.f32 v12, v38;
	v32 =	vadd.f32 v25, v34;
	v22 =	vld [tilespmem:s22+$0xC150];
	v45 =	vtrunc.f32 v45  }
0xcf: {  	v36 =	vadd.f32 v36, v0;
	v0 =	vmovc v17;
	v23 =	vtrunc.f32 v23;
	v25 =	vld.idx.msk [tilespmem:v37+s3+$0x0], $0xffff;
	v34 =	vcvt.f32.s32 v45  }
0xd0: {  	v38 =	vmul.f32 v38, v38;
	v27 =	vadd.f32 v39, v27;
	v37 =	vsub.f32 v14, v44;
	v17 =	vld.idx.msk [tilespmem:v41+s3+$0x0], $0xffff  }
0xd1: {  	v6 =	vadd.f32 v36, v6;
	v11 =	vadd.f32 v47, v11;
	v23 =	vcvt.f32.s32 v23;
	v39 =	vld [tilespmem:s22+$0xC550]  }
0xd2: {  	v36 =	vadd.f32 v42, v15;
	v41 =	vmul.f32 $2.550000000e+02, v30;
	v26 =	vsub.f32 v5, v26;
	v31 =	vld.idx.msk [tilespmem:v31+s3+$0x0], $0xffff  }
0xd3: {  	v6 =	vadd.f32 v9, v6;
	v38 =	vadd.f32 v38, v12;
	v37 =	vmul.f32 v37, v37;
	v42 =	vld [tilespmem:s22+$0xC560];
	v12 =	vmovc v22  }
0xd4: {  	v11 =	vadd.f32 v20, v11;
	v9 =	vmovc v36;
	v22 =	vmul.f32 v26, v26;
	v26 =	vadd.f32 v40, v10;
	v15 =	vld [tilespmem:s22+$0xC510]  }
0xd5: {  	v20 =	vtrunc.f32 v33;
	v33 =	vcvt.f32.s32 v35;
	v13 =	vadd.f32 v38, v13;
	v36 =	vld [tilespmem:s22+$0xC520]  }
0xd6: {  	v40 =	vsub.f32 v3, v43;
	v25 =	vsub.f32 v19, v25;
	v35 =	vld [tilespmem:s22+$0xC100];
	v38 =	vmul.f32 $2.550000000e+02, v39;
	v10 =	vmovc v39  }
0xd7: {  	v14 =	vadd.f32 v37, v14;
	v13 =	vadd.f32 v26, v13;
	v39 =	vcvt.f32.s32 v20;
	v23 =	vld.idx.msk [tilespmem:v23+s3+$0x0], $0xffff  }
0xd8: {  	v17 =	vsub.f32 v7, v17;
	v25 =	vmul.f32 v25, v25;
	v26 =	vsub.f32 v8, v31  }
0xd9: {  	v24 =	vadd.f32 v14, v24;
	v20 =	vtrunc.f32 v38;
	v31 =	vmul.f32 $2.550000000e+02, v42;
	v37 =	vld.idx.msk [tilespmem:v46+s3+$0x0], $0xffff  }
0xda: {  	v41 =	vtrunc.f32 v41;
	v38 =	vcvt.f32.s32 v20;
	v14 =	vld [tilespmem:s22+$0xC130]  }
0xdb: {  	v20 =	vadd.f32 v22, v5;
	v22 =	vcvt.f32.s32 v41;
	v43 =	vmul.f32 $2.550000000e+02, v36;
	v5 =	vmovc v36;
	v44 =	vld [tilespmem:s22+$0xC540]  }
0xdc: {  	v41 =	vsub.f32 v4, v28;
	v31 =	vtrunc.f32 v31;
	v36 =	vmul.f32 v26, v26;
	v34 =	vld.idx.msk [tilespmem:v34+s3+$0x0], $0xffff  }
0xdd: {  	v28 =	vcvt.f32.s32 v31;
	v26 =	vtrunc.f32 v43;
	v43 =	vld.idx.msk [tilespmem:v39+s3+$0x0], $0xffff  }
0xde: {  	v26 =	vcvt.f32.s32 v26;
	v39 =	vadd.f32 v25, v19;
	v19 =	vmul.f32 v41, v41;
	v33 =	vld.idx.msk [tilespmem:v33+s3+$0x0], $0xffff  }
0xdf: {  	v23 =	vsub.f32 v21, v23;
	v25 =	vmul.f32 v17, v17;
	v41 =	vmul.f32 $2.550000000e+02, v14;
	v48 =	vld [tilespmem:s22+$0xC530]  }
0xe0: {  	v45 =	vmul.f32 $2.550000000e+02, v15;
	v46 =	vadd.f32 v19, v4;
	v4 =	vmovc v42;
	v17 =	vld [tilespmem:s22+$0xC110];
	v31 =	vmul.f32 $2.550000000e+02, v44  }
0xe1: {  	v42 =	vmul.f32 $2.550000000e+02, v12;
	v47 =	vadd.f32 v25, v7;
	v25 =	vadd.f32 v36, v8;
	v7 =	vmovc v35;
	v22 =	vld.idx.msk [tilespmem:v22+s3+$0x0], $0xffff  }
0xe2: {  	v35 =	vtrunc.f32 v45;
	v16 =	vadd.f32 v39, v16;
	v8 =	vmovc v44;
	v34 =	vsub.f32 v18, v34;
	v19 =	vld [tilespmem:s22+$0xC160]  }
0xe3: {  	v36 =	vmul.f32 $2.550000000e+02, v7;
	v35 =	vcvt.f32.s32 v35;
	v27 =	vadd.f32 v47, v27  }
0xe4: {  	v39 =	vsub.f32 v2, v37;
	v42 =	vtrunc.f32 v42;
	v45 =	vmul.f32 $2.550000000e+02, v48  }
0xe5: {  	v16 =	vadd.f32 v46, v16;
	v37 =	vcvt.f32.s32 v42;
	v34 =	vmul.f32 v34, v34;
	v47 =	vld.idx.msk [tilespmem:v38+s3+$0x0], $0xffff  }
0xe6: {  	v43 =	vsub.f32 v0, v43;
	v42 =	vmul.f32 v23, v23;
	v38 =	vtrunc.f32 v41  }
0xe7: {  	v49 =	vsub.f32 v1, v33;
	v41 =	vtrunc.f32 v36;
	v33 =	vsub.f32 v30, v22;
	v23 =	vld [tilespmem:s22+$0xC120]  }
0xe8: {  	v50 =	vmul.f32 v40, v40;
	v21 =	vadd.f32 v42, v21;
	v36 =	vmul.f32 $2.550000000e+02, v19;
	v22 =	vld [tilespmem:s22+$0xC500]  }
0xe9: {  	v18 =	vadd.f32 v34, v18;
	v44 =	vcvt.f32.s32 v38;
	v42 =	vld.idx.msk [tilespmem:v35+s3+$0x0], $0xffff;
	v35 =	vmul.f32 v33, v33  }
.Ltmp1:
0xea: {  	v45 =	vtrunc.f32 v45;
	v34 =	vadd.f32 v21, v32;
	v33 =	vtrunc.f32 v36;
	(pc) =	sbr.rel @p0 .LBB2_4-.Ltmp1, $4  }
0xeb: {  	v36 =	vmul.f32 v43, v43;
	v40 =	vsub.f32 v10, v47;
	v38 =	vld.idx.msk [tilespmem:v37+s3+$0x0], $0xffff;
	v37 =	vcvt.f32.s32 v33  }
0xec: {  	v46 =	vadd.f32 v18, v29;
	v33 =	vmul.f32 $2.550000000e+02, v17;
	v21 =	vmul.f32 $2.550000000e+02, v23  }
0xed: {  	v43 =	vcvt.f32.s32 v45;
	v30 =	vadd.f32 v35, v30;
	v18 =	vld [tilespmem:s22+$0xC170];
	v47 =	vmul.f32 $2.550000000e+02, v22  }
0xee: {  	v32 =	vmul.f32 v49, v49;
	v45 =	vadd.f32 v50, v3;
	v3 =	vmovc v48;
	v35 =	vtrunc.f32 v21;
	v21 =	vld [tilespmem:s22+$0xC140]  }
0xef: {  	v29 =	vtrunc.f32 v47  }
0xf0: {  	v39 =	vmul.f32 v39, v39;
	v41 =	vcvt.f32.s32 v41  }
0xf1: {  	v52 =	vld [tilespmem:s22+$0xC570];
	v31 =	vtrunc.f32 v31;
	v30 =	vadd.f32 v30, v46;
	v33 =	vtrunc.f32 v33  }
0xf2: {  	v55 =	vsub.f32 v15, v42;
	v35 =	vcvt.f32.s32 v35;
	v31 =	vcvt.f32.s32 v31  }
0xf3: {  	v44 =	vld.idx.msk [tilespmem:v44+s3+$0x0], $0xffff;
	v29 =	vcvt.f32.s32 v29;
	v33 =	vcvt.f32.s32 v33;
	v38 =	vsub.f32 v12, v38  }
0xf4: {  	v28 =	vld.idx.msk [tilespmem:v28+s3+$0x0], $0xffff;
	v1 =	vadd.f32 v32, v1;
	v32 =	vmul.f32 v55, v55;
	v49 =	vmul.f32 $2.550000000e+02, v18  }
0xf5: {  	v26 =	vld.idx.msk [tilespmem:v26+s3+$0x0], $0xffff;
	v0 =	vadd.f32 v36, v0;
	v38 =	vmul.f32 v38, v38;
	v48 =	vmul.f32 $2.550000000e+02, v21  }
0xf6: {  	v43 =	vld.idx.msk [tilespmem:v43+s3+$0x0], $0xffff;
	v34 =	vadd.f32 v25, v34;
	v49 =	vtrunc.f32 v49;
	v54 =	vmul.f32 $2.550000000e+02, v52  }
0xf7: {  	v37 =	vld.idx.msk [tilespmem:v37+s3+$0x0], $0xffff;
	v2 =	vadd.f32 v39, v2;
	v48 =	vtrunc.f32 v48;
	v53 =	vcvt.f32.s32 v49  }
0xf8: {  	v0 =	vadd.f32 v0, v6;
	v56 =	vld.idx.msk [tilespmem:v41+s3+$0x0], $0xffff;
	v48 =	vcvt.f32.s32 v48;
	v57 =	vtrunc.f32 v54  }
0xf9: {  	v1 =	vadd.f32 v1, v11;
	v2 =	vadd.f32 v2, v27;
	v31 =	vld.idx.msk [tilespmem:v31+s3+$0x0], $0xffff;
	v58 =	vcvt.f32.s32 v57  }
0xfa: {  	v6 =	vadd.f32 v32, v15;
	v9 =	vadd.f32 v9, v0;
	v27 =	vld.idx.msk [tilespmem:v29+s3+$0x0], $0xffff;
	v29 =	vmul.f32 v40, v40  }
0xfb: {  	v25 =	vsub.f32 v14, v44;
	v15 =	vsub.f32 v5, v26;
	v26 =	vld.idx.msk [tilespmem:v33+s3+$0x0], $0xffff  }
0xfc: {  	v12 =	vadd.f32 v38, v12;
	v0 =	vadd.f32 v29, v10;
	v10 =	vld.idx.msk [tilespmem:v35+s3+$0x0], $0xffff  }
0xfd: {  	v24 =	vadd.f32 v45, v24;
	v60 =	vadd.f32 v20, v1;
	v25 =	vmul.f32 v25, v25;
	v11 =	vld.idx.msk [tilespmem:v53+s3+$0x0], $0xffff  }
0xfe: {  	s21 =	simm.s32 $0x0;
	v20 =	vsub.f32 v19, v37;
	v1 =	vadd.f32 v12, v13;
	v15 =	vmul.f32 v15, v15;
	v59 =	vld.idx.msk [tilespmem:v48+s3+$0x0], $0xffff  }
0xff: {  	v29 =	vsub.f32 v3, v43;
	v14 =	vadd.f32 v25, v14;
	v13 =	vld.idx.msk [tilespmem:v58+s3+$0x0], $0xffff;
	[tilespmem:s16], [sflag:$0x2] =	stream.linear.gather [hbm4b:s7+s21], $0xC000, $0x38  }
0x100: {  	s29 =	simm.s32 $0x0;
	s23 =	simm.s32 $0x0;
	v25 =	vsub.f32 v4, v28;
	v5 =	vadd.f32 v15, v5;
	s21 =	sand.u32 $0x2000, s21  }
0x101: {  	s22 =	sand.u32 $0xF000, s29;
	v12 =	vadd.f32 v0, v1;
	v0 =	vsub.f32 v7, v56;
	v1 =	vmul.f32 v20, v20;
	_ =	swait.ge [sflag:s17], $0xC000;
	s21 =	sshrl.u32 s21, $0x2  }
0x102: {  	s23 =	sand.u32 $0x380, s23;
	v14 =	vadd.f32 v14, v24;
	v24 =	vmul.f32 v25, v25;
	v20 =	vsub.f32 v8, v31;
	[sflag:s17] =	ssyncset.done $0x0;
	s21 =	sor.u32 s21, s22  }
0x103: {  	v25 =	vsub.f32 v22, v27;
	v1 =	vadd.f32 v1, v19;
	[sflag:s17] =	ssyncadd.s32 $0xFFFF4000;
	s22 =	sor.u32 s21, s23  }
0x104: {  	v0 =	vmul.f32 v0, v0;
	v4 =	vadd.f32 v24, v4;
	v15 =	vmul.f32 v20, v20;
	v24 =	vld [tilespmem:s22+$0x550]  }
0x105: {  	v10 =	vsub.f32 v23, v10;
	v1 =	vadd.f32 v1, v16;
	v16 =	vld [tilespmem:s22+$0x560]  }
0x106: {  	v0 =	vadd.f32 v0, v7;
	v8 =	vadd.f32 v15, v8;
	v20 =	vld [tilespmem:s22+$0x520]  }
0x107: {  	v7 =	vsub.f32 v18, v11;
	v11 =	vsub.f32 v17, v26;
	v26 =	vmul.f32 v29, v29;
	v62 =	vld [tilespmem:s22+$0x130]  }
0x108: {  	v31 =	vadd.f32 v0, v2;
	v0 =	vmul.f32 v10, v10;
	v19 =	vsub.f32 v21, v59;
	v29 =	vld [tilespmem:s22+$0x530]  }
0x109: {  	v7 =	vmul.f32 v7, v7;
	v13 =	vsub.f32 v52, v13;
	v11 =	vmul.f32 v11, v11  }
0x10a: {  	v28 =	vld [tilespmem:s22+$0x510];
	v15 =	vmul.f32 v19, v19;
	v19 =	vadd.f32 v4, v1;
	v4 =	vmul.f32 v25, v25  }
0x10b: {  	v3 =	vadd.f32 v26, v3;
	v13 =	vmul.f32 v13, v13;
	v27 =	vmul.f32 $2.550000000e+02, v24  }
0x10c: {  	v61 =	vld [tilespmem:s22+$0x150];
	v2 =	vadd.f32 v15, v21;
	v10 =	vmul.f32 $2.550000000e+02, v16;
	v15 =	vmul.f32 $2.550000000e+02, v20  }
0x10d: {  	v32 =	vld [tilespmem:s22+$0x570];
	v7 =	vadd.f32 v7, v18;
	v26 =	vmul.f32 $2.550000000e+02, v62;
	v47 =	vmul.f32 $2.550000000e+02, v29  }
0x10e: {  	v34 =	vadd.f32 v2, v34;
	v1 =	vtrunc.f32 v27;
	v2 =	vtrunc.f32 v10  }
0x10f: {  	v63 =	vld [tilespmem:s22+$0x160];
	v3 =	vadd.f32 v3, v14;
	v21 =	vcvt.f32.s32 v1;
	v1 =	vmul.f32 $2.550000000e+02, v28  }
0x110: {  	v25 =	vld [tilespmem:s22+$0x100];
	v7 =	vadd.f32 v7, v30;
	v10 =	vtrunc.f32 v15;
	v15 =	vcvt.f32.s32 v2  }
0x111: {  	v40 =	vld [tilespmem:s22+$0x140];
	v2 =	vadd.f32 v13, v52;
	v13 =	vmul.f32 $2.550000000e+02, v61;
	v1 =	vtrunc.f32 v1  }
0x112: {  	v11 =	vadd.f32 v11, v17;
	v54 =	vmul.f32 $2.550000000e+02, v32;
	v30 =	vcvt.f32.s32 v1  }
0x113: {  	v27 =	vld [tilespmem:s22+$0x540];
	v14 =	vtrunc.f32 v26;
	v18 =	vadd.f32 v2, v7;
	v2 =	vtrunc.f32 v13  }
0x114: {  	v9 =	vadd.f32 v11, v9;
	v26 =	vmul.f32 $2.550000000e+02, v63;
	v1 =	vld [tilespmem:s22+$0x120];
	v13 =	vcvt.f32.s32 v2  }
0x115: {  	v23 =	vadd.f32 v0, v23;
	v14 =	vcvt.f32.s32 v14;
	v7 =	vmul.f32 $2.550000000e+02, v25;
	v2 =	vld [tilespmem:s22+$0x500]  }
0x116: {  	v17 =	vtrunc.f32 v47;
	v6 =	vadd.f32 v6, v9;
	v9 =	vmul.f32 $2.550000000e+02, v40;
	v48 =	vld.idx.msk [tilespmem:v21+s3+$0x0], $0xffff  }
0x117: {  	v0 =	vld [tilespmem:s22+$0x110];
	v4 =	vadd.f32 v4, v22;
	v17 =	vcvt.f32.s32 v17;
	v7 =	vtrunc.f32 v7  }
0x118: {  	v10 =	vcvt.f32.s32 v10;
	v7 =	vcvt.f32.s32 v7;
	v21 =	vadd.f32 v8, v34;
	v8 =	vld.idx.msk [tilespmem:v30+s3+$0x0], $0xffff  }
0x119: {  	v26 =	vtrunc.f32 v26;
	v9 =	vtrunc.f32 v9;
	v30 =	vld [tilespmem:s22+$0x170]  }
0x11a: {  	v37 =	vadd.f32 v4, v31;
	v22 =	vmul.f32 $2.550000000e+02, v27;
	v4 =	vmul.f32 $2.550000000e+02, v2;
	v11 =	vld.idx.msk [tilespmem:v13+s3+$0x0], $0xffff  }
0x11b: {  	v14 =	vld.idx.msk [tilespmem:v14+s3+$0x0], $0xffff;
	v49 =	vmul.f32 $2.550000000e+02, v1;
	v13 =	vcvt.f32.s32 v26;
	v50 =	vsub.f32 v24, v48  }
0x11c: {  	v53 =	vld.idx.msk [tilespmem:v15+s3+$0x0], $0xffff;
	v26 =	vmul.f32 $2.550000000e+02, v0;
	v4 =	vtrunc.f32 v4  }
0x11d: {  	s21 =	simm.s32 $0x2000;
	v23 =	vadd.f32 v23, v60;
	v17 =	vld.idx.msk [tilespmem:v17+s3+$0x0], $0xffff;
	v51 =	vcvt.f32.s32 v4;
	v15 =	vmul.f32 v50, v50  }
0x11e: {  	s31 =	simm.s32 $0x100;
	s30 =	sand.u32 $0x2000, s21;
	v7 =	vld.idx.msk [tilespmem:v7+s3+$0x0], $0xffff;
	v4 =	vsub.f32 v28, v8;
	v8 =	vtrunc.f32 v22;
	v22 =	vmul.f32 $2.550000000e+02, v30  }
0x11f: {  	s24 =	simm.s32 $0x40;
	s23 =	sand.u32 $0xF000, s31;
	v52 =	vld.idx.msk [tilespmem:v10+s3+$0x0], $0xffff;
	s22 =	sshrl.u32 s30, $0x2;
	v10 =	vsub.f32 v61, v11;
	v11 =	vadd.f32 v5, v23;
	v23 =	vcvt.f32.s32 v9  }
0x120: {  	s24 =	sand.u32 $0x380, s24;
	s22 =	sor.u32 s22, s23;
	v8 =	vcvt.f32.s32 v8;
	v24 =	vadd.f32 v15, v24;
	v15 =	vtrunc.f32 v26  }
0x121: {  	s22 =	sor.u32 s22, s24;
	v13 =	vld.idx.msk [tilespmem:v13+s3+$0x0], $0xffff;
	v4 =	vmul.f32 v4, v4;
	v5 =	vtrunc.f32 v22  }
0x122: {  	v22 =	vcvt.f32.s32 v5;
	v5 =	vsub.f32 v62, v14;
	v14 =	vmul.f32 v10, v10;
	v10 =	vld [tilespmem:s22+$0x550]  }
0x123: {  	v42 =	vsub.f32 v29, v17;
	v17 =	vcvt.f32.s32 v15;
	v15 =	vld [tilespmem:s22+$0x510];
	v58 =	vsub.f32 v25, v7  }
0x124: {  	v31 =	vtrunc.f32 v49;
	v9 =	vadd.f32 v4, v28;
	v4 =	vld [tilespmem:s22+$0x560];
	v14 =	vadd.f32 v14, v61  }
0x125: {  	v56 =	vcvt.f32.s32 v31;
	v28 =	vsub.f32 v20, v52;
	v55 =	vmul.f32 v5, v5;
	v5 =	vld [tilespmem:s22+$0x520]  }
0x126: {  	v38 =	vld.idx.msk [tilespmem:v51+s3+$0x0], $0xffff;
	v43 =	vmul.f32 v58, v58;
	v26 =	vsub.f32 v63, v13;
	v14 =	vadd.f32 v14, v12  }
0x127: {  	v28 =	vmul.f32 v28, v28;
	v23 =	vld.idx.msk [tilespmem:v23+s3+$0x0], $0xffff;
	v35 =	vadd.f32 v55, v62;
	v31 =	vmul.f32 $2.550000000e+02, v10  }
0x128: {  	v43 =	vadd.f32 v43, v25;
	v8 =	vld.idx.msk [tilespmem:v8+s3+$0x0], $0xffff;
	v57 =	vmul.f32 v26, v26;
	v13 =	vadd.f32 v24, v14  }
0x129: {  	v12 =	vld [tilespmem:s22+$0x150];
	v26 =	vmul.f32 $2.550000000e+02, v4;
	v24 =	vadd.f32 v35, v3;
	v7 =	vtrunc.f32 v31  }
0x12a: {  	v3 =	vmul.f32 $2.550000000e+02, v5;
	v36 =	vadd.f32 v57, v63;
	v63 =	vld.idx.msk [tilespmem:v17+s3+$0x0], $0xffff;
	v17 =	vmul.f32 $2.550000000e+02, v15  }
0x12b: {  	v20 =	vadd.f32 v28, v20;
	v14 =	vld [tilespmem:s22+$0x130];
	v59 =	vcvt.f32.s32 v7;
	v7 =	vtrunc.f32 v54  }
0x12c: {  	v39 =	vsub.f32 v2, v38;
	v22 =	vld.idx.msk [tilespmem:v22+s3+$0x0], $0xffff;
	v26 =	vtrunc.f32 v26;
	v34 =	vcvt.f32.s32 v7  }
0x12d: {  	v33 =	vld.idx.msk [tilespmem:v56+s3+$0x0], $0xffff;
	v23 =	vsub.f32 v40, v23;
	v3 =	vtrunc.f32 v3;
	v28 =	vcvt.f32.s32 v26  }
0x12e: {  	v31 =	vsub.f32 v27, v8;
	v8 =	vld [tilespmem:s22+$0x540];
	v48 =	vmul.f32 $2.550000000e+02, v12;
	v17 =	vtrunc.f32 v17  }
0x12f: {  	v7 =	vld [tilespmem:s22+$0x100];
	v49 =	vadd.f32 v36, v19;
	v26 =	vcvt.f32.s32 v3;
	v46 =	vcvt.f32.s32 v17  }
0x130: {  	v19 =	vld [tilespmem:s22+$0x160];
	v57 =	vmul.f32 v23, v23;
	v60 =	vmul.f32 v31, v31;
	v31 =	vsub.f32 v16, v53  }
0x131: {  	v3 =	vld [tilespmem:s22+$0x530];
	v62 =	vmul.f32 $2.550000000e+02, v14;
	v22 =	vsub.f32 v30, v22;
	v51 =	vtrunc.f32 v48  }
0x132: {  	v58 =	vsub.f32 v1, v33;
	v17 =	vld [tilespmem:s22+$0x110];
	v53 =	vcvt.f32.s32 v51;
	v61 =	vmul.f32 v31, v31  }
0x133: {  	v45 =	vsub.f32 v0, v63;
	v54 =	vmul.f32 v22, v22;
	v56 =	vtrunc.f32 v62;
	v34 =	vld.idx.msk [tilespmem:v34+s3+$0x0], $0xffff  }
0x134: {  	v25 =	vadd.f32 v60, v27;
	v62 =	vmul.f32 v42, v42;
	v31 =	vmul.f32 $2.550000000e+02, v8  }
0x135: {  	v27 =	vadd.f32 v43, v37;
	v50 =	vmul.f32 $2.550000000e+02, v7;
	v60 =	vmul.f32 $2.550000000e+02, v19  }
0x136: {  	v23 =	vld [tilespmem:s22+$0x120];
	v44 =	vcvt.f32.s32 v56;
	v36 =	vmul.f32 v45, v45;
	v16 =	vadd.f32 v61, v16  }
0x137: {  	v22 =	vld [tilespmem:s22+$0x500];
	v52 =	vmul.f32 $2.550000000e+02, v3;
	v61 =	vadd.f32 v57, v40;
	v30 =	vadd.f32 v54, v30  }
0x138: {  	v55 =	vld.idx.msk [tilespmem:v59+s3+$0x0], $0xffff;
	v33 =	vmul.f32 $2.550000000e+02, v17;
	v41 =	vtrunc.f32 v50;
	v59 =	vsub.f32 v32, v34  }
0x139: {  	v45 =	vadd.f32 v62, v29;
	v63 =	vtrunc.f32 v60;
	v43 =	vtrunc.f32 v52  }
0x13a: {  	v42 =	vld.idx.msk [tilespmem:v46+s3+$0x0], $0xffff;
	v16 =	vadd.f32 v16, v49;
	v37 =	vcvt.f32.s32 v63;
	v50 =	vmul.f32 v59, v59  }
0x13b: {  	v46 =	vadd.f32 v30, v18;
	v18 =	vld [tilespmem:s22+$0x170];
	v34 =	vadd.f32 v61, v21;
	v21 =	vmul.f32 $2.550000000e+02, v23  }
0x13c: {  	v38 =	vld.idx.msk [tilespmem:v53+s3+$0x0], $0xffff;
	v47 =	vmul.f32 $2.550000000e+02, v22;
	v43 =	vcvt.f32.s32 v43;
	v30 =	vadd.f32 v50, v32  }
0x13d: {  	s23 =	simm.s32 $0x2;
	v40 =	vsub.f32 v10, v55;
	v35 =	vtrunc.f32 v21;
	v21 =	vld [tilespmem:s22+$0x140];
	v32 =	vmul.f32 v58, v58  }
.LBB2_6:
0x13e: {  	s23 =	sadd.s32 $0x2, s23;
	v44 =	vld.idx.msk [tilespmem:v44+s3+$0x0], $0xffff;
	v47 =	vtrunc.f32 v47;
	s21 =	sadd.s32 $0x2000, s21;
	v39 =	vmul.f32 v39, v39;
	v29 =	vadd.f32 v30, v46  }
0x13f: {  	v41 =	vcvt.f32.s32 v41;
	v42 =	vsub.f32 v15, v42;
	s24 =	sand.u32 $0x2000, s21;
	s25 =	sshll.u32 s23, $0x7;
	s26 =	sshll.u32 s23, $0x5;
	v46 =	vcvt.f32.s32 v47;
	v30 =	vld [tilespmem:s22+$0x570]  }
0x140: {  	v31 =	vtrunc.f32 v31;
	v40 =	vmul.f32 v40, v40;
	p0 =	slt.u32 s23, $0x17E;
	v24 =	vadd.f32 v45, v24;
	s22 =	sand.u32 $0xF000, s25;
	s24 =	sshrl.u32 s24, $0x2;
	v28 =	vld.idx.msk [tilespmem:v28+s3+$0x0], $0xffff  }
0x141: {  	v31 =	vcvt.f32.s32 v31;
	v47 =	vadd.f32 v32, v1;
	v1 =	vmovc v23;
	s25 =	sand.u32 $0x380, s26;
	s22 =	sor.u32 s24, s22;
	v45 =	vmul.f32 $2.550000000e+02, v18;
	v26 =	vld.idx.msk [tilespmem:v26+s3+$0x0], $0xffff  }
0x142: {  	v42 =	vmul.f32 v42, v42;
	v39 =	vadd.f32 v39, v2;
	v2 =	vmovc v22;
	s22 =	sor.u32 s22, s25;
	v23 =	vmul.f32 $2.550000000e+02, v21;
	v43 =	vld.idx.msk [tilespmem:v43+s3+$0x0], $0xffff  }
0x143: {  	v38 =	vsub.f32 v12, v38;
	v32 =	vadd.f32 v25, v34;
	v22 =	vld [tilespmem:s22+$0x150];
	v45 =	vtrunc.f32 v45  }
0x144: {  	v36 =	vadd.f32 v36, v0;
	v0 =	vmovc v17;
	v23 =	vtrunc.f32 v23;
	v25 =	vld.idx.msk [tilespmem:v37+s3+$0x0], $0xffff;
	v34 =	vcvt.f32.s32 v45  }
0x145: {  	v38 =	vmul.f32 v38, v38;
	v27 =	vadd.f32 v39, v27;
	v37 =	vsub.f32 v14, v44;
	v17 =	vld.idx.msk [tilespmem:v41+s3+$0x0], $0xffff  }
0x146: {  	v6 =	vadd.f32 v36, v6;
	v11 =	vadd.f32 v47, v11;
	v23 =	vcvt.f32.s32 v23;
	v39 =	vld [tilespmem:s22+$0x550]  }
0x147: {  	v36 =	vadd.f32 v42, v15;
	v41 =	vmul.f32 $2.550000000e+02, v30;
	v26 =	vsub.f32 v5, v26;
	v31 =	vld.idx.msk [tilespmem:v31+s3+$0x0], $0xffff  }
0x148: {  	v6 =	vadd.f32 v9, v6;
	v38 =	vadd.f32 v38, v12;
	v37 =	vmul.f32 v37, v37;
	v42 =	vld [tilespmem:s22+$0x560];
	v12 =	vmovc v22  }
0x149: {  	v11 =	vadd.f32 v20, v11;
	v9 =	vmovc v36;
	v22 =	vmul.f32 v26, v26;
	v26 =	vadd.f32 v40, v10;
	v15 =	vld [tilespmem:s22+$0x510]  }
0x14a: {  	v20 =	vtrunc.f32 v33;
	v33 =	vcvt.f32.s32 v35;
	v13 =	vadd.f32 v38, v13;
	v36 =	vld [tilespmem:s22+$0x520]  }
0x14b: {  	v40 =	vsub.f32 v3, v43;
	v25 =	vsub.f32 v19, v25;
	v35 =	vld [tilespmem:s22+$0x100];
	v38 =	vmul.f32 $2.550000000e+02, v39;
	v10 =	vmovc v39  }
0x14c: {  	v14 =	vadd.f32 v37, v14;
	v13 =	vadd.f32 v26, v13;
	v39 =	vcvt.f32.s32 v20;
	v23 =	vld.idx.msk [tilespmem:v23+s3+$0x0], $0xffff  }
0x14d: {  	v17 =	vsub.f32 v7, v17;
	v25 =	vmul.f32 v25, v25;
	v26 =	vsub.f32 v8, v31  }
0x14e: {  	v24 =	vadd.f32 v14, v24;
	v20 =	vtrunc.f32 v38;
	v31 =	vmul.f32 $2.550000000e+02, v42;
	v37 =	vld.idx.msk [tilespmem:v46+s3+$0x0], $0xffff  }
0x14f: {  	v41 =	vtrunc.f32 v41;
	v38 =	vcvt.f32.s32 v20;
	v14 =	vld [tilespmem:s22+$0x130]  }
0x150: {  	v20 =	vadd.f32 v22, v5;
	v22 =	vcvt.f32.s32 v41;
	v43 =	vmul.f32 $2.550000000e+02, v36;
	v5 =	vmovc v36;
	v44 =	vld [tilespmem:s22+$0x540]  }
0x151: {  	v41 =	vsub.f32 v4, v28;
	v31 =	vtrunc.f32 v31;
	v36 =	vmul.f32 v26, v26;
	v34 =	vld.idx.msk [tilespmem:v34+s3+$0x0], $0xffff  }
0x152: {  	v28 =	vcvt.f32.s32 v31;
	v26 =	vtrunc.f32 v43;
	v43 =	vld.idx.msk [tilespmem:v39+s3+$0x0], $0xffff  }
0x153: {  	v26 =	vcvt.f32.s32 v26;
	v39 =	vadd.f32 v25, v19;
	v19 =	vmul.f32 v41, v41;
	v33 =	vld.idx.msk [tilespmem:v33+s3+$0x0], $0xffff  }
0x154: {  	v23 =	vsub.f32 v21, v23;
	v25 =	vmul.f32 v17, v17;
	v41 =	vmul.f32 $2.550000000e+02, v14;
	v48 =	vld [tilespmem:s22+$0x530]  }
0x155: {  	v45 =	vmul.f32 $2.550000000e+02, v15;
	v46 =	vadd.f32 v19, v4;
	v4 =	vmovc v42;
	v17 =	vld [tilespmem:s22+$0x110];
	v31 =	vmul.f32 $2.550000000e+02, v44  }
0x156: {  	v42 =	vmul.f32 $2.550000000e+02, v12;
	v47 =	vadd.f32 v25, v7;
	v25 =	vadd.f32 v36, v8;
	v7 =	vmovc v35;
	v22 =	vld.idx.msk [tilespmem:v22+s3+$0x0], $0xffff  }
0x157: {  	v35 =	vtrunc.f32 v45;
	v16 =	vadd.f32 v39, v16;
	v8 =	vmovc v44;
	v34 =	vsub.f32 v18, v34;
	v19 =	vld [tilespmem:s22+$0x160]  }
0x158: {  	v36 =	vmul.f32 $2.550000000e+02, v7;
	v35 =	vcvt.f32.s32 v35;
	v27 =	vadd.f32 v47, v27  }
0x159: {  	v39 =	vsub.f32 v2, v37;
	v42 =	vtrunc.f32 v42;
	v45 =	vmul.f32 $2.550000000e+02, v48  }
0x15a: {  	v16 =	vadd.f32 v46, v16;
	v37 =	vcvt.f32.s32 v42;
	v34 =	vmul.f32 v34, v34;
	v47 =	vld.idx.msk [tilespmem:v38+s3+$0x0], $0xffff  }
0x15b: {  	v43 =	vsub.f32 v0, v43;
	v42 =	vmul.f32 v23, v23;
	v38 =	vtrunc.f32 v41  }
0x15c: {  	v49 =	vsub.f32 v1, v33;
	v41 =	vtrunc.f32 v36;
	v33 =	vsub.f32 v30, v22;
	v23 =	vld [tilespmem:s22+$0x120]  }
0x15d: {  	v50 =	vmul.f32 v40, v40;
	v21 =	vadd.f32 v42, v21;
	v36 =	vmul.f32 $2.550000000e+02, v19;
	v22 =	vld [tilespmem:s22+$0x500]  }
0x15e: {  	v18 =	vadd.f32 v34, v18;
	v44 =	vcvt.f32.s32 v38;
	v42 =	vld.idx.msk [tilespmem:v35+s3+$0x0], $0xffff;
	v35 =	vmul.f32 v33, v33  }
.Ltmp2:
0x15f: {  	v45 =	vtrunc.f32 v45;
	v34 =	vadd.f32 v21, v32;
	v33 =	vtrunc.f32 v36;
	(pc) =	sbr.rel @p0 .LBB2_6-.Ltmp2, $4  }
0x160: {  	v36 =	vmul.f32 v43, v43;
	v40 =	vsub.f32 v10, v47;
	v38 =	vld.idx.msk [tilespmem:v37+s3+$0x0], $0xffff;
	v37 =	vcvt.f32.s32 v33  }
0x161: {  	v46 =	vadd.f32 v18, v29;
	v33 =	vmul.f32 $2.550000000e+02, v17;
	v21 =	vmul.f32 $2.550000000e+02, v23  }
0x162: {  	v43 =	vcvt.f32.s32 v45;
	v30 =	vadd.f32 v35, v30;
	v18 =	vld [tilespmem:s22+$0x170];
	v47 =	vmul.f32 $2.550000000e+02, v22  }
0x163: {  	v32 =	vmul.f32 v49, v49;
	v45 =	vadd.f32 v50, v3;
	v3 =	vmovc v48;
	v35 =	vtrunc.f32 v21;
	v21 =	vld [tilespmem:s22+$0x140]  }
0x164: {  	v29 =	vtrunc.f32 v47  }
0x165: {  	v39 =	vmul.f32 v39, v39;
	v41 =	vcvt.f32.s32 v41  }
0x166: {  	v52 =	vld [tilespmem:s22+$0x570];
	v31 =	vtrunc.f32 v31;
	v30 =	vadd.f32 v30, v46;
	v33 =	vtrunc.f32 v33  }
0x167: {  	v55 =	vsub.f32 v15, v42;
	v35 =	vcvt.f32.s32 v35;
	v31 =	vcvt.f32.s32 v31  }
0x168: {  	v44 =	vld.idx.msk [tilespmem:v44+s3+$0x0], $0xffff;
	v29 =	vcvt.f32.s32 v29;
	v33 =	vcvt.f32.s32 v33;
	v38 =	vsub.f32 v12, v38  }
0x169: {  	v28 =	vld.idx.msk [tilespmem:v28+s3+$0x0], $0xffff;
	v1 =	vadd.f32 v32, v1;
	v32 =	vmul.f32 v55, v55;
	v49 =	vmul.f32 $2.550000000e+02, v18  }
0x16a: {  	v26 =	vld.idx.msk [tilespmem:v26+s3+$0x0], $0xffff;
	v0 =	vadd.f32 v36, v0;
	v38 =	vmul.f32 v38, v38;
	v48 =	vmul.f32 $2.550000000e+02, v21  }
0x16b: {  	v43 =	vld.idx.msk [tilespmem:v43+s3+$0x0], $0xffff;
	v34 =	vadd.f32 v25, v34;
	v49 =	vtrunc.f32 v49;
	v54 =	vmul.f32 $2.550000000e+02, v52  }
0x16c: {  	v37 =	vld.idx.msk [tilespmem:v37+s3+$0x0], $0xffff;
	v2 =	vadd.f32 v39, v2;
	v48 =	vtrunc.f32 v48;
	v53 =	vcvt.f32.s32 v49  }
0x16d: {  	v0 =	vadd.f32 v0, v6;
	v56 =	vld.idx.msk [tilespmem:v41+s3+$0x0], $0xffff;
	v48 =	vcvt.f32.s32 v48;
	v57 =	vtrunc.f32 v54  }
0x16e: {  	v1 =	vadd.f32 v1, v11;
	v2 =	vadd.f32 v2, v27;
	v31 =	vld.idx.msk [tilespmem:v31+s3+$0x0], $0xffff;
	v58 =	vcvt.f32.s32 v57  }
0x16f: {  	v6 =	vadd.f32 v32, v15;
	v9 =	vadd.f32 v9, v0;
	v27 =	vld.idx.msk [tilespmem:v29+s3+$0x0], $0xffff;
	v29 =	vmul.f32 v40, v40  }
0x170: {  	v25 =	vsub.f32 v14, v44;
	v15 =	vsub.f32 v5, v26;
	v26 =	vld.idx.msk [tilespmem:v33+s3+$0x0], $0xffff  }
0x171: {  	v12 =	vadd.f32 v38, v12;
	v0 =	vadd.f32 v29, v10;
	v10 =	vld.idx.msk [tilespmem:v35+s3+$0x0], $0xffff  }
0x172: {  	v24 =	vadd.f32 v45, v24;
	v60 =	vadd.f32 v20, v1;
	v25 =	vmul.f32 v25, v25;
	v11 =	vld.idx.msk [tilespmem:v53+s3+$0x0], $0xffff  }
0x173: {  	s21 =	simm.s32 $0x0;
	v20 =	vsub.f32 v19, v37;
	v1 =	vadd.f32 v12, v13;
	v15 =	vmul.f32 v15, v15;
	v59 =	vld.idx.msk [tilespmem:v48+s3+$0x0], $0xffff  }
0x174: {  	v29 =	vsub.f32 v3, v43;
	v14 =	vadd.f32 v25, v14;
	v13 =	vld.idx.msk [tilespmem:v58+s3+$0x0], $0xffff;
	[tilespmem:s15], [sflag:$0x1] =	stream.linear.gather [hbm4b:s8+s21], $0xC000, $0x38  }
0x175: {  	s29 =	simm.s32 $0x0;
	s23 =	simm.s32 $0x0;
	v25 =	vsub.f32 v4, v28;
	v5 =	vadd.f32 v15, v5;
	s21 =	sand.u32 $0x2000, s21  }
0x176: {  	s22 =	sand.u32 $0xF000, s29;
	v12 =	vadd.f32 v0, v1;
	v0 =	vsub.f32 v7, v56;
	v1 =	vmul.f32 v20, v20;
	_ =	swait.ge [sflag:s18], $0xC000;
	s21 =	sshrl.u32 s21, $0x2  }
0x177: {  	s23 =	sand.u32 $0x380, s23;
	v14 =	vadd.f32 v14, v24;
	v24 =	vmul.f32 v25, v25;
	v20 =	vsub.f32 v8, v31;
	[sflag:s18] =	ssyncset.done $0x0;
	s21 =	sor.u32 s21, s22  }
0x178: {  	v25 =	vsub.f32 v22, v27;
	v1 =	vadd.f32 v1, v19;
	[sflag:s18] =	ssyncadd.s32 $0xFFFF4000;
	s22 =	sor.u32 s23, s21  }
0x179: {  	v0 =	vmul.f32 v0, v0;
	v4 =	vadd.f32 v24, v4;
	v15 =	vmul.f32 v20, v20;
	v24 =	vld [tilespmem:s22+$0xC550]  }
0x17a: {  	v10 =	vsub.f32 v23, v10;
	v1 =	vadd.f32 v1, v16;
	v16 =	vld [tilespmem:s22+$0xC560]  }
0x17b: {  	v0 =	vadd.f32 v0, v7;
	v8 =	vadd.f32 v15, v8;
	v20 =	vld [tilespmem:s22+$0xC520]  }
0x17c: {  	v7 =	vsub.f32 v18, v11;
	v11 =	vsub.f32 v17, v26;
	v26 =	vmul.f32 v29, v29;
	v62 =	vld [tilespmem:s22+$0xC130]  }
0x17d: {  	v31 =	vadd.f32 v0, v2;
	v0 =	vmul.f32 v10, v10;
	v19 =	vsub.f32 v21, v59;
	v29 =	vld [tilespmem:s22+$0xC530]  }
0x17e: {  	v7 =	vmul.f32 v7, v7;
	v13 =	vsub.f32 v52, v13;
	v11 =	vmul.f32 v11, v11  }
0x17f: {  	v28 =	vld [tilespmem:s22+$0xC510];
	v15 =	vmul.f32 v19, v19;
	v19 =	vadd.f32 v4, v1;
	v4 =	vmul.f32 v25, v25  }
0x180: {  	v3 =	vadd.f32 v26, v3;
	v13 =	vmul.f32 v13, v13;
	v27 =	vmul.f32 $2.550000000e+02, v24  }
0x181: {  	v61 =	vld [tilespmem:s22+$0xC150];
	v2 =	vadd.f32 v15, v21;
	v10 =	vmul.f32 $2.550000000e+02, v16;
	v15 =	vmul.f32 $2.550000000e+02, v20  }
0x182: {  	v32 =	vld [tilespmem:s22+$0xC570];
	v7 =	vadd.f32 v7, v18;
	v26 =	vmul.f32 $2.550000000e+02, v62;
	v47 =	vmul.f32 $2.550000000e+02, v29  }
0x183: {  	v34 =	vadd.f32 v2, v34;
	v1 =	vtrunc.f32 v27;
	v2 =	vtrunc.f32 v10  }
0x184: {  	v63 =	vld [tilespmem:s22+$0xC160];
	v3 =	vadd.f32 v3, v14;
	v21 =	vcvt.f32.s32 v1;
	v1 =	vmul.f32 $2.550000000e+02, v28  }
0x185: {  	v25 =	vld [tilespmem:s22+$0xC100];
	v7 =	vadd.f32 v7, v30;
	v10 =	vtrunc.f32 v15;
	v15 =	vcvt.f32.s32 v2  }
0x186: {  	v40 =	vld [tilespmem:s22+$0xC140];
	v2 =	vadd.f32 v13, v52;
	v13 =	vmul.f32 $2.550000000e+02, v61;
	v1 =	vtrunc.f32 v1  }
0x187: {  	v11 =	vadd.f32 v11, v17;
	v54 =	vmul.f32 $2.550000000e+02, v32;
	v30 =	vcvt.f32.s32 v1  }
0x188: {  	v27 =	vld [tilespmem:s22+$0xC540];
	v14 =	vtrunc.f32 v26;
	v18 =	vadd.f32 v2, v7;
	v2 =	vtrunc.f32 v13  }
0x189: {  	v9 =	vadd.f32 v11, v9;
	v26 =	vmul.f32 $2.550000000e+02, v63;
	v1 =	vld [tilespmem:s22+$0xC120];
	v13 =	vcvt.f32.s32 v2  }
0x18a: {  	v23 =	vadd.f32 v0, v23;
	v14 =	vcvt.f32.s32 v14;
	v7 =	vmul.f32 $2.550000000e+02, v25;
	v2 =	vld [tilespmem:s22+$0xC500]  }
0x18b: {  	v17 =	vtrunc.f32 v47;
	v6 =	vadd.f32 v6, v9;
	v9 =	vmul.f32 $2.550000000e+02, v40;
	v48 =	vld.idx.msk [tilespmem:v21+s3+$0x0], $0xffff  }
0x18c: {  	v0 =	vld [tilespmem:s22+$0xC110];
	v4 =	vadd.f32 v4, v22;
	v17 =	vcvt.f32.s32 v17;
	v7 =	vtrunc.f32 v7  }
0x18d: {  	v10 =	vcvt.f32.s32 v10;
	v7 =	vcvt.f32.s32 v7;
	v21 =	vadd.f32 v8, v34;
	v8 =	vld.idx.msk [tilespmem:v30+s3+$0x0], $0xffff  }
0x18e: {  	v26 =	vtrunc.f32 v26;
	v9 =	vtrunc.f32 v9;
	v30 =	vld [tilespmem:s22+$0xC170]  }
0x18f: {  	v37 =	vadd.f32 v4, v31;
	v22 =	vmul.f32 $2.550000000e+02, v27;
	v4 =	vmul.f32 $2.550000000e+02, v2;
	v11 =	vld.idx.msk [tilespmem:v13+s3+$0x0], $0xffff  }
0x190: {  	v14 =	vld.idx.msk [tilespmem:v14+s3+$0x0], $0xffff;
	v49 =	vmul.f32 $2.550000000e+02, v1;
	v13 =	vcvt.f32.s32 v26;
	v50 =	vsub.f32 v24, v48  }
0x191: {  	v53 =	vld.idx.msk [tilespmem:v15+s3+$0x0], $0xffff;
	v26 =	vmul.f32 $2.550000000e+02, v0;
	v4 =	vtrunc.f32 v4  }
0x192: {  	s21 =	simm.s32 $0x2000;
	v23 =	vadd.f32 v23, v60;
	v17 =	vld.idx.msk [tilespmem:v17+s3+$0x0], $0xffff;
	v51 =	vcvt.f32.s32 v4;
	v15 =	vmul.f32 v50, v50  }
0x193: {  	s31 =	simm.s32 $0x100;
	s30 =	sand.u32 $0x2000, s21;
	v7 =	vld.idx.msk [tilespmem:v7+s3+$0x0], $0xffff;
	v4 =	vsub.f32 v28, v8;
	v8 =	vtrunc.f32 v22;
	v22 =	vmul.f32 $2.550000000e+02, v30  }
0x194: {  	s24 =	simm.s32 $0x40;
	s23 =	sand.u32 $0xF000, s31;
	v52 =	vld.idx.msk [tilespmem:v10+s3+$0x0], $0xffff;
	s22 =	sshrl.u32 s30, $0x2;
	v10 =	vsub.f32 v61, v11;
	v11 =	vadd.f32 v5, v23;
	v23 =	vcvt.f32.s32 v9  }
0x195: {  	s24 =	sand.u32 $0x380, s24;
	s22 =	sor.u32 s22, s23;
	v8 =	vcvt.f32.s32 v8;
	v24 =	vadd.f32 v15, v24;
	v15 =	vtrunc.f32 v26  }
0x196: {  	s22 =	sor.u32 s24, s22;
	v13 =	vld.idx.msk [tilespmem:v13+s3+$0x0], $0xffff;
	v4 =	vmul.f32 v4, v4;
	v5 =	vtrunc.f32 v22  }
0x197: {  	v22 =	vcvt.f32.s32 v5;
	v5 =	vsub.f32 v62, v14;
	v14 =	vmul.f32 v10, v10;
	v10 =	vld [tilespmem:s22+$0xC550]  }
0x198: {  	v42 =	vsub.f32 v29, v17;
	v17 =	vcvt.f32.s32 v15;
	v15 =	vld [tilespmem:s22+$0xC510];
	v58 =	vsub.f32 v25, v7  }
0x199: {  	v31 =	vtrunc.f32 v49;
	v9 =	vadd.f32 v4, v28;
	v4 =	vld [tilespmem:s22+$0xC560];
	v14 =	vadd.f32 v14, v61  }
0x19a: {  	v56 =	vcvt.f32.s32 v31;
	v28 =	vsub.f32 v20, v52;
	v55 =	vmul.f32 v5, v5;
	v5 =	vld [tilespmem:s22+$0xC520]  }
0x19b: {  	v38 =	vld.idx.msk [tilespmem:v51+s3+$0x0], $0xffff;
	v43 =	vmul.f32 v58, v58;
	v26 =	vsub.f32 v63, v13;
	v14 =	vadd.f32 v14, v12  }
0x19c: {  	v28 =	vmul.f32 v28, v28;
	v23 =	vld.idx.msk [tilespmem:v23+s3+$0x0], $0xffff;
	v35 =	vadd.f32 v55, v62;
	v31 =	vmul.f32 $2.550000000e+02, v10  }
0x19d: {  	v43 =	vadd.f32 v43, v25;
	v8 =	vld.idx.msk [tilespmem:v8+s3+$0x0], $0xffff;
	v57 =	vmul.f32 v26, v26;
	v13 =	vadd.f32 v24, v14  }
0x19e: {  	v12 =	vld [tilespmem:s22+$0xC150];
	v26 =	vmul.f32 $2.550000000e+02, v4;
	v24 =	vadd.f32 v35, v3;
	v7 =	vtrunc.f32 v31  }
0x19f: {  	v3 =	vmul.f32 $2.550000000e+02, v5;
	v36 =	vadd.f32 v57, v63;
	v63 =	vld.idx.msk [tilespmem:v17+s3+$0x0], $0xffff;
	v17 =	vmul.f32 $2.550000000e+02, v15  }
0x1a0: {  	v20 =	vadd.f32 v28, v20;
	v14 =	vld [tilespmem:s22+$0xC130];
	v59 =	vcvt.f32.s32 v7;
	v7 =	vtrunc.f32 v54  }
0x1a1: {  	v39 =	vsub.f32 v2, v38;
	v22 =	vld.idx.msk [tilespmem:v22+s3+$0x0], $0xffff;
	v26 =	vtrunc.f32 v26;
	v34 =	vcvt.f32.s32 v7  }
0x1a2: {  	v33 =	vld.idx.msk [tilespmem:v56+s3+$0x0], $0xffff;
	v23 =	vsub.f32 v40, v23;
	v3 =	vtrunc.f32 v3;
	v28 =	vcvt.f32.s32 v26  }
0x1a3: {  	v31 =	vsub.f32 v27, v8;
	v8 =	vld [tilespmem:s22+$0xC540];
	v48 =	vmul.f32 $2.550000000e+02, v12;
	v17 =	vtrunc.f32 v17  }
0x1a4: {  	v7 =	vld [tilespmem:s22+$0xC100];
	v49 =	vadd.f32 v36, v19;
	v26 =	vcvt.f32.s32 v3;
	v46 =	vcvt.f32.s32 v17  }
0x1a5: {  	v19 =	vld [tilespmem:s22+$0xC160];
	v57 =	vmul.f32 v23, v23;
	v60 =	vmul.f32 v31, v31;
	v31 =	vsub.f32 v16, v53  }
0x1a6: {  	v3 =	vld [tilespmem:s22+$0xC530];
	v62 =	vmul.f32 $2.550000000e+02, v14;
	v22 =	vsub.f32 v30, v22;
	v51 =	vtrunc.f32 v48  }
0x1a7: {  	v58 =	vsub.f32 v1, v33;
	v17 =	vld [tilespmem:s22+$0xC110];
	v53 =	vcvt.f32.s32 v51;
	v61 =	vmul.f32 v31, v31  }
0x1a8: {  	v45 =	vsub.f32 v0, v63;
	v54 =	vmul.f32 v22, v22;
	v56 =	vtrunc.f32 v62;
	v34 =	vld.idx.msk [tilespmem:v34+s3+$0x0], $0xffff  }
0x1a9: {  	v25 =	vadd.f32 v60, v27;
	v62 =	vmul.f32 v42, v42;
	v31 =	vmul.f32 $2.550000000e+02, v8  }
0x1aa: {  	v27 =	vadd.f32 v43, v37;
	v50 =	vmul.f32 $2.550000000e+02, v7;
	v60 =	vmul.f32 $2.550000000e+02, v19  }
0x1ab: {  	v23 =	vld [tilespmem:s22+$0xC120];
	v44 =	vcvt.f32.s32 v56;
	v36 =	vmul.f32 v45, v45;
	v16 =	vadd.f32 v61, v16  }
0x1ac: {  	v22 =	vld [tilespmem:s22+$0xC500];
	v52 =	vmul.f32 $2.550000000e+02, v3;
	v61 =	vadd.f32 v57, v40;
	v30 =	vadd.f32 v54, v30  }
0x1ad: {  	v55 =	vld.idx.msk [tilespmem:v59+s3+$0x0], $0xffff;
	v33 =	vmul.f32 $2.550000000e+02, v17;
	v41 =	vtrunc.f32 v50;
	v59 =	vsub.f32 v32, v34  }
0x1ae: {  	v45 =	vadd.f32 v62, v29;
	v63 =	vtrunc.f32 v60;
	v43 =	vtrunc.f32 v52  }
0x1af: {  	v42 =	vld.idx.msk [tilespmem:v46+s3+$0x0], $0xffff;
	v16 =	vadd.f32 v16, v49;
	v37 =	vcvt.f32.s32 v63;
	v50 =	vmul.f32 v59, v59  }
0x1b0: {  	v46 =	vadd.f32 v30, v18;
	v18 =	vld [tilespmem:s22+$0xC170];
	v34 =	vadd.f32 v61, v21;
	v21 =	vmul.f32 $2.550000000e+02, v23  }
0x1b1: {  	v38 =	vld.idx.msk [tilespmem:v53+s3+$0x0], $0xffff;
	v47 =	vmul.f32 $2.550000000e+02, v22;
	v43 =	vcvt.f32.s32 v43;
	v30 =	vadd.f32 v50, v32  }
0x1b2: {  	s23 =	simm.s32 $0x2;
	v40 =	vsub.f32 v10, v55;
	v35 =	vtrunc.f32 v21;
	v21 =	vld [tilespmem:s22+$0xC140];
	v32 =	vmul.f32 v58, v58  }
.LBB2_8:
0x1b3: {  	s23 =	sadd.s32 $0x2, s23;
	v44 =	vld.idx.msk [tilespmem:v44+s3+$0x0], $0xffff;
	v47 =	vtrunc.f32 v47;
	s21 =	sadd.s32 $0x2000, s21;
	v39 =	vmul.f32 v39, v39;
	v29 =	vadd.f32 v30, v46  }
0x1b4: {  	v41 =	vcvt.f32.s32 v41;
	v42 =	vsub.f32 v15, v42;
	s24 =	sand.u32 $0x2000, s21;
	s25 =	sshll.u32 s23, $0x7;
	s26 =	sshll.u32 s23, $0x5;
	v46 =	vcvt.f32.s32 v47;
	v30 =	vld [tilespmem:s22+$0xC570]  }
0x1b5: {  	v31 =	vtrunc.f32 v31;
	v40 =	vmul.f32 v40, v40;
	p0 =	slt.u32 s23, $0x17E;
	v24 =	vadd.f32 v45, v24;
	s22 =	sand.u32 $0xF000, s25;
	s24 =	sshrl.u32 s24, $0x2;
	v28 =	vld.idx.msk [tilespmem:v28+s3+$0x0], $0xffff  }
0x1b6: {  	v31 =	vcvt.f32.s32 v31;
	v47 =	vadd.f32 v32, v1;
	v1 =	vmovc v23;
	s25 =	sand.u32 $0x380, s26;
	s22 =	sor.u32 s24, s22;
	v45 =	vmul.f32 $2.550000000e+02, v18;
	v26 =	vld.idx.msk [tilespmem:v26+s3+$0x0], $0xffff  }
0x1b7: {  	v42 =	vmul.f32 v42, v42;
	v39 =	vadd.f32 v39, v2;
	v2 =	vmovc v22;
	s22 =	sor.u32 s25, s22;
	v23 =	vmul.f32 $2.550000000e+02, v21;
	v43 =	vld.idx.msk [tilespmem:v43+s3+$0x0], $0xffff  }
0x1b8: {  	v38 =	vsub.f32 v12, v38;
	v32 =	vadd.f32 v25, v34;
	v22 =	vld [tilespmem:s22+$0xC150];
	v45 =	vtrunc.f32 v45  }
0x1b9: {  	v36 =	vadd.f32 v36, v0;
	v0 =	vmovc v17;
	v23 =	vtrunc.f32 v23;
	v25 =	vld.idx.msk [tilespmem:v37+s3+$0x0], $0xffff;
	v34 =	vcvt.f32.s32 v45  }
0x1ba: {  	v38 =	vmul.f32 v38, v38;
	v27 =	vadd.f32 v39, v27;
	v37 =	vsub.f32 v14, v44;
	v17 =	vld.idx.msk [tilespmem:v41+s3+$0x0], $0xffff  }
0x1bb: {  	v6 =	vadd.f32 v36, v6;
	v11 =	vadd.f32 v47, v11;
	v23 =	vcvt.f32.s32 v23;
	v39 =	vld [tilespmem:s22+$0xC550]  }
0x1bc: {  	v36 =	vadd.f32 v42, v15;
	v41 =	vmul.f32 $2.550000000e+02, v30;
	v26 =	vsub.f32 v5, v26;
	v31 =	vld.idx.msk [tilespmem:v31+s3+$0x0], $0xffff  }
0x1bd: {  	v6 =	vadd.f32 v9, v6;
	v38 =	vadd.f32 v38, v12;
	v37 =	vmul.f32 v37, v37;
	v42 =	vld [tilespmem:s22+$0xC560];
	v12 =	vmovc v22  }
0x1be: {  	v11 =	vadd.f32 v20, v11;
	v9 =	vmovc v36;
	v22 =	vmul.f32 v26, v26;
	v26 =	vadd.f32 v40, v10;
	v15 =	vld [tilespmem:s22+$0xC510]  }
0x1bf: {  	v20 =	vtrunc.f32 v33;
	v33 =	vcvt.f32.s32 v35;
	v13 =	vadd.f32 v38, v13;
	v36 =	vld [tilespmem:s22+$0xC520]  }
0x1c0: {  	v40 =	vsub.f32 v3, v43;
	v25 =	vsub.f32 v19, v25;
	v35 =	vld [tilespmem:s22+$0xC100];
	v38 =	vmul.f32 $2.550000000e+02, v39;
	v10 =	vmovc v39  }
0x1c1: {  	v14 =	vadd.f32 v37, v14;
	v13 =	vadd.f32 v26, v13;
	v39 =	vcvt.f32.s32 v20;
	v23 =	vld.idx.msk [tilespmem:v23+s3+$0x0], $0xffff  }
0x1c2: {  	v17 =	vsub.f32 v7, v17;
	v25 =	vmul.f32 v25, v25;
	v26 =	vsub.f32 v8, v31  }
0x1c3: {  	v24 =	vadd.f32 v14, v24;
	v20 =	vtrunc.f32 v38;
	v31 =	vmul.f32 $2.550000000e+02, v42;
	v37 =	vld.idx.msk [tilespmem:v46+s3+$0x0], $0xffff  }
0x1c4: {  	v41 =	vtrunc.f32 v41;
	v38 =	vcvt.f32.s32 v20;
	v14 =	vld [tilespmem:s22+$0xC130]  }
0x1c5: {  	v20 =	vadd.f32 v22, v5;
	v22 =	vcvt.f32.s32 v41;
	v43 =	vmul.f32 $2.550000000e+02, v36;
	v5 =	vmovc v36;
	v44 =	vld [tilespmem:s22+$0xC540]  }
0x1c6: {  	v41 =	vsub.f32 v4, v28;
	v31 =	vtrunc.f32 v31;
	v36 =	vmul.f32 v26, v26;
	v34 =	vld.idx.msk [tilespmem:v34+s3+$0x0], $0xffff  }
0x1c7: {  	v28 =	vcvt.f32.s32 v31;
	v26 =	vtrunc.f32 v43;
	v43 =	vld.idx.msk [tilespmem:v39+s3+$0x0], $0xffff  }
0x1c8: {  	v26 =	vcvt.f32.s32 v26;
	v39 =	vadd.f32 v25, v19;
	v19 =	vmul.f32 v41, v41;
	v33 =	vld.idx.msk [tilespmem:v33+s3+$0x0], $0xffff  }
0x1c9: {  	v23 =	vsub.f32 v21, v23;
	v25 =	vmul.f32 v17, v17;
	v41 =	vmul.f32 $2.550000000e+02, v14;
	v48 =	vld [tilespmem:s22+$0xC530]  }
0x1ca: {  	v45 =	vmul.f32 $2.550000000e+02, v15;
	v46 =	vadd.f32 v19, v4;
	v4 =	vmovc v42;
	v17 =	vld [tilespmem:s22+$0xC110];
	v31 =	vmul.f32 $2.550000000e+02, v44  }
0x1cb: {  	v42 =	vmul.f32 $2.550000000e+02, v12;
	v47 =	vadd.f32 v25, v7;
	v25 =	vadd.f32 v36, v8;
	v7 =	vmovc v35;
	v22 =	vld.idx.msk [tilespmem:v22+s3+$0x0], $0xffff  }
0x1cc: {  	v35 =	vtrunc.f32 v45;
	v16 =	vadd.f32 v39, v16;
	v8 =	vmovc v44;
	v34 =	vsub.f32 v18, v34;
	v19 =	vld [tilespmem:s22+$0xC160]  }
0x1cd: {  	v36 =	vmul.f32 $2.550000000e+02, v7;
	v35 =	vcvt.f32.s32 v35;
	v27 =	vadd.f32 v47, v27  }
0x1ce: {  	v39 =	vsub.f32 v2, v37;
	v42 =	vtrunc.f32 v42;
	v45 =	vmul.f32 $2.550000000e+02, v48  }
0x1cf: {  	v16 =	vadd.f32 v46, v16;
	v37 =	vcvt.f32.s32 v42;
	v34 =	vmul.f32 v34, v34;
	v47 =	vld.idx.msk [tilespmem:v38+s3+$0x0], $0xffff  }
0x1d0: {  	v43 =	vsub.f32 v0, v43;
	v42 =	vmul.f32 v23, v23;
	v38 =	vtrunc.f32 v41  }
0x1d1: {  	v49 =	vsub.f32 v1, v33;
	v41 =	vtrunc.f32 v36;
	v33 =	vsub.f32 v30, v22;
	v23 =	vld [tilespmem:s22+$0xC120]  }
0x1d2: {  	v50 =	vmul.f32 v40, v40;
	v21 =	vadd.f32 v42, v21;
	v36 =	vmul.f32 $2.550000000e+02, v19;
	v22 =	vld [tilespmem:s22+$0xC500]  }
0x1d3: {  	v18 =	vadd.f32 v34, v18;
	v44 =	vcvt.f32.s32 v38;
	v42 =	vld.idx.msk [tilespmem:v35+s3+$0x0], $0xffff;
	v35 =	vmul.f32 v33, v33  }
.Ltmp3:
0x1d4: {  	v45 =	vtrunc.f32 v45;
	v34 =	vadd.f32 v21, v32;
	v33 =	vtrunc.f32 v36;
	(pc) =	sbr.rel @p0 .LBB2_8-.Ltmp3, $4  }
0x1d5: {  	v36 =	vmul.f32 v43, v43;
	v40 =	vsub.f32 v10, v47;
	v38 =	vld.idx.msk [tilespmem:v37+s3+$0x0], $0xffff;
	v37 =	vcvt.f32.s32 v33  }
0x1d6: {  	v46 =	vadd.f32 v18, v29;
	v33 =	vmul.f32 $2.550000000e+02, v17;
	v21 =	vmul.f32 $2.550000000e+02, v23  }
0x1d7: {  	v43 =	vcvt.f32.s32 v45;
	v30 =	vadd.f32 v35, v30;
	v18 =	vld [tilespmem:s22+$0xC170];
	v47 =	vmul.f32 $2.550000000e+02, v22  }
0x1d8: {  	v32 =	vmul.f32 v49, v49;
	v45 =	vadd.f32 v50, v3;
	v3 =	vmovc v48;
	v35 =	vtrunc.f32 v21;
	v21 =	vld [tilespmem:s22+$0xC140]  }
0x1d9: {  	v29 =	vtrunc.f32 v47  }
0x1da: {  	v39 =	vmul.f32 v39, v39;
	v41 =	vcvt.f32.s32 v41  }
0x1db: {  	v52 =	vld [tilespmem:s22+$0xC570];
	v31 =	vtrunc.f32 v31;
	v30 =	vadd.f32 v30, v46;
	v33 =	vtrunc.f32 v33  }
0x1dc: {  	v55 =	vsub.f32 v15, v42;
	v35 =	vcvt.f32.s32 v35;
	v31 =	vcvt.f32.s32 v31  }
0x1dd: {  	v44 =	vld.idx.msk [tilespmem:v44+s3+$0x0], $0xffff;
	v29 =	vcvt.f32.s32 v29;
	v33 =	vcvt.f32.s32 v33;
	v38 =	vsub.f32 v12, v38  }
0x1de: {  	v28 =	vld.idx.msk [tilespmem:v28+s3+$0x0], $0xffff;
	v1 =	vadd.f32 v32, v1;
	v32 =	vmul.f32 v55, v55;
	v49 =	vmul.f32 $2.550000000e+02, v18  }
0x1df: {  	v26 =	vld.idx.msk [tilespmem:v26+s3+$0x0], $0xffff;
	v0 =	vadd.f32 v36, v0;
	v38 =	vmul.f32 v38, v38;
	v48 =	vmul.f32 $2.550000000e+02, v21  }
0x1e0: {  	v43 =	vld.idx.msk [tilespmem:v43+s3+$0x0], $0xffff;
	v34 =	vadd.f32 v25, v34;
	v49 =	vtrunc.f32 v49;
	v54 =	vmul.f32 $2.550000000e+02, v52  }
0x1e1: {  	v37 =	vld.idx.msk [tilespmem:v37+s3+$0x0], $0xffff;
	v2 =	vadd.f32 v39, v2;
	v48 =	vtrunc.f32 v48;
	v53 =	vcvt.f32.s32 v49  }
0x1e2: {  	v0 =	vadd.f32 v0, v6;
	v56 =	vld.idx.msk [tilespmem:v41+s3+$0x0], $0xffff;
	v48 =	vcvt.f32.s32 v48;
	v57 =	vtrunc.f32 v54  }
0x1e3: {  	v1 =	vadd.f32 v1, v11;
	v2 =	vadd.f32 v2, v27;
	v31 =	vld.idx.msk [tilespmem:v31+s3+$0x0], $0xffff;
	v58 =	vcvt.f32.s32 v57  }
0x1e4: {  	v6 =	vadd.f32 v32, v15;
	v9 =	vadd.f32 v9, v0;
	v27 =	vld.idx.msk [tilespmem:v29+s3+$0x0], $0xffff;
	v29 =	vmul.f32 v40, v40  }
0x1e5: {  	v25 =	vsub.f32 v14, v44;
	v15 =	vsub.f32 v5, v26;
	v26 =	vld.idx.msk [tilespmem:v33+s3+$0x0], $0xffff  }
0x1e6: {  	v12 =	vadd.f32 v38, v12;
	v0 =	vadd.f32 v29, v10;
	v10 =	vld.idx.msk [tilespmem:v35+s3+$0x0], $0xffff  }
0x1e7: {  	v24 =	vadd.f32 v45, v24;
	v60 =	vadd.f32 v20, v1;
	v25 =	vmul.f32 v25, v25;
	v11 =	vld.idx.msk [tilespmem:v53+s3+$0x0], $0xffff  }
0x1e8: {  	s21 =	simm.s32 $0x0;
	v20 =	vsub.f32 v19, v37;
	v1 =	vadd.f32 v12, v13;
	v15 =	vmul.f32 v15, v15;
	v59 =	vld.idx.msk [tilespmem:v48+s3+$0x0], $0xffff  }
0x1e9: {  	v29 =	vsub.f32 v3, v43;
	v14 =	vadd.f32 v25, v14;
	v13 =	vld.idx.msk [tilespmem:v58+s3+$0x0], $0xffff;
	[tilespmem:s16], [sflag:$0x2] =	stream.linear.gather [hbm4b:s9+s21], $0xC000, $0x38  }
0x1ea: {  	s29 =	simm.s32 $0x0;
	s23 =	simm.s32 $0x0;
	v25 =	vsub.f32 v4, v28;
	v5 =	vadd.f32 v15, v5;
	s21 =	sand.u32 $0x2000, s21  }
0x1eb: {  	s22 =	sand.u32 $0xF000, s29;
	v12 =	vadd.f32 v0, v1;
	v0 =	vsub.f32 v7, v56;
	v1 =	vmul.f32 v20, v20;
	_ =	swait.ge [sflag:s17], $0xC000;
	s21 =	sshrl.u32 s21, $0x2  }
0x1ec: {  	s23 =	sand.u32 $0x380, s23;
	v14 =	vadd.f32 v14, v24;
	v24 =	vmul.f32 v25, v25;
	v20 =	vsub.f32 v8, v31;
	[sflag:s17] =	ssyncset.done $0x0;
	s21 =	sor.u32 s21, s22  }
0x1ed: {  	v25 =	vsub.f32 v22, v27;
	v1 =	vadd.f32 v1, v19;
	[sflag:s17] =	ssyncadd.s32 $0xFFFF4000;
	s22 =	sor.u32 s21, s23  }
0x1ee: {  	v0 =	vmul.f32 v0, v0;
	v4 =	vadd.f32 v24, v4;
	v15 =	vmul.f32 v20, v20;
	v24 =	vld [tilespmem:s22+$0x550]  }
0x1ef: {  	v10 =	vsub.f32 v23, v10;
	v1 =	vadd.f32 v1, v16;
	v16 =	vld [tilespmem:s22+$0x560]  }
0x1f0: {  	v0 =	vadd.f32 v0, v7;
	v8 =	vadd.f32 v15, v8;
	v20 =	vld [tilespmem:s22+$0x520]  }
0x1f1: {  	v7 =	vsub.f32 v18, v11;
	v11 =	vsub.f32 v17, v26;
	v26 =	vmul.f32 v29, v29;
	v62 =	vld [tilespmem:s22+$0x130]  }
0x1f2: {  	v31 =	vadd.f32 v0, v2;
	v0 =	vmul.f32 v10, v10;
	v19 =	vsub.f32 v21, v59;
	v29 =	vld [tilespmem:s22+$0x530]  }
0x1f3: {  	v7 =	vmul.f32 v7, v7;
	v13 =	vsub.f32 v52, v13;
	v11 =	vmul.f32 v11, v11  }
0x1f4: {  	v28 =	vld [tilespmem:s22+$0x510];
	v15 =	vmul.f32 v19, v19;
	v19 =	vadd.f32 v4, v1;
	v4 =	vmul.f32 v25, v25  }
0x1f5: {  	v3 =	vadd.f32 v26, v3;
	v13 =	vmul.f32 v13, v13;
	v27 =	vmul.f32 $2.550000000e+02, v24  }
0x1f6: {  	v61 =	vld [tilespmem:s22+$0x150];
	v2 =	vadd.f32 v15, v21;
	v10 =	vmul.f32 $2.550000000e+02, v16;
	v15 =	vmul.f32 $2.550000000e+02, v20  }
0x1f7: {  	v32 =	vld [tilespmem:s22+$0x570];
	v7 =	vadd.f32 v7, v18;
	v26 =	vmul.f32 $2.550000000e+02, v62;
	v47 =	vmul.f32 $2.550000000e+02, v29  }
0x1f8: {  	v34 =	vadd.f32 v2, v34;
	v1 =	vtrunc.f32 v27;
	v2 =	vtrunc.f32 v10  }
0x1f9: {  	v63 =	vld [tilespmem:s22+$0x160];
	v3 =	vadd.f32 v3, v14;
	v21 =	vcvt.f32.s32 v1;
	v1 =	vmul.f32 $2.550000000e+02, v28  }
0x1fa: {  	v25 =	vld [tilespmem:s22+$0x100];
	v7 =	vadd.f32 v7, v30;
	v10 =	vtrunc.f32 v15;
	v15 =	vcvt.f32.s32 v2  }
0x1fb: {  	v40 =	vld [tilespmem:s22+$0x140];
	v2 =	vadd.f32 v13, v52;
	v13 =	vmul.f32 $2.550000000e+02, v61;
	v1 =	vtrunc.f32 v1  }
0x1fc: {  	v11 =	vadd.f32 v11, v17;
	v54 =	vmul.f32 $2.550000000e+02, v32;
	v30 =	vcvt.f32.s32 v1  }
0x1fd: {  	v27 =	vld [tilespmem:s22+$0x540];
	v14 =	vtrunc.f32 v26;
	v18 =	vadd.f32 v2, v7;
	v2 =	vtrunc.f32 v13  }
0x1fe: {  	v9 =	vadd.f32 v11, v9;
	v26 =	vmul.f32 $2.550000000e+02, v63;
	v1 =	vld [tilespmem:s22+$0x120];
	v13 =	vcvt.f32.s32 v2  }
0x1ff: {  	v23 =	vadd.f32 v0, v23;
	v14 =	vcvt.f32.s32 v14;
	v7 =	vmul.f32 $2.550000000e+02, v25;
	v2 =	vld [tilespmem:s22+$0x500]  }
0x200: {  	v17 =	vtrunc.f32 v47;
	v6 =	vadd.f32 v6, v9;
	v9 =	vmul.f32 $2.550000000e+02, v40;
	v48 =	vld.idx.msk [tilespmem:v21+s3+$0x0], $0xffff  }
0x201: {  	v0 =	vld [tilespmem:s22+$0x110];
	v4 =	vadd.f32 v4, v22;
	v17 =	vcvt.f32.s32 v17;
	v7 =	vtrunc.f32 v7  }
0x202: {  	v10 =	vcvt.f32.s32 v10;
	v7 =	vcvt.f32.s32 v7;
	v21 =	vadd.f32 v8, v34;
	v8 =	vld.idx.msk [tilespmem:v30+s3+$0x0], $0xffff  }
0x203: {  	v26 =	vtrunc.f32 v26;
	v9 =	vtrunc.f32 v9;
	v30 =	vld [tilespmem:s22+$0x170]  }
0x204: {  	v37 =	vadd.f32 v4, v31;
	v22 =	vmul.f32 $2.550000000e+02, v27;
	v4 =	vmul.f32 $2.550000000e+02, v2;
	v11 =	vld.idx.msk [tilespmem:v13+s3+$0x0], $0xffff  }
0x205: {  	v14 =	vld.idx.msk [tilespmem:v14+s3+$0x0], $0xffff;
	v49 =	vmul.f32 $2.550000000e+02, v1;
	v13 =	vcvt.f32.s32 v26;
	v50 =	vsub.f32 v24, v48  }
0x206: {  	v53 =	vld.idx.msk [tilespmem:v15+s3+$0x0], $0xffff;
	v26 =	vmul.f32 $2.550000000e+02, v0;
	v4 =	vtrunc.f32 v4  }
0x207: {  	s21 =	simm.s32 $0x2000;
	v23 =	vadd.f32 v23, v60;
	v17 =	vld.idx.msk [tilespmem:v17+s3+$0x0], $0xffff;
	v51 =	vcvt.f32.s32 v4;
	v15 =	vmul.f32 v50, v50  }
0x208: {  	s31 =	simm.s32 $0x100;
	s30 =	sand.u32 $0x2000, s21;
	v7 =	vld.idx.msk [tilespmem:v7+s3+$0x0], $0xffff;
	v4 =	vsub.f32 v28, v8;
	v8 =	vtrunc.f32 v22;
	v22 =	vmul.f32 $2.550000000e+02, v30  }
0x209: {  	s24 =	simm.s32 $0x40;
	s23 =	sand.u32 $0xF000, s31;
	v52 =	vld.idx.msk [tilespmem:v10+s3+$0x0], $0xffff;
	s22 =	sshrl.u32 s30, $0x2;
	v10 =	vsub.f32 v61, v11;
	v11 =	vadd.f32 v5, v23;
	v23 =	vcvt.f32.s32 v9  }
0x20a: {  	s24 =	sand.u32 $0x380, s24;
	s22 =	sor.u32 s22, s23;
	v8 =	vcvt.f32.s32 v8;
	v24 =	vadd.f32 v15, v24;
	v15 =	vtrunc.f32 v26  }
0x20b: {  	s22 =	sor.u32 s22, s24;
	v13 =	vld.idx.msk [tilespmem:v13+s3+$0x0], $0xffff;
	v4 =	vmul.f32 v4, v4;
	v5 =	vtrunc.f32 v22  }
0x20c: {  	v22 =	vcvt.f32.s32 v5;
	v5 =	vsub.f32 v62, v14;
	v14 =	vmul.f32 v10, v10;
	v10 =	vld [tilespmem:s22+$0x550]  }
0x20d: {  	v42 =	vsub.f32 v29, v17;
	v17 =	vcvt.f32.s32 v15;
	v15 =	vld [tilespmem:s22+$0x510];
	v58 =	vsub.f32 v25, v7  }
0x20e: {  	v31 =	vtrunc.f32 v49;
	v9 =	vadd.f32 v4, v28;
	v4 =	vld [tilespmem:s22+$0x560];
	v14 =	vadd.f32 v14, v61  }
0x20f: {  	v56 =	vcvt.f32.s32 v31;
	v28 =	vsub.f32 v20, v52;
	v55 =	vmul.f32 v5, v5;
	v5 =	vld [tilespmem:s22+$0x520]  }
0x210: {  	v38 =	vld.idx.msk [tilespmem:v51+s3+$0x0], $0xffff;
	v43 =	vmul.f32 v58, v58;
	v26 =	vsub.f32 v63, v13;
	v14 =	vadd.f32 v14, v12  }
0x211: {  	v28 =	vmul.f32 v28, v28;
	v23 =	vld.idx.msk [tilespmem:v23+s3+$0x0], $0xffff;
	v35 =	vadd.f32 v55, v62;
	v31 =	vmul.f32 $2.550000000e+02, v10  }
0x212: {  	v43 =	vadd.f32 v43, v25;
	v8 =	vld.idx.msk [tilespmem:v8+s3+$0x0], $0xffff;
	v57 =	vmul.f32 v26, v26;
	v13 =	vadd.f32 v24, v14  }
0x213: {  	v12 =	vld [tilespmem:s22+$0x150];
	v26 =	vmul.f32 $2.550000000e+02, v4;
	v24 =	vadd.f32 v35, v3;
	v7 =	vtrunc.f32 v31  }
0x214: {  	v3 =	vmul.f32 $2.550000000e+02, v5;
	v36 =	vadd.f32 v57, v63;
	v63 =	vld.idx.msk [tilespmem:v17+s3+$0x0], $0xffff;
	v17 =	vmul.f32 $2.550000000e+02, v15  }
0x215: {  	v20 =	vadd.f32 v28, v20;
	v14 =	vld [tilespmem:s22+$0x130];
	v59 =	vcvt.f32.s32 v7;
	v7 =	vtrunc.f32 v54  }
0x216: {  	v39 =	vsub.f32 v2, v38;
	v22 =	vld.idx.msk [tilespmem:v22+s3+$0x0], $0xffff;
	v26 =	vtrunc.f32 v26;
	v34 =	vcvt.f32.s32 v7  }
0x217: {  	v33 =	vld.idx.msk [tilespmem:v56+s3+$0x0], $0xffff;
	v23 =	vsub.f32 v40, v23;
	v3 =	vtrunc.f32 v3;
	v28 =	vcvt.f32.s32 v26  }
0x218: {  	v31 =	vsub.f32 v27, v8;
	v8 =	vld [tilespmem:s22+$0x540];
	v48 =	vmul.f32 $2.550000000e+02, v12;
	v17 =	vtrunc.f32 v17  }
0x219: {  	v7 =	vld [tilespmem:s22+$0x100];
	v49 =	vadd.f32 v36, v19;
	v26 =	vcvt.f32.s32 v3;
	v46 =	vcvt.f32.s32 v17  }
0x21a: {  	v19 =	vld [tilespmem:s22+$0x160];
	v57 =	vmul.f32 v23, v23;
	v60 =	vmul.f32 v31, v31;
	v31 =	vsub.f32 v16, v53  }
0x21b: {  	v3 =	vld [tilespmem:s22+$0x530];
	v62 =	vmul.f32 $2.550000000e+02, v14;
	v22 =	vsub.f32 v30, v22;
	v51 =	vtrunc.f32 v48  }
0x21c: {  	v58 =	vsub.f32 v1, v33;
	v17 =	vld [tilespmem:s22+$0x110];
	v53 =	vcvt.f32.s32 v51;
	v61 =	vmul.f32 v31, v31  }
0x21d: {  	v45 =	vsub.f32 v0, v63;
	v54 =	vmul.f32 v22, v22;
	v56 =	vtrunc.f32 v62;
	v34 =	vld.idx.msk [tilespmem:v34+s3+$0x0], $0xffff  }
0x21e: {  	v25 =	vadd.f32 v60, v27;
	v62 =	vmul.f32 v42, v42;
	v31 =	vmul.f32 $2.550000000e+02, v8  }
0x21f: {  	v27 =	vadd.f32 v43, v37;
	v50 =	vmul.f32 $2.550000000e+02, v7;
	v60 =	vmul.f32 $2.550000000e+02, v19  }
0x220: {  	v23 =	vld [tilespmem:s22+$0x120];
	v44 =	vcvt.f32.s32 v56;
	v36 =	vmul.f32 v45, v45;
	v16 =	vadd.f32 v61, v16  }
0x221: {  	v22 =	vld [tilespmem:s22+$0x500];
	v52 =	vmul.f32 $2.550000000e+02, v3;
	v61 =	vadd.f32 v57, v40;
	v30 =	vadd.f32 v54, v30  }
0x222: {  	v55 =	vld.idx.msk [tilespmem:v59+s3+$0x0], $0xffff;
	v33 =	vmul.f32 $2.550000000e+02, v17;
	v41 =	vtrunc.f32 v50;
	v59 =	vsub.f32 v32, v34  }
0x223: {  	v45 =	vadd.f32 v62, v29;
	v63 =	vtrunc.f32 v60;
	v43 =	vtrunc.f32 v52  }
0x224: {  	v42 =	vld.idx.msk [tilespmem:v46+s3+$0x0], $0xffff;
	v16 =	vadd.f32 v16, v49;
	v37 =	vcvt.f32.s32 v63;
	v50 =	vmul.f32 v59, v59  }
0x225: {  	v46 =	vadd.f32 v30, v18;
	v18 =	vld [tilespmem:s22+$0x170];
	v34 =	vadd.f32 v61, v21;
	v21 =	vmul.f32 $2.550000000e+02, v23  }
0x226: {  	v38 =	vld.idx.msk [tilespmem:v53+s3+$0x0], $0xffff;
	v47 =	vmul.f32 $2.550000000e+02, v22;
	v43 =	vcvt.f32.s32 v43;
	v30 =	vadd.f32 v50, v32  }
0x227: {  	s23 =	simm.s32 $0x2;
	v40 =	vsub.f32 v10, v55;
	v35 =	vtrunc.f32 v21;
	v21 =	vld [tilespmem:s22+$0x140];
	v32 =	vmul.f32 v58, v58  }
.LBB2_10:
0x228: {  	s23 =	sadd.s32 $0x2, s23;
	v44 =	vld.idx.msk [tilespmem:v44+s3+$0x0], $0xffff;
	v47 =	vtrunc.f32 v47;
	s21 =	sadd.s32 $0x2000, s21;
	v39 =	vmul.f32 v39, v39;
	v29 =	vadd.f32 v30, v46  }
0x229: {  	v41 =	vcvt.f32.s32 v41;
	v42 =	vsub.f32 v15, v42;
	s24 =	sand.u32 $0x2000, s21;
	s25 =	sshll.u32 s23, $0x7;
	s26 =	sshll.u32 s23, $0x5;
	v46 =	vcvt.f32.s32 v47;
	v30 =	vld [tilespmem:s22+$0x570]  }
0x22a: {  	v31 =	vtrunc.f32 v31;
	v40 =	vmul.f32 v40, v40;
	p0 =	slt.u32 s23, $0x17E;
	v24 =	vadd.f32 v45, v24;
	s22 =	sand.u32 $0xF000, s25;
	s24 =	sshrl.u32 s24, $0x2;
	v28 =	vld.idx.msk [tilespmem:v28+s3+$0x0], $0xffff  }
0x22b: {  	v31 =	vcvt.f32.s32 v31;
	v47 =	vadd.f32 v32, v1;
	v1 =	vmovc v23;
	s25 =	sand.u32 $0x380, s26;
	s22 =	sor.u32 s24, s22;
	v45 =	vmul.f32 $2.550000000e+02, v18;
	v26 =	vld.idx.msk [tilespmem:v26+s3+$0x0], $0xffff  }
0x22c: {  	v42 =	vmul.f32 v42, v42;
	v39 =	vadd.f32 v39, v2;
	v2 =	vmovc v22;
	s22 =	sor.u32 s22, s25;
	v23 =	vmul.f32 $2.550000000e+02, v21;
	v43 =	vld.idx.msk [tilespmem:v43+s3+$0x0], $0xffff  }
0x22d: {  	v38 =	vsub.f32 v12, v38;
	v32 =	vadd.f32 v25, v34;
	v22 =	vld [tilespmem:s22+$0x150];
	v45 =	vtrunc.f32 v45  }
0x22e: {  	v36 =	vadd.f32 v36, v0;
	v0 =	vmovc v17;
	v23 =	vtrunc.f32 v23;
	v25 =	vld.idx.msk [tilespmem:v37+s3+$0x0], $0xffff;
	v34 =	vcvt.f32.s32 v45  }
0x22f: {  	v38 =	vmul.f32 v38, v38;
	v27 =	vadd.f32 v39, v27;
	v37 =	vsub.f32 v14, v44;
	v17 =	vld.idx.msk [tilespmem:v41+s3+$0x0], $0xffff  }
0x230: {  	v6 =	vadd.f32 v36, v6;
	v11 =	vadd.f32 v47, v11;
	v23 =	vcvt.f32.s32 v23;
	v39 =	vld [tilespmem:s22+$0x550]  }
0x231: {  	v36 =	vadd.f32 v42, v15;
	v41 =	vmul.f32 $2.550000000e+02, v30;
	v26 =	vsub.f32 v5, v26;
	v31 =	vld.idx.msk [tilespmem:v31+s3+$0x0], $0xffff  }
0x232: {  	v6 =	vadd.f32 v9, v6;
	v38 =	vadd.f32 v38, v12;
	v37 =	vmul.f32 v37, v37;
	v42 =	vld [tilespmem:s22+$0x560];
	v12 =	vmovc v22  }
0x233: {  	v11 =	vadd.f32 v20, v11;
	v9 =	vmovc v36;
	v22 =	vmul.f32 v26, v26;
	v26 =	vadd.f32 v40, v10;
	v15 =	vld [tilespmem:s22+$0x510]  }
0x234: {  	v20 =	vtrunc.f32 v33;
	v33 =	vcvt.f32.s32 v35;
	v13 =	vadd.f32 v38, v13;
	v36 =	vld [tilespmem:s22+$0x520]  }
0x235: {  	v40 =	vsub.f32 v3, v43;
	v25 =	vsub.f32 v19, v25;
	v35 =	vld [tilespmem:s22+$0x100];
	v38 =	vmul.f32 $2.550000000e+02, v39;
	v10 =	vmovc v39  }
0x236: {  	v14 =	vadd.f32 v37, v14;
	v13 =	vadd.f32 v26, v13;
	v39 =	vcvt.f32.s32 v20;
	v23 =	vld.idx.msk [tilespmem:v23+s3+$0x0], $0xffff  }
0x237: {  	v17 =	vsub.f32 v7, v17;
	v25 =	vmul.f32 v25, v25;
	v26 =	vsub.f32 v8, v31  }
0x238: {  	v24 =	vadd.f32 v14, v24;
	v20 =	vtrunc.f32 v38;
	v31 =	vmul.f32 $2.550000000e+02, v42;
	v37 =	vld.idx.msk [tilespmem:v46+s3+$0x0], $0xffff  }
0x239: {  	v41 =	vtrunc.f32 v41;
	v38 =	vcvt.f32.s32 v20;
	v14 =	vld [tilespmem:s22+$0x130]  }
0x23a: {  	v20 =	vadd.f32 v22, v5;
	v22 =	vcvt.f32.s32 v41;
	v43 =	vmul.f32 $2.550000000e+02, v36;
	v5 =	vmovc v36;
	v44 =	vld [tilespmem:s22+$0x540]  }
0x23b: {  	v41 =	vsub.f32 v4, v28;
	v31 =	vtrunc.f32 v31;
	v36 =	vmul.f32 v26, v26;
	v34 =	vld.idx.msk [tilespmem:v34+s3+$0x0], $0xffff  }
0x23c: {  	v28 =	vcvt.f32.s32 v31;
	v26 =	vtrunc.f32 v43;
	v43 =	vld.idx.msk [tilespmem:v39+s3+$0x0], $0xffff  }
0x23d: {  	v26 =	vcvt.f32.s32 v26;
	v39 =	vadd.f32 v25, v19;
	v19 =	vmul.f32 v41, v41;
	v33 =	vld.idx.msk [tilespmem:v33+s3+$0x0], $0xffff  }
0x23e: {  	v23 =	vsub.f32 v21, v23;
	v25 =	vmul.f32 v17, v17;
	v41 =	vmul.f32 $2.550000000e+02, v14;
	v48 =	vld [tilespmem:s22+$0x530]  }
0x23f: {  	v45 =	vmul.f32 $2.550000000e+02, v15;
	v46 =	vadd.f32 v19, v4;
	v4 =	vmovc v42;
	v17 =	vld [tilespmem:s22+$0x110];
	v31 =	vmul.f32 $2.550000000e+02, v44  }
0x240: {  	v42 =	vmul.f32 $2.550000000e+02, v12;
	v47 =	vadd.f32 v25, v7;
	v25 =	vadd.f32 v36, v8;
	v7 =	vmovc v35;
	v22 =	vld.idx.msk [tilespmem:v22+s3+$0x0], $0xffff  }
0x241: {  	v35 =	vtrunc.f32 v45;
	v16 =	vadd.f32 v39, v16;
	v8 =	vmovc v44;
	v34 =	vsub.f32 v18, v34;
	v19 =	vld [tilespmem:s22+$0x160]  }
0x242: {  	v36 =	vmul.f32 $2.550000000e+02, v7;
	v35 =	vcvt.f32.s32 v35;
	v27 =	vadd.f32 v47, v27  }
0x243: {  	v39 =	vsub.f32 v2, v37;
	v42 =	vtrunc.f32 v42;
	v45 =	vmul.f32 $2.550000000e+02, v48  }
0x244: {  	v16 =	vadd.f32 v46, v16;
	v37 =	vcvt.f32.s32 v42;
	v34 =	vmul.f32 v34, v34;
	v47 =	vld.idx.msk [tilespmem:v38+s3+$0x0], $0xffff  }
0x245: {  	v43 =	vsub.f32 v0, v43;
	v42 =	vmul.f32 v23, v23;
	v38 =	vtrunc.f32 v41  }
0x246: {  	v49 =	vsub.f32 v1, v33;
	v41 =	vtrunc.f32 v36;
	v33 =	vsub.f32 v30, v22;
	v23 =	vld [tilespmem:s22+$0x120]  }
0x247: {  	v50 =	vmul.f32 v40, v40;
	v21 =	vadd.f32 v42, v21;
	v36 =	vmul.f32 $2.550000000e+02, v19;
	v22 =	vld [tilespmem:s22+$0x500]  }
0x248: {  	v18 =	vadd.f32 v34, v18;
	v44 =	vcvt.f32.s32 v38;
	v42 =	vld.idx.msk [tilespmem:v35+s3+$0x0], $0xffff;
	v35 =	vmul.f32 v33, v33  }
.Ltmp4:
0x249: {  	v45 =	vtrunc.f32 v45;
	v34 =	vadd.f32 v21, v32;
	v33 =	vtrunc.f32 v36;
	(pc) =	sbr.rel @p0 .LBB2_10-.Ltmp4, $4  }
0x24a: {  	v36 =	vmul.f32 v43, v43;
	v40 =	vsub.f32 v10, v47;
	v38 =	vld.idx.msk [tilespmem:v37+s3+$0x0], $0xffff;
	v37 =	vcvt.f32.s32 v33  }
0x24b: {  	v46 =	vadd.f32 v18, v29;
	v33 =	vmul.f32 $2.550000000e+02, v17;
	v21 =	vmul.f32 $2.550000000e+02, v23  }
0x24c: {  	v43 =	vcvt.f32.s32 v45;
	v30 =	vadd.f32 v35, v30;
	v18 =	vld [tilespmem:s22+$0x170];
	v47 =	vmul.f32 $2.550000000e+02, v22  }
0x24d: {  	v32 =	vmul.f32 v49, v49;
	v45 =	vadd.f32 v50, v3;
	v3 =	vmovc v48;
	v35 =	vtrunc.f32 v21;
	v21 =	vld [tilespmem:s22+$0x140]  }
0x24e: {  	v29 =	vtrunc.f32 v47  }
0x24f: {  	v39 =	vmul.f32 v39, v39;
	v41 =	vcvt.f32.s32 v41  }
0x250: {  	v52 =	vld [tilespmem:s22+$0x570];
	v31 =	vtrunc.f32 v31;
	v30 =	vadd.f32 v30, v46;
	v33 =	vtrunc.f32 v33  }
0x251: {  	v55 =	vsub.f32 v15, v42;
	v35 =	vcvt.f32.s32 v35;
	v31 =	vcvt.f32.s32 v31  }
0x252: {  	v44 =	vld.idx.msk [tilespmem:v44+s3+$0x0], $0xffff;
	v29 =	vcvt.f32.s32 v29;
	v33 =	vcvt.f32.s32 v33;
	v38 =	vsub.f32 v12, v38  }
0x253: {  	v28 =	vld.idx.msk [tilespmem:v28+s3+$0x0], $0xffff;
	v1 =	vadd.f32 v32, v1;
	v32 =	vmul.f32 v55, v55;
	v49 =	vmul.f32 $2.550000000e+02, v18  }
0x254: {  	v26 =	vld.idx.msk [tilespmem:v26+s3+$0x0], $0xffff;
	v0 =	vadd.f32 v36, v0;
	v38 =	vmul.f32 v38, v38;
	v48 =	vmul.f32 $2.550000000e+02, v21  }
0x255: {  	v43 =	vld.idx.msk [tilespmem:v43+s3+$0x0], $0xffff;
	v34 =	vadd.f32 v25, v34;
	v49 =	vtrunc.f32 v49;
	v54 =	vmul.f32 $2.550000000e+02, v52  }
0x256: {  	v37 =	vld.idx.msk [tilespmem:v37+s3+$0x0], $0xffff;
	v2 =	vadd.f32 v39, v2;
	v48 =	vtrunc.f32 v48;
	v53 =	vcvt.f32.s32 v49  }
0x257: {  	v0 =	vadd.f32 v0, v6;
	v56 =	vld.idx.msk [tilespmem:v41+s3+$0x0], $0xffff;
	v48 =	vcvt.f32.s32 v48;
	v57 =	vtrunc.f32 v54  }
0x258: {  	v1 =	vadd.f32 v1, v11;
	v2 =	vadd.f32 v2, v27;
	v31 =	vld.idx.msk [tilespmem:v31+s3+$0x0], $0xffff;
	v58 =	vcvt.f32.s32 v57  }
0x259: {  	v6 =	vadd.f32 v32, v15;
	v9 =	vadd.f32 v9, v0;
	v27 =	vld.idx.msk [tilespmem:v29+s3+$0x0], $0xffff;
	v29 =	vmul.f32 v40, v40  }
0x25a: {  	v25 =	vsub.f32 v14, v44;
	v15 =	vsub.f32 v5, v26;
	v26 =	vld.idx.msk [tilespmem:v33+s3+$0x0], $0xffff  }
0x25b: {  	v12 =	vadd.f32 v38, v12;
	v0 =	vadd.f32 v29, v10;
	v10 =	vld.idx.msk [tilespmem:v35+s3+$0x0], $0xffff  }
0x25c: {  	v24 =	vadd.f32 v45, v24;
	v60 =	vadd.f32 v20, v1;
	v25 =	vmul.f32 v25, v25;
	v11 =	vld.idx.msk [tilespmem:v53+s3+$0x0], $0xffff  }
0x25d: {  	s21 =	simm.s32 $0x0;
	v20 =	vsub.f32 v19, v37;
	v1 =	vadd.f32 v12, v13;
	v15 =	vmul.f32 v15, v15;
	v59 =	vld.idx.msk [tilespmem:v48+s3+$0x0], $0xffff  }
0x25e: {  	v29 =	vsub.f32 v3, v43;
	v14 =	vadd.f32 v25, v14;
	v13 =	vld.idx.msk [tilespmem:v58+s3+$0x0], $0xffff;
	[tilespmem:s15], [sflag:$0x1] =	stream.linear.gather [hbm4b:s10+s21], $0xC000, $0x38  }
0x25f: {  	s29 =	simm.s32 $0x0;
	s23 =	simm.s32 $0x0;
	v25 =	vsub.f32 v4, v28;
	v5 =	vadd.f32 v15, v5;
	s21 =	sand.u32 $0x2000, s21  }
0x260: {  	s22 =	sand.u32 $0xF000, s29;
	v12 =	vadd.f32 v0, v1;
	v0 =	vsub.f32 v7, v56;
	v1 =	vmul.f32 v20, v20;
	_ =	swait.ge [sflag:s18], $0xC000;
	s21 =	sshrl.u32 s21, $0x2  }
0x261: {  	s23 =	sand.u32 $0x380, s23;
	v14 =	vadd.f32 v14, v24;
	v24 =	vmul.f32 v25, v25;
	v20 =	vsub.f32 v8, v31;
	[sflag:s18] =	ssyncset.done $0x0;
	s21 =	sor.u32 s21, s22  }
0x262: {  	v25 =	vsub.f32 v22, v27;
	v1 =	vadd.f32 v1, v19;
	[sflag:s18] =	ssyncadd.s32 $0xFFFF4000;
	s22 =	sor.u32 s23, s21  }
0x263: {  	v0 =	vmul.f32 v0, v0;
	v4 =	vadd.f32 v24, v4;
	v15 =	vmul.f32 v20, v20;
	v24 =	vld [tilespmem:s22+$0xC550]  }
0x264: {  	v10 =	vsub.f32 v23, v10;
	v1 =	vadd.f32 v1, v16;
	v16 =	vld [tilespmem:s22+$0xC560]  }
0x265: {  	v0 =	vadd.f32 v0, v7;
	v8 =	vadd.f32 v15, v8;
	v20 =	vld [tilespmem:s22+$0xC520]  }
0x266: {  	v7 =	vsub.f32 v18, v11;
	v11 =	vsub.f32 v17, v26;
	v26 =	vmul.f32 v29, v29;
	v62 =	vld [tilespmem:s22+$0xC130]  }
0x267: {  	v31 =	vadd.f32 v0, v2;
	v0 =	vmul.f32 v10, v10;
	v19 =	vsub.f32 v21, v59;
	v29 =	vld [tilespmem:s22+$0xC530]  }
0x268: {  	v7 =	vmul.f32 v7, v7;
	v13 =	vsub.f32 v52, v13;
	v11 =	vmul.f32 v11, v11  }
0x269: {  	v28 =	vld [tilespmem:s22+$0xC510];
	v15 =	vmul.f32 v19, v19;
	v19 =	vadd.f32 v4, v1;
	v4 =	vmul.f32 v25, v25  }
0x26a: {  	v3 =	vadd.f32 v26, v3;
	v13 =	vmul.f32 v13, v13;
	v27 =	vmul.f32 $2.550000000e+02, v24  }
0x26b: {  	v61 =	vld [tilespmem:s22+$0xC150];
	v2 =	vadd.f32 v15, v21;
	v10 =	vmul.f32 $2.550000000e+02, v16;
	v15 =	vmul.f32 $2.550000000e+02, v20  }
0x26c: {  	v32 =	vld [tilespmem:s22+$0xC570];
	v7 =	vadd.f32 v7, v18;
	v26 =	vmul.f32 $2.550000000e+02, v62;
	v47 =	vmul.f32 $2.550000000e+02, v29  }
0x26d: {  	v34 =	vadd.f32 v2, v34;
	v1 =	vtrunc.f32 v27;
	v2 =	vtrunc.f32 v10  }
0x26e: {  	v63 =	vld [tilespmem:s22+$0xC160];
	v3 =	vadd.f32 v3, v14;
	v21 =	vcvt.f32.s32 v1;
	v1 =	vmul.f32 $2.550000000e+02, v28  }
0x26f: {  	v25 =	vld [tilespmem:s22+$0xC100];
	v7 =	vadd.f32 v7, v30;
	v10 =	vtrunc.f32 v15;
	v15 =	vcvt.f32.s32 v2  }
0x270: {  	v40 =	vld [tilespmem:s22+$0xC140];
	v2 =	vadd.f32 v13, v52;
	v13 =	vmul.f32 $2.550000000e+02, v61;
	v1 =	vtrunc.f32 v1  }
0x271: {  	v11 =	vadd.f32 v11, v17;
	v54 =	vmul.f32 $2.550000000e+02, v32;
	v30 =	vcvt.f32.s32 v1  }
0x272: {  	v27 =	vld [tilespmem:s22+$0xC540];
	v14 =	vtrunc.f32 v26;
	v18 =	vadd.f32 v2, v7;
	v2 =	vtrunc.f32 v13  }
0x273: {  	v9 =	vadd.f32 v11, v9;
	v26 =	vmul.f32 $2.550000000e+02, v63;
	v1 =	vld [tilespmem:s22+$0xC120];
	v13 =	vcvt.f32.s32 v2  }
0x274: {  	v23 =	vadd.f32 v0, v23;
	v14 =	vcvt.f32.s32 v14;
	v7 =	vmul.f32 $2.550000000e+02, v25;
	v2 =	vld [tilespmem:s22+$0xC500]  }
0x275: {  	v17 =	vtrunc.f32 v47;
	v6 =	vadd.f32 v6, v9;
	v9 =	vmul.f32 $2.550000000e+02, v40;
	v48 =	vld.idx.msk [tilespmem:v21+s3+$0x0], $0xffff  }
0x276: {  	v0 =	vld [tilespmem:s22+$0xC110];
	v4 =	vadd.f32 v4, v22;
	v17 =	vcvt.f32.s32 v17;
	v7 =	vtrunc.f32 v7  }
0x277: {  	v10 =	vcvt.f32.s32 v10;
	v7 =	vcvt.f32.s32 v7;
	v21 =	vadd.f32 v8, v34;
	v8 =	vld.idx.msk [tilespmem:v30+s3+$0x0], $0xffff  }
0x278: {  	v26 =	vtrunc.f32 v26;
	v9 =	vtrunc.f32 v9;
	v30 =	vld [tilespmem:s22+$0xC170]  }
0x279: {  	v37 =	vadd.f32 v4, v31;
	v22 =	vmul.f32 $2.550000000e+02, v27;
	v4 =	vmul.f32 $2.550000000e+02, v2;
	v11 =	vld.idx.msk [tilespmem:v13+s3+$0x0], $0xffff  }
0x27a: {  	v14 =	vld.idx.msk [tilespmem:v14+s3+$0x0], $0xffff;
	v49 =	vmul.f32 $2.550000000e+02, v1;
	v13 =	vcvt.f32.s32 v26;
	v50 =	vsub.f32 v24, v48  }
0x27b: {  	v53 =	vld.idx.msk [tilespmem:v15+s3+$0x0], $0xffff;
	v26 =	vmul.f32 $2.550000000e+02, v0;
	v4 =	vtrunc.f32 v4  }
0x27c: {  	s21 =	simm.s32 $0x2000;
	v23 =	vadd.f32 v23, v60;
	v17 =	vld.idx.msk [tilespmem:v17+s3+$0x0], $0xffff;
	v51 =	vcvt.f32.s32 v4;
	v15 =	vmul.f32 v50, v50  }
0x27d: {  	s31 =	simm.s32 $0x100;
	s30 =	sand.u32 $0x2000, s21;
	v7 =	vld.idx.msk [tilespmem:v7+s3+$0x0], $0xffff;
	v4 =	vsub.f32 v28, v8;
	v8 =	vtrunc.f32 v22;
	v22 =	vmul.f32 $2.550000000e+02, v30  }
0x27e: {  	s24 =	simm.s32 $0x40;
	s23 =	sand.u32 $0xF000, s31;
	v52 =	vld.idx.msk [tilespmem:v10+s3+$0x0], $0xffff;
	s22 =	sshrl.u32 s30, $0x2;
	v10 =	vsub.f32 v61, v11;
	v11 =	vadd.f32 v5, v23;
	v23 =	vcvt.f32.s32 v9  }
0x27f: {  	s24 =	sand.u32 $0x380, s24;
	s22 =	sor.u32 s22, s23;
	v8 =	vcvt.f32.s32 v8;
	v24 =	vadd.f32 v15, v24;
	v15 =	vtrunc.f32 v26  }
0x280: {  	s22 =	sor.u32 s24, s22;
	v13 =	vld.idx.msk [tilespmem:v13+s3+$0x0], $0xffff;
	v4 =	vmul.f32 v4, v4;
	v5 =	vtrunc.f32 v22  }
0x281: {  	v22 =	vcvt.f32.s32 v5;
	v5 =	vsub.f32 v62, v14;
	v14 =	vmul.f32 v10, v10;
	v10 =	vld [tilespmem:s22+$0xC550]  }
0x282: {  	v42 =	vsub.f32 v29, v17;
	v17 =	vcvt.f32.s32 v15;
	v15 =	vld [tilespmem:s22+$0xC510];
	v58 =	vsub.f32 v25, v7  }
0x283: {  	v31 =	vtrunc.f32 v49;
	v9 =	vadd.f32 v4, v28;
	v4 =	vld [tilespmem:s22+$0xC560];
	v14 =	vadd.f32 v14, v61  }
0x284: {  	v56 =	vcvt.f32.s32 v31;
	v28 =	vsub.f32 v20, v52;
	v55 =	vmul.f32 v5, v5;
	v5 =	vld [tilespmem:s22+$0xC520]  }
0x285: {  	v38 =	vld.idx.msk [tilespmem:v51+s3+$0x0], $0xffff;
	v43 =	vmul.f32 v58, v58;
	v26 =	vsub.f32 v63, v13;
	v14 =	vadd.f32 v14, v12  }
0x286: {  	v28 =	vmul.f32 v28, v28;
	v23 =	vld.idx.msk [tilespmem:v23+s3+$0x0], $0xffff;
	v35 =	vadd.f32 v55, v62;
	v31 =	vmul.f32 $2.550000000e+02, v10  }
0x287: {  	v43 =	vadd.f32 v43, v25;
	v8 =	vld.idx.msk [tilespmem:v8+s3+$0x0], $0xffff;
	v57 =	vmul.f32 v26, v26;
	v13 =	vadd.f32 v24, v14  }
0x288: {  	v12 =	vld [tilespmem:s22+$0xC150];
	v26 =	vmul.f32 $2.550000000e+02, v4;
	v24 =	vadd.f32 v35, v3;
	v7 =	vtrunc.f32 v31  }
0x289: {  	v3 =	vmul.f32 $2.550000000e+02, v5;
	v36 =	vadd.f32 v57, v63;
	v63 =	vld.idx.msk [tilespmem:v17+s3+$0x0], $0xffff;
	v17 =	vmul.f32 $2.550000000e+02, v15  }
0x28a: {  	v20 =	vadd.f32 v28, v20;
	v14 =	vld [tilespmem:s22+$0xC130];
	v59 =	vcvt.f32.s32 v7;
	v7 =	vtrunc.f32 v54  }
0x28b: {  	v39 =	vsub.f32 v2, v38;
	v22 =	vld.idx.msk [tilespmem:v22+s3+$0x0], $0xffff;
	v26 =	vtrunc.f32 v26;
	v34 =	vcvt.f32.s32 v7  }
0x28c: {  	v33 =	vld.idx.msk [tilespmem:v56+s3+$0x0], $0xffff;
	v23 =	vsub.f32 v40, v23;
	v3 =	vtrunc.f32 v3;
	v28 =	vcvt.f32.s32 v26  }
0x28d: {  	v31 =	vsub.f32 v27, v8;
	v8 =	vld [tilespmem:s22+$0xC540];
	v48 =	vmul.f32 $2.550000000e+02, v12;
	v17 =	vtrunc.f32 v17  }
0x28e: {  	v7 =	vld [tilespmem:s22+$0xC100];
	v49 =	vadd.f32 v36, v19;
	v26 =	vcvt.f32.s32 v3;
	v46 =	vcvt.f32.s32 v17  }
0x28f: {  	v19 =	vld [tilespmem:s22+$0xC160];
	v57 =	vmul.f32 v23, v23;
	v60 =	vmul.f32 v31, v31;
	v31 =	vsub.f32 v16, v53  }
0x290: {  	v3 =	vld [tilespmem:s22+$0xC530];
	v62 =	vmul.f32 $2.550000000e+02, v14;
	v22 =	vsub.f32 v30, v22;
	v51 =	vtrunc.f32 v48  }
0x291: {  	v58 =	vsub.f32 v1, v33;
	v17 =	vld [tilespmem:s22+$0xC110];
	v53 =	vcvt.f32.s32 v51;
	v61 =	vmul.f32 v31, v31  }
0x292: {  	v45 =	vsub.f32 v0, v63;
	v54 =	vmul.f32 v22, v22;
	v56 =	vtrunc.f32 v62;
	v34 =	vld.idx.msk [tilespmem:v34+s3+$0x0], $0xffff  }
0x293: {  	v25 =	vadd.f32 v60, v27;
	v62 =	vmul.f32 v42, v42;
	v31 =	vmul.f32 $2.550000000e+02, v8  }
0x294: {  	v27 =	vadd.f32 v43, v37;
	v50 =	vmul.f32 $2.550000000e+02, v7;
	v60 =	vmul.f32 $2.550000000e+02, v19  }
0x295: {  	v23 =	vld [tilespmem:s22+$0xC120];
	v44 =	vcvt.f32.s32 v56;
	v36 =	vmul.f32 v45, v45;
	v16 =	vadd.f32 v61, v16  }
0x296: {  	v22 =	vld [tilespmem:s22+$0xC500];
	v52 =	vmul.f32 $2.550000000e+02, v3;
	v61 =	vadd.f32 v57, v40;
	v30 =	vadd.f32 v54, v30  }
0x297: {  	v55 =	vld.idx.msk [tilespmem:v59+s3+$0x0], $0xffff;
	v33 =	vmul.f32 $2.550000000e+02, v17;
	v41 =	vtrunc.f32 v50;
	v59 =	vsub.f32 v32, v34  }
0x298: {  	v45 =	vadd.f32 v62, v29;
	v63 =	vtrunc.f32 v60;
	v43 =	vtrunc.f32 v52  }
0x299: {  	v42 =	vld.idx.msk [tilespmem:v46+s3+$0x0], $0xffff;
	v16 =	vadd.f32 v16, v49;
	v37 =	vcvt.f32.s32 v63;
	v50 =	vmul.f32 v59, v59  }
0x29a: {  	v46 =	vadd.f32 v30, v18;
	v18 =	vld [tilespmem:s22+$0xC170];
	v34 =	vadd.f32 v61, v21;
	v21 =	vmul.f32 $2.550000000e+02, v23  }
0x29b: {  	v38 =	vld.idx.msk [tilespmem:v53+s3+$0x0], $0xffff;
	v47 =	vmul.f32 $2.550000000e+02, v22;
	v43 =	vcvt.f32.s32 v43;
	v30 =	vadd.f32 v50, v32  }
0x29c: {  	s23 =	simm.s32 $0x2;
	v40 =	vsub.f32 v10, v55;
	v35 =	vtrunc.f32 v21;
	v21 =	vld [tilespmem:s22+$0xC140];
	v32 =	vmul.f32 v58, v58  }
.LBB2_12:
0x29d: {  	s23 =	sadd.s32 $0x2, s23;
	v44 =	vld.idx.msk [tilespmem:v44+s3+$0x0], $0xffff;
	v47 =	vtrunc.f32 v47;
	s21 =	sadd.s32 $0x2000, s21;
	v39 =	vmul.f32 v39, v39;
	v29 =	vadd.f32 v30, v46  }
0x29e: {  	v41 =	vcvt.f32.s32 v41;
	v42 =	vsub.f32 v15, v42;
	s24 =	sand.u32 $0x2000, s21;
	s25 =	sshll.u32 s23, $0x7;
	s26 =	sshll.u32 s23, $0x5;
	v46 =	vcvt.f32.s32 v47;
	v30 =	vld [tilespmem:s22+$0xC570]  }
0x29f: {  	v31 =	vtrunc.f32 v31;
	v40 =	vmul.f32 v40, v40;
	p0 =	slt.u32 s23, $0x17E;
	v24 =	vadd.f32 v45, v24;
	s22 =	sand.u32 $0xF000, s25;
	s24 =	sshrl.u32 s24, $0x2;
	v28 =	vld.idx.msk [tilespmem:v28+s3+$0x0], $0xffff  }
0x2a0: {  	v31 =	vcvt.f32.s32 v31;
	v47 =	vadd.f32 v32, v1;
	v1 =	vmovc v23;
	s25 =	sand.u32 $0x380, s26;
	s22 =	sor.u32 s24, s22;
	v45 =	vmul.f32 $2.550000000e+02, v18;
	v26 =	vld.idx.msk [tilespmem:v26+s3+$0x0], $0xffff  }
0x2a1: {  	v42 =	vmul.f32 v42, v42;
	v39 =	vadd.f32 v39, v2;
	v2 =	vmovc v22;
	s22 =	sor.u32 s25, s22;
	v23 =	vmul.f32 $2.550000000e+02, v21;
	v43 =	vld.idx.msk [tilespmem:v43+s3+$0x0], $0xffff  }
0x2a2: {  	v38 =	vsub.f32 v12, v38;
	v32 =	vadd.f32 v25, v34;
	v22 =	vld [tilespmem:s22+$0xC150];
	v45 =	vtrunc.f32 v45  }
0x2a3: {  	v36 =	vadd.f32 v36, v0;
	v0 =	vmovc v17;
	v23 =	vtrunc.f32 v23;
	v25 =	vld.idx.msk [tilespmem:v37+s3+$0x0], $0xffff;
	v34 =	vcvt.f32.s32 v45  }
0x2a4: {  	v38 =	vmul.f32 v38, v38;
	v27 =	vadd.f32 v39, v27;
	v37 =	vsub.f32 v14, v44;
	v17 =	vld.idx.msk [tilespmem:v41+s3+$0x0], $0xffff  }
0x2a5: {  	v6 =	vadd.f32 v36, v6;
	v11 =	vadd.f32 v47, v11;
	v23 =	vcvt.f32.s32 v23;
	v39 =	vld [tilespmem:s22+$0xC550]  }
0x2a6: {  	v36 =	vadd.f32 v42, v15;
	v41 =	vmul.f32 $2.550000000e+02, v30;
	v26 =	vsub.f32 v5, v26;
	v31 =	vld.idx.msk [tilespmem:v31+s3+$0x0], $0xffff  }
0x2a7: {  	v6 =	vadd.f32 v9, v6;
	v38 =	vadd.f32 v38, v12;
	v37 =	vmul.f32 v37, v37;
	v42 =	vld [tilespmem:s22+$0xC560];
	v12 =	vmovc v22  }
0x2a8: {  	v11 =	vadd.f32 v20, v11;
	v9 =	vmovc v36;
	v22 =	vmul.f32 v26, v26;
	v26 =	vadd.f32 v40, v10;
	v15 =	vld [tilespmem:s22+$0xC510]  }
0x2a9: {  	v20 =	vtrunc.f32 v33;
	v33 =	vcvt.f32.s32 v35;
	v13 =	vadd.f32 v38, v13;
	v36 =	vld [tilespmem:s22+$0xC520]  }
0x2aa: {  	v40 =	vsub.f32 v3, v43;
	v25 =	vsub.f32 v19, v25;
	v35 =	vld [tilespmem:s22+$0xC100];
	v38 =	vmul.f32 $2.550000000e+02, v39;
	v10 =	vmovc v39  }
0x2ab: {  	v14 =	vadd.f32 v37, v14;
	v13 =	vadd.f32 v26, v13;
	v39 =	vcvt.f32.s32 v20;
	v23 =	vld.idx.msk [tilespmem:v23+s3+$0x0], $0xffff  }
0x2ac: {  	v17 =	vsub.f32 v7, v17;
	v25 =	vmul.f32 v25, v25;
	v26 =	vsub.f32 v8, v31  }
0x2ad: {  	v24 =	vadd.f32 v14, v24;
	v20 =	vtrunc.f32 v38;
	v31 =	vmul.f32 $2.550000000e+02, v42;
	v37 =	vld.idx.msk [tilespmem:v46+s3+$0x0], $0xffff  }
0x2ae: {  	v41 =	vtrunc.f32 v41;
	v38 =	vcvt.f32.s32 v20;
	v14 =	vld [tilespmem:s22+$0xC130]  }
0x2af: {  	v20 =	vadd.f32 v22, v5;
	v22 =	vcvt.f32.s32 v41;
	v43 =	vmul.f32 $2.550000000e+02, v36;
	v5 =	vmovc v36;
	v44 =	vld [tilespmem:s22+$0xC540]  }
0x2b0: {  	v41 =	vsub.f32 v4, v28;
	v31 =	vtrunc.f32 v31;
	v36 =	vmul.f32 v26, v26;
	v34 =	vld.idx.msk [tilespmem:v34+s3+$0x0], $0xffff  }
0x2b1: {  	v28 =	vcvt.f32.s32 v31;
	v26 =	vtrunc.f32 v43;
	v43 =	vld.idx.msk [tilespmem:v39+s3+$0x0], $0xffff  }
0x2b2: {  	v26 =	vcvt.f32.s32 v26;
	v39 =	vadd.f32 v25, v19;
	v19 =	vmul.f32 v41, v41;
	v33 =	vld.idx.msk [tilespmem:v33+s3+$0x0], $0xffff  }
0x2b3: {  	v23 =	vsub.f32 v21, v23;
	v25 =	vmul.f32 v17, v17;
	v41 =	vmul.f32 $2.550000000e+02, v14;
	v48 =	vld [tilespmem:s22+$0xC530]  }
0x2b4: {  	v45 =	vmul.f32 $2.550000000e+02, v15;
	v46 =	vadd.f32 v19, v4;
	v4 =	vmovc v42;
	v17 =	vld [tilespmem:s22+$0xC110];
	v31 =	vmul.f32 $2.550000000e+02, v44  }
0x2b5: {  	v42 =	vmul.f32 $2.550000000e+02, v12;
	v47 =	vadd.f32 v25, v7;
	v25 =	vadd.f32 v36, v8;
	v7 =	vmovc v35;
	v22 =	vld.idx.msk [tilespmem:v22+s3+$0x0], $0xffff  }
0x2b6: {  	v35 =	vtrunc.f32 v45;
	v16 =	vadd.f32 v39, v16;
	v8 =	vmovc v44;
	v34 =	vsub.f32 v18, v34;
	v19 =	vld [tilespmem:s22+$0xC160]  }
0x2b7: {  	v36 =	vmul.f32 $2.550000000e+02, v7;
	v35 =	vcvt.f32.s32 v35;
	v27 =	vadd.f32 v47, v27  }
0x2b8: {  	v39 =	vsub.f32 v2, v37;
	v42 =	vtrunc.f32 v42;
	v45 =	vmul.f32 $2.550000000e+02, v48  }
0x2b9: {  	v16 =	vadd.f32 v46, v16;
	v37 =	vcvt.f32.s32 v42;
	v34 =	vmul.f32 v34, v34;
	v47 =	vld.idx.msk [tilespmem:v38+s3+$0x0], $0xffff  }
0x2ba: {  	v43 =	vsub.f32 v0, v43;
	v42 =	vmul.f32 v23, v23;
	v38 =	vtrunc.f32 v41  }
0x2bb: {  	v49 =	vsub.f32 v1, v33;
	v41 =	vtrunc.f32 v36;
	v33 =	vsub.f32 v30, v22;
	v23 =	vld [tilespmem:s22+$0xC120]  }
0x2bc: {  	v50 =	vmul.f32 v40, v40;
	v21 =	vadd.f32 v42, v21;
	v36 =	vmul.f32 $2.550000000e+02, v19;
	v22 =	vld [tilespmem:s22+$0xC500]  }
0x2bd: {  	v18 =	vadd.f32 v34, v18;
	v44 =	vcvt.f32.s32 v38;
	v42 =	vld.idx.msk [tilespmem:v35+s3+$0x0], $0xffff;
	v35 =	vmul.f32 v33, v33  }
.Ltmp5:
0x2be: {  	v45 =	vtrunc.f32 v45;
	v34 =	vadd.f32 v21, v32;
	v33 =	vtrunc.f32 v36;
	(pc) =	sbr.rel @p0 .LBB2_12-.Ltmp5, $4  }
0x2bf: {  	v36 =	vmul.f32 v43, v43;
	v40 =	vsub.f32 v10, v47;
	v38 =	vld.idx.msk [tilespmem:v37+s3+$0x0], $0xffff;
	v37 =	vcvt.f32.s32 v33  }
0x2c0: {  	v46 =	vadd.f32 v18, v29;
	v33 =	vmul.f32 $2.550000000e+02, v17;
	v21 =	vmul.f32 $2.550000000e+02, v23  }
0x2c1: {  	v43 =	vcvt.f32.s32 v45;
	v30 =	vadd.f32 v35, v30;
	v18 =	vld [tilespmem:s22+$0xC170];
	v47 =	vmul.f32 $2.550000000e+02, v22  }
0x2c2: {  	v32 =	vmul.f32 v49, v49;
	v45 =	vadd.f32 v50, v3;
	v3 =	vmovc v48;
	v35 =	vtrunc.f32 v21;
	v21 =	vld [tilespmem:s22+$0xC140]  }
0x2c3: {  	v29 =	vtrunc.f32 v47;
	v39 =	vmul.f32 v39, v39  }
0x2c4: {  	v41 =	vcvt.f32.s32 v41;
	v31 =	vtrunc.f32 v31  }
0x2c5: {  	v58 =	vld [tilespmem:s22+$0xC570];
	v30 =	vadd.f32 v30, v46;
	v33 =	vtrunc.f32 v33;
	v61 =	vsub.f32 v15, v42  }
0x2c6: {  	v35 =	vcvt.f32.s32 v35;
	v0 =	vadd.f32 v36, v0;
	v31 =	vcvt.f32.s32 v31  }
0x2c7: {  	v44 =	vld.idx.msk [tilespmem:v44+s3+$0x0], $0xffff;
	v29 =	vcvt.f32.s32 v29;
	v33 =	vcvt.f32.s32 v33;
	v38 =	vsub.f32 v12, v38  }
0x2c8: {  	v28 =	vld.idx.msk [tilespmem:v28+s3+$0x0], $0xffff;
	v1 =	vadd.f32 v32, v1;
	v32 =	vmul.f32 v61, v61;
	v49 =	vmul.f32 $2.550000000e+02, v18  }
0x2c9: {  	v26 =	vld.idx.msk [tilespmem:v26+s3+$0x0], $0xffff;
	v25 =	vadd.f32 v25, v34;
	v38 =	vmul.f32 v38, v38;
	v48 =	vmul.f32 $2.550000000e+02, v21  }
0x2ca: {  	v43 =	vld.idx.msk [tilespmem:v43+s3+$0x0], $0xffff;
	v24 =	vadd.f32 v45, v24;
	v49 =	vtrunc.f32 v49;
	v60 =	vmul.f32 $2.550000000e+02, v58  }
0x2cb: {  	v37 =	vld.idx.msk [tilespmem:v37+s3+$0x0], $0xffff;
	v2 =	vadd.f32 v39, v2;
	v48 =	vtrunc.f32 v48;
	v59 =	vcvt.f32.s32 v49  }
0x2cc: {  	v0 =	vadd.f32 v0, v6;
	v62 =	vld.idx.msk [tilespmem:v41+s3+$0x0], $0xffff;
	v48 =	vcvt.f32.s32 v48;
	v63 =	vtrunc.f32 v60  }
0x2cd: {  	v1 =	vadd.f32 v1, v11;
	v2 =	vadd.f32 v2, v27;
	v31 =	vld.idx.msk [tilespmem:v31+s3+$0x0], $0xffff;
	v45 =	vcvt.f32.s32 v63  }
0x2ce: {  	v6 =	vadd.f32 v32, v15;
	v9 =	vadd.f32 v9, v0;
	v27 =	vld.idx.msk [tilespmem:v29+s3+$0x0], $0xffff;
	v29 =	vmul.f32 v40, v40  }
0x2cf: {  	v15 =	vsub.f32 v5, v26;
	v49 =	vsub.f32 v14, v44;
	v26 =	vld.idx.msk [tilespmem:v33+s3+$0x0], $0xffff  }
0x2d0: {  	v12 =	vadd.f32 v38, v12;
	v0 =	vadd.f32 v29, v10;
	v10 =	vld.idx.msk [tilespmem:v35+s3+$0x0], $0xffff  }
0x2d1: {  	v51 =	vadd.f32 v20, v1;
	v20 =	vsub.f32 v19, v37;
	v29 =	vmul.f32 v49, v49;
	v11 =	vld.idx.msk [tilespmem:v59+s3+$0x0], $0xffff  }
0x2d2: {  	s21 =	simm.s32 $0x0;
	v52 =	vsub.f32 v3, v43;
	v1 =	vadd.f32 v12, v13;
	v50 =	vld.idx.msk [tilespmem:v48+s3+$0x0], $0xffff  }
0x2d3: {  	v28 =	vsub.f32 v4, v28;
	v15 =	vmul.f32 v15, v15;
	v14 =	vadd.f32 v29, v14;
	v13 =	vld.idx.msk [tilespmem:v45+s3+$0x0], $0xffff;
	[tilespmem:s16], [sflag:$0x2] =	stream.linear.gather [hbm4b:s11+s21], $0xC000, $0x38  }
0x2d4: {  	s29 =	simm.s32 $0x0;
	s23 =	simm.s32 $0x0;
	v12 =	vadd.f32 v0, v1;
	v0 =	vsub.f32 v7, v62;
	s21 =	sand.u32 $0x2000, s21  }
0x2d5: {  	s22 =	sand.u32 $0xF000, s29;
	v5 =	vadd.f32 v15, v5;
	v1 =	vmul.f32 v20, v20;
	v20 =	vsub.f32 v8, v31;
	_ =	swait.ge [sflag:s17], $0xC000;
	s21 =	sshrl.u32 s21, $0x2  }
0x2d6: {  	s23 =	sand.u32 $0x380, s23;
	v14 =	vadd.f32 v14, v24;
	v24 =	vmul.f32 v28, v28;
	v0 =	vmul.f32 v0, v0;
	[sflag:s17] =	ssyncset.done $0x0;
	s21 =	sor.u32 s21, s22  }
0x2d7: {  	v1 =	vadd.f32 v1, v19;
	v15 =	vmul.f32 v20, v20;
	v10 =	vsub.f32 v23, v10;
	[sflag:s17] =	ssyncadd.s32 $0xFFFF4000;
	s22 =	sor.u32 s21, s23  }
0x2d8: {  	v4 =	vadd.f32 v24, v4;
	v0 =	vadd.f32 v0, v7;
	v24 =	vld [tilespmem:s22+$0x550]  }
0x2d9: {  	v1 =	vadd.f32 v1, v16;
	v8 =	vadd.f32 v15, v8;
	v16 =	vld [tilespmem:s22+$0x560]  }
0x2da: {  	v31 =	vmul.f32 v52, v52;
	v7 =	vsub.f32 v18, v11;
	v11 =	vsub.f32 v17, v26;
	v20 =	vld [tilespmem:s22+$0x520]  }
0x2db: {  	v54 =	vadd.f32 v0, v2;
	v0 =	vmul.f32 v10, v10;
	v19 =	vsub.f32 v21, v50;
	v28 =	vld [tilespmem:s22+$0x540]  }
0x2dc: {  	v26 =	vsub.f32 v22, v27;
	v29 =	vld [tilespmem:s22+$0x530];
	v7 =	vmul.f32 v7, v7;
	v13 =	vsub.f32 v58, v13  }
0x2dd: {  	v11 =	vmul.f32 v11, v11;
	v23 =	vadd.f32 v0, v23;
	v15 =	vmul.f32 v19, v19  }
0x2de: {  	v53 =	vld [tilespmem:s22+$0x510];
	v19 =	vadd.f32 v4, v1;
	v4 =	vmul.f32 v26, v26;
	v13 =	vmul.f32 v13, v13  }
0x2df: {  	v55 =	vld [tilespmem:s22+$0x150];
	v2 =	vadd.f32 v15, v21;
	v27 =	vmul.f32 $2.550000000e+02, v24;
	v10 =	vmul.f32 $2.550000000e+02, v16  }
0x2e0: {  	v4 =	vadd.f32 v4, v22;
	v15 =	vmul.f32 $2.550000000e+02, v20;
	v22 =	vmul.f32 $2.550000000e+02, v28  }
0x2e1: {  	v7 =	vadd.f32 v7, v18;
	v57 =	vmul.f32 $2.550000000e+02, v29;
	v1 =	vtrunc.f32 v27  }
0x2e2: {  	v26 =	vld [tilespmem:s22+$0x100];
	v25 =	vadd.f32 v2, v25;
	v2 =	vtrunc.f32 v10;
	v10 =	vtrunc.f32 v15  }
0x2e3: {  	v37 =	vld [tilespmem:s22+$0x140];
	v11 =	vadd.f32 v11, v17;
	v21 =	vcvt.f32.s32 v1;
	v1 =	vmul.f32 $2.550000000e+02, v53  }
0x2e4: {  	v27 =	vld [tilespmem:s22+$0x130];
	v15 =	vcvt.f32.s32 v2;
	v2 =	vadd.f32 v13, v58;
	v13 =	vmul.f32 $2.550000000e+02, v55  }
0x2e5: {  	v56 =	vld [tilespmem:s22+$0x160];
	v7 =	vadd.f32 v7, v30;
	v10 =	vcvt.f32.s32 v10;
	v1 =	vtrunc.f32 v1  }
0x2e6: {  	v32 =	vld [tilespmem:s22+$0x570];
	v9 =	vadd.f32 v11, v9;
	v17 =	vtrunc.f32 v57;
	v30 =	vcvt.f32.s32 v1  }
0x2e7: {  	v0 =	vld [tilespmem:s22+$0x110];
	v18 =	vadd.f32 v2, v7;
	v7 =	vmul.f32 $2.550000000e+02, v26;
	v2 =	vtrunc.f32 v13  }
0x2e8: {  	v6 =	vadd.f32 v6, v9;
	v9 =	vmul.f32 $2.550000000e+02, v37;
	v1 =	vld [tilespmem:s22+$0x120];
	v13 =	vcvt.f32.s32 v2  }
0x2e9: {  	v3 =	vadd.f32 v31, v3;
	v2 =	vld [tilespmem:s22+$0x500];
	v31 =	vmul.f32 $2.550000000e+02, v27;
	v7 =	vtrunc.f32 v7  }
0x2ea: {  	v17 =	vcvt.f32.s32 v17;
	v7 =	vcvt.f32.s32 v7;
	v58 =	vld.idx.msk [tilespmem:v21+s3+$0x0], $0xffff  }
0x2eb: {  	v3 =	vadd.f32 v3, v14;
	v14 =	vtrunc.f32 v31;
	v31 =	vmul.f32 $2.550000000e+02, v56;
	v60 =	vld.idx.msk [tilespmem:v10+s3+$0x0], $0xffff  }
0x2ec: {  	v9 =	vtrunc.f32 v9;
	v21 =	vadd.f32 v8, v25;
	v14 =	vcvt.f32.s32 v14;
	v8 =	vld.idx.msk [tilespmem:v30+s3+$0x0], $0xffff  }
0x2ed: {  	v25 =	vtrunc.f32 v31;
	v31 =	vmul.f32 $2.550000000e+02, v1;
	v30 =	vld [tilespmem:s22+$0x170]  }
0x2ee: {  	v34 =	vadd.f32 v4, v54;
	v4 =	vmul.f32 $2.550000000e+02, v2;
	v11 =	vld.idx.msk [tilespmem:v13+s3+$0x0], $0xffff;
	v13 =	vcvt.f32.s32 v25  }
0x2ef: {  	v61 =	vld.idx.msk [tilespmem:v15+s3+$0x0], $0xffff;
	v25 =	vmul.f32 $2.550000000e+02, v0;
	v31 =	vtrunc.f32 v31;
	v38 =	vsub.f32 v24, v58  }
0x2f0: {  	s21 =	simm.s32 $0x2000;
	v17 =	vld.idx.msk [tilespmem:v17+s3+$0x0], $0xffff;
	v4 =	vtrunc.f32 v4;
	v62 =	vsub.f32 v20, v60;
	v48 =	vcvt.f32.s32 v31  }
0x2f1: {  	s31 =	simm.s32 $0x100;
	s30 =	sand.u32 $0x2000, s21;
	v23 =	vadd.f32 v23, v51;
	v59 =	vcvt.f32.s32 v4;
	v7 =	vld.idx.msk [tilespmem:v7+s3+$0x0], $0xffff;
	v15 =	vmul.f32 v38, v38  }
0x2f2: {  	s24 =	simm.s32 $0x40;
	s23 =	sand.u32 $0xF000, s31;
	s22 =	sshrl.u32 s30, $0x2;
	v14 =	vld.idx.msk [tilespmem:v14+s3+$0x0], $0xffff;
	v33 =	vmul.f32 v62, v62;
	v4 =	vsub.f32 v53, v8;
	v8 =	vtrunc.f32 v22  }
0x2f3: {  	s24 =	sand.u32 $0x380, s24;
	s22 =	sor.u32 s22, s23;
	v22 =	vmul.f32 $2.550000000e+02, v30;
	v10 =	vsub.f32 v55, v11;
	v11 =	vadd.f32 v5, v23  }
0x2f4: {  	s22 =	sor.u32 s22, s24;
	v23 =	vcvt.f32.s32 v9;
	v13 =	vld.idx.msk [tilespmem:v13+s3+$0x0], $0xffff;
	v24 =	vadd.f32 v15, v24;
	v15 =	vtrunc.f32 v25  }
0x2f5: {  	v42 =	vsub.f32 v29, v17;
	v8 =	vcvt.f32.s32 v8;
	v17 =	vcvt.f32.s32 v15;
	v15 =	vld [tilespmem:s22+$0x510]  }
0x2f6: {  	v4 =	vmul.f32 v4, v4;
	v5 =	vtrunc.f32 v22;
	v50 =	vsub.f32 v26, v7;
	v35 =	vld.idx.msk [tilespmem:v48+s3+$0x0], $0xffff  }
0x2f7: {  	v22 =	vcvt.f32.s32 v5;
	v5 =	vsub.f32 v27, v14;
	v14 =	vmul.f32 v10, v10;
	v10 =	vld [tilespmem:s22+$0x550]  }
0x2f8: {  	v20 =	vadd.f32 v33, v20;
	v9 =	vadd.f32 v4, v53;
	v4 =	vld [tilespmem:s22+$0x560];
	v58 =	vmul.f32 v50, v50  }
0x2f9: {  	v50 =	vmul.f32 v42, v42;
	v47 =	vmul.f32 v5, v5;
	v14 =	vadd.f32 v14, v55;
	v5 =	vld [tilespmem:s22+$0x520]  }
0x2fa: {  	v63 =	vmul.f32 $2.550000000e+02, v32;
	v25 =	vsub.f32 v56, v13;
	v55 =	vld.idx.msk [tilespmem:v59+s3+$0x0], $0xffff;
	v41 =	vadd.f32 v58, v26  }
0x2fb: {  	v45 =	vadd.f32 v50, v29;
	v14 =	vadd.f32 v14, v12;
	v59 =	vld.idx.msk [tilespmem:v17+s3+$0x0], $0xffff;
	v17 =	vmul.f32 $2.550000000e+02, v15  }
0x2fc: {  	v8 =	vld.idx.msk [tilespmem:v8+s3+$0x0], $0xffff;
	v27 =	vadd.f32 v47, v27;
	v49 =	vmul.f32 v25, v25;
	v31 =	vmul.f32 $2.550000000e+02, v10  }
0x2fd: {  	v12 =	vld [tilespmem:s22+$0x150];
	v25 =	vmul.f32 $2.550000000e+02, v4;
	v13 =	vadd.f32 v24, v14;
	v17 =	vtrunc.f32 v17  }
0x2fe: {  	v22 =	vld.idx.msk [tilespmem:v22+s3+$0x0], $0xffff;
	v24 =	vadd.f32 v27, v3;
	v7 =	vtrunc.f32 v31;
	v3 =	vmul.f32 $2.550000000e+02, v5  }
0x2ff: {  	v58 =	vsub.f32 v1, v35;
	v14 =	vld [tilespmem:s22+$0x130];
	v51 =	vcvt.f32.s32 v7;
	v7 =	vtrunc.f32 v63  }
0x300: {  	v23 =	vld.idx.msk [tilespmem:v23+s3+$0x0], $0xffff;
	v36 =	vadd.f32 v49, v56;
	v25 =	vtrunc.f32 v25;
	v38 =	vcvt.f32.s32 v7  }
0x301: {  	v46 =	vcvt.f32.s32 v17;
	v17 =	vld [tilespmem:s22+$0x110];
	v31 =	vsub.f32 v28, v8;
	v27 =	vcvt.f32.s32 v25  }
0x302: {  	v8 =	vld [tilespmem:s22+$0x540];
	v36 =	vadd.f32 v36, v19;
	v3 =	vtrunc.f32 v3;
	v60 =	vmul.f32 $2.550000000e+02, v12  }
0x303: {  	v19 =	vld [tilespmem:s22+$0x160];
	v54 =	vmul.f32 v31, v31;
	v31 =	vsub.f32 v16, v61;
	v25 =	vcvt.f32.s32 v3  }
0x304: {  	v7 =	vld [tilespmem:s22+$0x100];
	v22 =	vsub.f32 v30, v22;
	v57 =	vmul.f32 $2.550000000e+02, v14;
	v62 =	vtrunc.f32 v60  }
0x305: {  	v23 =	vsub.f32 v37, v23;
	v3 =	vld [tilespmem:s22+$0x530];
	v56 =	vmul.f32 v31, v31;
	v52 =	vcvt.f32.s32 v62  }
0x306: {  	v39 =	vsub.f32 v2, v55;
	v53 =	vmul.f32 v22, v22;
	v33 =	vmul.f32 $2.550000000e+02, v17;
	v38 =	vld.idx.msk [tilespmem:v38+s3+$0x0], $0xffff  }
0x307: {  	v26 =	vadd.f32 v54, v28;
	v31 =	vmul.f32 $2.550000000e+02, v8;
	v55 =	vtrunc.f32 v57  }
0x308: {  	v28 =	vadd.f32 v41, v34;
	v57 =	vmul.f32 v23, v23;
	v60 =	vmul.f32 $2.550000000e+02, v19  }
0x309: {  	v23 =	vld [tilespmem:s22+$0x120];
	v16 =	vadd.f32 v56, v16;
	v61 =	vmul.f32 $2.550000000e+02, v7;
	v56 =	vsub.f32 v0, v59  }
0x30a: {  	v22 =	vld [tilespmem:s22+$0x500];
	v44 =	vcvt.f32.s32 v55;
	v30 =	vadd.f32 v53, v30;
	v63 =	vmul.f32 $2.550000000e+02, v3  }
0x30b: {  	v54 =	vld.idx.msk [tilespmem:v51+s3+$0x0], $0xffff;
	v37 =	vadd.f32 v57, v37;
	v62 =	vtrunc.f32 v60;
	v59 =	vsub.f32 v32, v38  }
0x30c: {  	v16 =	vadd.f32 v16, v36;
	v41 =	vtrunc.f32 v61;
	v36 =	vcvt.f32.s32 v62  }
0x30d: {  	v43 =	vld.idx.msk [tilespmem:v46+s3+$0x0], $0xffff;
	v46 =	vadd.f32 v30, v18;
	v63 =	vtrunc.f32 v63;
	v61 =	vmul.f32 v59, v59  }
0x30e: {  	v18 =	vld [tilespmem:s22+$0x170];
	v35 =	vadd.f32 v37, v21;
	v37 =	vmul.f32 v56, v56;
	v21 =	vmul.f32 $2.550000000e+02, v23  }
0x30f: {  	v47 =	vmul.f32 $2.550000000e+02, v22;
	v42 =	vcvt.f32.s32 v63;
	v38 =	vld.idx.msk [tilespmem:v52+s3+$0x0], $0xffff;
	v30 =	vadd.f32 v61, v32  }
0x310: {  	s23 =	simm.s32 $0x2;
	v40 =	vsub.f32 v10, v54;
	v34 =	vtrunc.f32 v21;
	v21 =	vld [tilespmem:s22+$0x140];
	v32 =	vmul.f32 v58, v58  }
.LBB2_14:
0x311: {  	s23 =	sadd.s32 $0x2, s23;
	v44 =	vld.idx.msk [tilespmem:v44+s3+$0x0], $0xffff;
	v47 =	vtrunc.f32 v47;
	s21 =	sadd.s32 $0x2000, s21;
	v39 =	vmul.f32 v39, v39;
	v29 =	vadd.f32 v30, v46  }
0x312: {  	v41 =	vcvt.f32.s32 v41;
	v43 =	vsub.f32 v15, v43;
	s24 =	sand.u32 $0x2000, s21;
	s25 =	sshll.u32 s23, $0x7;
	s26 =	sshll.u32 s23, $0x5;
	v46 =	vcvt.f32.s32 v47;
	v30 =	vld [tilespmem:s22+$0x570]  }
0x313: {  	v31 =	vtrunc.f32 v31;
	v40 =	vmul.f32 v40, v40;
	p0 =	slt.u32 s23, $0x17E;
	v24 =	vadd.f32 v45, v24;
	s22 =	sand.u32 $0xF000, s25;
	s24 =	sshrl.u32 s24, $0x2;
	v27 =	vld.idx.msk [tilespmem:v27+s3+$0x0], $0xffff  }
0x314: {  	v31 =	vcvt.f32.s32 v31;
	v47 =	vadd.f32 v32, v1;
	v1 =	vmovc v23;
	s25 =	sand.u32 $0x380, s26;
	s22 =	sor.u32 s24, s22;
	v45 =	vmul.f32 $2.550000000e+02, v18;
	v25 =	vld.idx.msk [tilespmem:v25+s3+$0x0], $0xffff  }
0x315: {  	v43 =	vmul.f32 v43, v43;
	v39 =	vadd.f32 v39, v2;
	v2 =	vmovc v22;
	s22 =	sor.u32 s22, s25;
	v23 =	vmul.f32 $2.550000000e+02, v21;
	v42 =	vld.idx.msk [tilespmem:v42+s3+$0x0], $0xffff  }
0x316: {  	v38 =	vsub.f32 v12, v38;
	v32 =	vadd.f32 v26, v35;
	v22 =	vld [tilespmem:s22+$0x150];
	v45 =	vtrunc.f32 v45  }
0x317: {  	v23 =	vtrunc.f32 v23;
	v26 =	vld.idx.msk [tilespmem:v36+s3+$0x0], $0xffff;
	v35 =	vcvt.f32.s32 v45;
	v36 =	vadd.f32 v37, v0;
	v0 =	vmovc v17  }
0x318: {  	v38 =	vmul.f32 v38, v38;
	v28 =	vadd.f32 v39, v28;
	v37 =	vsub.f32 v14, v44;
	v17 =	vld.idx.msk [tilespmem:v41+s3+$0x0], $0xffff  }
0x319: {  	v11 =	vadd.f32 v47, v11;
	v23 =	vcvt.f32.s32 v23;
	v39 =	vld [tilespmem:s22+$0x550];
	v6 =	vadd.f32 v36, v6  }
0x31a: {  	v41 =	vmul.f32 $2.550000000e+02, v30;
	v36 =	vadd.f32 v43, v15;
	v25 =	vsub.f32 v5, v25;
	v31 =	vld.idx.msk [tilespmem:v31+s3+$0x0], $0xffff  }
0x31b: {  	v38 =	vadd.f32 v38, v12;
	v37 =	vmul.f32 v37, v37;
	v43 =	vld [tilespmem:s22+$0x560];
	v6 =	vadd.f32 v9, v6;
	v12 =	vmovc v22  }
0x31c: {  	v11 =	vadd.f32 v20, v11;
	v22 =	vmul.f32 v25, v25;
	v25 =	vadd.f32 v40, v10;
	v9 =	vmovc v36;
	v15 =	vld [tilespmem:s22+$0x510]  }
0x31d: {  	v20 =	vtrunc.f32 v33;
	v33 =	vcvt.f32.s32 v34;
	v13 =	vadd.f32 v38, v13;
	v36 =	vld [tilespmem:s22+$0x520]  }
0x31e: {  	v40 =	vsub.f32 v3, v42;
	v26 =	vsub.f32 v19, v26;
	v34 =	vld [tilespmem:s22+$0x100];
	v38 =	vmul.f32 $2.550000000e+02, v39;
	v10 =	vmovc v39  }
0x31f: {  	v14 =	vadd.f32 v37, v14;
	v13 =	vadd.f32 v25, v13;
	v39 =	vcvt.f32.s32 v20;
	v23 =	vld.idx.msk [tilespmem:v23+s3+$0x0], $0xffff  }
0x320: {  	v17 =	vsub.f32 v7, v17;
	v26 =	vmul.f32 v26, v26;
	v25 =	vsub.f32 v8, v31  }
0x321: {  	v24 =	vadd.f32 v14, v24;
	v20 =	vtrunc.f32 v38;
	v31 =	vmul.f32 $2.550000000e+02, v43;
	v37 =	vld.idx.msk [tilespmem:v46+s3+$0x0], $0xffff  }
0x322: {  	v41 =	vtrunc.f32 v41;
	v38 =	vcvt.f32.s32 v20;
	v14 =	vld [tilespmem:s22+$0x130]  }
0x323: {  	v20 =	vadd.f32 v22, v5;
	v22 =	vcvt.f32.s32 v41;
	v42 =	vmul.f32 $2.550000000e+02, v36;
	v5 =	vmovc v36;
	v44 =	vld [tilespmem:s22+$0x540]  }
0x324: {  	v41 =	vsub.f32 v4, v27;
	v31 =	vtrunc.f32 v31;
	v36 =	vmul.f32 v25, v25;
	v35 =	vld.idx.msk [tilespmem:v35+s3+$0x0], $0xffff  }
0x325: {  	v27 =	vcvt.f32.s32 v31;
	v25 =	vtrunc.f32 v42;
	v42 =	vld.idx.msk [tilespmem:v39+s3+$0x0], $0xffff  }
0x326: {  	v25 =	vcvt.f32.s32 v25;
	v39 =	vadd.f32 v26, v19;
	v19 =	vmul.f32 v41, v41;
	v33 =	vld.idx.msk [tilespmem:v33+s3+$0x0], $0xffff  }
0x327: {  	v23 =	vsub.f32 v21, v23;
	v26 =	vmul.f32 v17, v17;
	v41 =	vmul.f32 $2.550000000e+02, v14;
	v48 =	vld [tilespmem:s22+$0x530]  }
0x328: {  	v45 =	vmul.f32 $2.550000000e+02, v15;
	v46 =	vadd.f32 v19, v4;
	v4 =	vmovc v43;
	v17 =	vld [tilespmem:s22+$0x110];
	v31 =	vmul.f32 $2.550000000e+02, v44  }
0x329: {  	v43 =	vmul.f32 $2.550000000e+02, v12;
	v47 =	vadd.f32 v26, v7;
	v26 =	vadd.f32 v36, v8;
	v7 =	vmovc v34;
	v22 =	vld.idx.msk [tilespmem:v22+s3+$0x0], $0xffff  }
0x32a: {  	v34 =	vtrunc.f32 v45;
	v16 =	vadd.f32 v39, v16;
	v8 =	vmovc v44;
	v35 =	vsub.f32 v18, v35;
	v19 =	vld [tilespmem:s22+$0x160]  }
0x32b: {  	v36 =	vmul.f32 $2.550000000e+02, v7;
	v34 =	vcvt.f32.s32 v34;
	v28 =	vadd.f32 v47, v28  }
0x32c: {  	v39 =	vsub.f32 v2, v37;
	v43 =	vtrunc.f32 v43;
	v45 =	vmul.f32 $2.550000000e+02, v48  }
0x32d: {  	v16 =	vadd.f32 v46, v16;
	v37 =	vcvt.f32.s32 v43;
	v35 =	vmul.f32 v35, v35;
	v47 =	vld.idx.msk [tilespmem:v38+s3+$0x0], $0xffff  }
0x32e: {  	v42 =	vsub.f32 v0, v42;
	v43 =	vmul.f32 v23, v23;
	v38 =	vtrunc.f32 v41  }
0x32f: {  	v49 =	vsub.f32 v1, v33;
	v41 =	vtrunc.f32 v36;
	v33 =	vsub.f32 v30, v22;
	v23 =	vld [tilespmem:s22+$0x120]  }
0x330: {  	v50 =	vmul.f32 v40, v40;
	v21 =	vadd.f32 v43, v21;
	v36 =	vmul.f32 $2.550000000e+02, v19;
	v22 =	vld [tilespmem:s22+$0x500]  }
0x331: {  	v18 =	vadd.f32 v35, v18;
	v44 =	vcvt.f32.s32 v38;
	v43 =	vld.idx.msk [tilespmem:v34+s3+$0x0], $0xffff;
	v34 =	vmul.f32 v33, v33  }
.Ltmp6:
0x332: {  	v45 =	vtrunc.f32 v45;
	v35 =	vadd.f32 v21, v32;
	v33 =	vtrunc.f32 v36;
	(pc) =	sbr.rel @p0 .LBB2_14-.Ltmp6, $4  }
0x333: {  	v36 =	vcvt.f32.s32 v33;
	v40 =	vsub.f32 v10, v47;
	v38 =	vld.idx.msk [tilespmem:v37+s3+$0x0], $0xffff;
	v37 =	vmul.f32 v42, v42  }
0x334: {  	v46 =	vadd.f32 v18, v29;
	v33 =	vmul.f32 $2.550000000e+02, v17;
	v21 =	vmul.f32 $2.550000000e+02, v23  }
0x335: {  	v42 =	vcvt.f32.s32 v45;
	v30 =	vadd.f32 v34, v30;
	v18 =	vld [tilespmem:s22+$0x170];
	v47 =	vmul.f32 $2.550000000e+02, v22  }
0x336: {  	v32 =	vmul.f32 v49, v49;
	v45 =	vadd.f32 v50, v3;
	v3 =	vmovc v48;
	v34 =	vtrunc.f32 v21;
	v21 =	vld [tilespmem:s22+$0x140]  }
0x337: {  	v29 =	vtrunc.f32 v47  }
0x338: {  	v39 =	vmul.f32 v39, v39;
	v41 =	vcvt.f32.s32 v41  }
0x339: {  	v31 =	vtrunc.f32 v31;
	v43 =	vsub.f32 v15, v43;
	v30 =	vadd.f32 v30, v46  }
0x33a: {  	v33 =	vtrunc.f32 v33;
	v0 =	vadd.f32 v37, v0;
	v34 =	vcvt.f32.s32 v34  }
0x33b: {  	v52 =	vld [tilespmem:s22+$0x570];
	v35 =	vadd.f32 v26, v35;
	v40 =	vmul.f32 v40, v40;
	v29 =	vcvt.f32.s32 v29  }
0x33c: {  	v31 =	vcvt.f32.s32 v31;
	v24 =	vadd.f32 v45, v24;
	v1 =	vadd.f32 v32, v1  }
0x33d: {  	v44 =	vld.idx.msk [tilespmem:v44+s3+$0x0], $0xffff;
	v38 =	vsub.f32 v12, v38;
	v33 =	vcvt.f32.s32 v33;
	v43 =	vmul.f32 v43, v43  }
0x33e: {  	v27 =	vld.idx.msk [tilespmem:v27+s3+$0x0], $0xffff;
	v2 =	vadd.f32 v39, v2;
	v6 =	vadd.f32 v0, v6;
	v49 =	vmul.f32 $2.550000000e+02, v18  }
0x33f: {  	v25 =	vld.idx.msk [tilespmem:v25+s3+$0x0], $0xffff;
	v38 =	vmul.f32 v38, v38;
	v1 =	vadd.f32 v1, v11;
	v48 =	vmul.f32 $2.550000000e+02, v21  }
0x340: {  	v55 =	vld.idx.msk [tilespmem:v42+s3+$0x0], $0xffff;
	v2 =	vadd.f32 v2, v28;
	v53 =	vtrunc.f32 v49;
	v56 =	vmul.f32 $2.550000000e+02, v52  }
0x341: {  	v36 =	vld.idx.msk [tilespmem:v36+s3+$0x0], $0xffff;
	v0 =	vadd.f32 v43, v15;
	v48 =	vtrunc.f32 v48;
	v54 =	vcvt.f32.s32 v53  }
0x342: {  	v9 =	vadd.f32 v9, v6;
	v57 =	vld.idx.msk [tilespmem:v41+s3+$0x0], $0xffff;
	v48 =	vcvt.f32.s32 v48;
	v58 =	vtrunc.f32 v56  }
0x343: {  	v26 =	vsub.f32 v14, v44;
	v12 =	vadd.f32 v38, v12;
	v31 =	vld.idx.msk [tilespmem:v31+s3+$0x0], $0xffff;
	v39 =	vcvt.f32.s32 v58  }
0x344: {  	v6 =	vadd.f32 v40, v10;
	v15 =	vsub.f32 v5, v25;
	v11 =	vld.idx.msk [tilespmem:v29+s3+$0x0], $0xffff  }
0x345: {  	v10 =	vld.idx.msk [tilespmem:v33+s3+$0x0], $0xffff;
	v26 =	vmul.f32 v26, v26;
	v29 =	vadd.f32 v20, v1;
	v1 =	vadd.f32 v12, v13  }
0x346: {  	v12 =	vld.idx.msk [tilespmem:v34+s3+$0x0], $0xffff;
	v13 =	vsub.f32 v19, v36;
	v20 =	vsub.f32 v3, v55;
	v15 =	vmul.f32 v15, v15  }
0x347: {  	s21 =	simm.s32 $0x0;
	v14 =	vadd.f32 v26, v14;
	v26 =	vsub.f32 v4, v27;
	v25 =	vld.idx.msk [tilespmem:v54+s3+$0x0], $0xffff  }
0x348: {  	s29 =	simm.s32 $0x0;
	s23 =	simm.s32 $0x0;
	s21 =	sand.u32 $0x2000, s21;
	v6 =	vadd.f32 v6, v1;
	v13 =	vmul.f32 v13, v13;
	v15 =	vadd.f32 v15, v5;
	v28 =	vld.idx.msk [tilespmem:v48+s3+$0x0], $0xffff  }
0x349: {  	s22 =	sand.u32 $0xF000, s29;
	s21 =	sshrl.u32 s21, $0x2;
	v20 =	vmul.f32 v20, v20;
	v1 =	vsub.f32 v7, v57;
	v24 =	vadd.f32 v14, v24;
	v59 =	vld.idx.msk [tilespmem:v39+s3+$0x0], $0xffff;
	_ =	swait.ge [sflag:s18], $0xC000  }
0x34a: {  	s23 =	sand.u32 $0x380, s23;
	s21 =	sor.u32 s21, s22;
	v14 =	vmul.f32 v26, v26;
	v5 =	vadd.f32 v13, v19;
	v27 =	vsub.f32 v8, v31;
	[sflag:s18] =	ssyncset.done $0x0  }
0x34b: {  	s22 =	sor.u32 s23, s21;
	v3 =	vadd.f32 v20, v3;
	v10 =	vsub.f32 v17, v10;
	v1 =	vmul.f32 v1, v1;
	[sflag:s18] =	ssyncadd.s32 $0xFFFF4000  }
0x34c: {  	v12 =	vsub.f32 v23, v12;
	v11 =	vsub.f32 v22, v11;
	v13 =	vmul.f32 v27, v27;
	v27 =	vld [tilespmem:s22+$0xC550]  }
0x34d: {  	v4 =	vadd.f32 v14, v4;
	v1 =	vadd.f32 v1, v7;
	v14 =	vld [tilespmem:s22+$0xC560]  }
0x34e: {  	v5 =	vadd.f32 v5, v16;
	v7 =	vsub.f32 v18, v25;
	v19 =	vld [tilespmem:s22+$0xC520]  }
0x34f: {  	v31 =	vadd.f32 v1, v2;
	v1 =	vmul.f32 v12, v12;
	v12 =	vld [tilespmem:s22+$0xC150];
	v26 =	vsub.f32 v21, v28  }
0x350: {  	v10 =	vmul.f32 v10, v10;
	v8 =	vadd.f32 v13, v8;
	v60 =	vld [tilespmem:s22+$0xC130];
	v13 =	vsub.f32 v52, v59  }
0x351: {  	v24 =	vadd.f32 v3, v24;
	v7 =	vmul.f32 v7, v7;
	v16 =	vmul.f32 v26, v26  }
0x352: {  	v3 =	vld [tilespmem:s22+$0xC500];
	v26 =	vadd.f32 v4, v5;
	v4 =	vmul.f32 v11, v11;
	v13 =	vmul.f32 v13, v13  }
0x353: {  	v28 =	vld [tilespmem:s22+$0xC510];
	v7 =	vadd.f32 v7, v18;
	v25 =	vmul.f32 $2.550000000e+02, v27;
	v11 =	vmul.f32 $2.550000000e+02, v14  }
0x354: {  	v5 =	vadd.f32 v16, v21;
	v16 =	vmul.f32 $2.550000000e+02, v19;
	v62 =	vmul.f32 $2.550000000e+02, v12  }
0x355: {  	v40 =	vmul.f32 $2.550000000e+02, v60;
	v4 =	vadd.f32 v4, v22;
	v2 =	vtrunc.f32 v25  }
0x356: {  	v18 =	vld [tilespmem:s22+$0xC100];
	v7 =	vadd.f32 v7, v30;
	v11 =	vtrunc.f32 v11;
	v16 =	vtrunc.f32 v16  }
0x357: {  	v41 =	vtrunc.f32 v40;
	v37 =	vadd.f32 v4, v31;
	v4 =	vmul.f32 $2.550000000e+02, v3  }
0x358: {  	v21 =	vld [tilespmem:s22+$0xC540];
	v13 =	vadd.f32 v13, v52;
	v61 =	vcvt.f32.s32 v2;
	v2 =	vmul.f32 $2.550000000e+02, v28  }
0x359: {  	v10 =	vadd.f32 v10, v17;
	v30 =	vld [tilespmem:s22+$0xC160];
	v11 =	vcvt.f32.s32 v11;
	v16 =	vcvt.f32.s32 v16  }
0x35a: {  	v25 =	vld [tilespmem:s22+$0xC530];
	v20 =	vadd.f32 v13, v7;
	v13 =	vtrunc.f32 v62;
	v33 =	vcvt.f32.s32 v41  }
0x35b: {  	v5 =	vadd.f32 v5, v35;
	v35 =	vld [tilespmem:s22+$0xC140];
	v7 =	vmul.f32 $2.550000000e+02, v18;
	v2 =	vtrunc.f32 v2  }
0x35c: {  	v17 =	vld [tilespmem:s22+$0xC170];
	v9 =	vadd.f32 v10, v9;
	v13 =	vcvt.f32.s32 v13;
	v63 =	vcvt.f32.s32 v2  }
0x35d: {  	v23 =	vadd.f32 v1, v23;
	v4 =	vtrunc.f32 v4;
	v22 =	vmul.f32 $2.550000000e+02, v21;
	v2 =	vld [tilespmem:s22+$0xC120]  }
0x35e: {  	v1 =	vld [tilespmem:s22+$0xC110];
	v32 =	vadd.f32 v8, v5;
	v42 =	vmul.f32 $2.550000000e+02, v30;
	v5 =	vtrunc.f32 v7  }
0x35f: {  	v43 =	vmul.f32 $2.550000000e+02, v25;
	v48 =	vcvt.f32.s32 v5;
	v44 =	vld.idx.msk [tilespmem:v61+s3+$0x0], $0xffff  }
0x360: {  	s21 =	simm.s32 $0x2000;
	v5 =	vadd.f32 v0, v9;
	v0 =	vmul.f32 $2.550000000e+02, v35;
	v8 =	vtrunc.f32 v42;
	v47 =	vld.idx.msk [tilespmem:v33+s3+$0x0], $0xffff  }
0x361: {  	s31 =	simm.s32 $0x100;
	s30 =	sand.u32 $0x2000, s21;
	v45 =	vtrunc.f32 v43;
	v8 =	vcvt.f32.s32 v8;
	v33 =	vld [tilespmem:s22+$0xC570]  }
0x362: {  	s24 =	simm.s32 $0x40;
	s23 =	sand.u32 $0xF000, s31;
	s22 =	sshrl.u32 s30, $0x2;
	v31 =	vcvt.f32.s32 v45;
	v46 =	vmul.f32 $2.550000000e+02, v2;
	v7 =	vld.idx.msk [tilespmem:v63+s3+$0x0], $0xffff  }
0x363: {  	s24 =	sand.u32 $0x380, s24;
	v49 =	vcvt.f32.s32 v4;
	v50 =	vld.idx.msk [tilespmem:v11+s3+$0x0], $0xffff;
	v0 =	vtrunc.f32 v0;
	s22 =	sor.u32 s22, s23  }
0x364: {  	v23 =	vadd.f32 v23, v29;
	v10 =	vld.idx.msk [tilespmem:v13+s3+$0x0], $0xffff;
	v13 =	vmul.f32 $2.550000000e+02, v1;
	s22 =	sor.u32 s24, s22;
	v29 =	vtrunc.f32 v46  }
0x365: {  	v52 =	vcvt.f32.s32 v0;
	v0 =	vld [tilespmem:s22+$0xC560];
	v29 =	vcvt.f32.s32 v29  }
0x366: {  	v16 =	vld.idx.msk [tilespmem:v16+s3+$0x0], $0xffff;
	v11 =	vadd.f32 v15, v23;
	v13 =	vtrunc.f32 v13;
	v38 =	vsub.f32 v27, v44  }
0x367: {  	v8 =	vld.idx.msk [tilespmem:v8+s3+$0x0], $0xffff;
	v4 =	vsub.f32 v28, v7;
	v7 =	vtrunc.f32 v22;
	v22 =	vmul.f32 $2.550000000e+02, v17  }
0x368: {  	v41 =	vsub.f32 v14, v50;
	v38 =	vmul.f32 v38, v38;
	v31 =	vld.idx.msk [tilespmem:v31+s3+$0x0], $0xffff;
	v51 =	vcvt.f32.s32 v7  }
0x369: {  	v7 =	vsub.f32 v12, v10;
	v4 =	vmul.f32 v4, v4;
	v9 =	vtrunc.f32 v22;
	v22 =	vld.idx.msk [tilespmem:v48+s3+$0x0], $0xffff  }
0x36a: {  	v56 =	vmul.f32 $2.550000000e+02, v0;
	v10 =	vsub.f32 v60, v47;
	v23 =	vcvt.f32.s32 v9;
	v9 =	vld [tilespmem:s22+$0xC550]  }
0x36b: {  	v15 =	vmul.f32 v7, v7;
	v50 =	vld.idx.msk [tilespmem:v29+s3+$0x0], $0xffff;
	v7 =	vadd.f32 v4, v28;
	v4 =	vsub.f32 v19, v16  }
0x36c: {  	v61 =	vmul.f32 v41, v41;
	v27 =	vadd.f32 v38, v27;
	v10 =	vmul.f32 v10, v10;
	v16 =	vld [tilespmem:s22+$0xC510]  }
0x36d: {  	v36 =	vtrunc.f32 v56;
	v12 =	vadd.f32 v15, v12;
	v53 =	vmul.f32 v4, v4;
	v4 =	vld [tilespmem:s22+$0xC520]  }
0x36e: {  	v42 =	vsub.f32 v25, v31;
	v31 =	vcvt.f32.s32 v13;
	v10 =	vadd.f32 v10, v60;
	v15 =	vld.idx.msk [tilespmem:v51+s3+$0x0], $0xffff  }
0x36f: {  	v8 =	vsub.f32 v30, v8;
	v28 =	vmul.f32 $2.550000000e+02, v33;
	v6 =	vadd.f32 v12, v6;
	v12 =	vld [tilespmem:s22+$0xC150]  }
0x370: {  	v55 =	vsub.f32 v18, v22;
	v22 =	vadd.f32 v10, v24;
	v10 =	vld [tilespmem:s22+$0xC540];
	v54 =	vmul.f32 $2.550000000e+02, v9  }
0x371: {  	v13 =	vadd.f32 v27, v6;
	v6 =	vmul.f32 v8, v8;
	v59 =	vld.idx.msk [tilespmem:v23+s3+$0x0], $0xffff;
	v23 =	vcvt.f32.s32 v36  }
0x372: {  	v60 =	vld.idx.msk [tilespmem:v49+s3+$0x0], $0xffff;
	v34 =	vmul.f32 v55, v55;
	v8 =	vtrunc.f32 v54  }
0x373: {  	v19 =	vadd.f32 v53, v19;
	v27 =	vld.idx.msk [tilespmem:v52+s3+$0x0], $0xffff;
	v49 =	vmul.f32 $2.550000000e+02, v16;
	v58 =	vcvt.f32.s32 v8  }
0x374: {  	v48 =	vld.idx.msk [tilespmem:v31+s3+$0x0], $0xffff;
	v8 =	vtrunc.f32 v28;
	v24 =	vmul.f32 $2.550000000e+02, v4;
	v30 =	vadd.f32 v6, v30  }
0x375: {  	v6 =	vld [tilespmem:s22+$0xC530];
	v57 =	vsub.f32 v21, v15;
	v28 =	vcvt.f32.s32 v8;
	v31 =	vmul.f32 $2.550000000e+02, v10  }
0x376: {  	v34 =	vadd.f32 v34, v18;
	v29 =	vmul.f32 $2.550000000e+02, v12;
	v24 =	vtrunc.f32 v24  }
0x377: {  	v15 =	vld [tilespmem:s22+$0xC130];
	v26 =	vadd.f32 v30, v26;
	v38 =	vmul.f32 v57, v57;
	v24 =	vcvt.f32.s32 v24  }
0x378: {  	v8 =	vld [tilespmem:s22+$0xC100];
	v63 =	vsub.f32 v35, v27;
	v30 =	vsub.f32 v17, v59;
	v29 =	vtrunc.f32 v29  }
0x379: {  	v18 =	vld [tilespmem:s22+$0xC160];
	v57 =	vsub.f32 v2, v50;
	v59 =	vmul.f32 v42, v42;
	v54 =	vcvt.f32.s32 v29  }
0x37a: {  	v27 =	vadd.f32 v38, v21;
	v21 =	vtrunc.f32 v49;
	v53 =	vmul.f32 $2.550000000e+02, v6  }
0x37b: {  	v14 =	vadd.f32 v61, v14;
	v55 =	vmul.f32 v30, v30;
	v56 =	vmul.f32 v63, v63;
	v51 =	vld.idx.msk [tilespmem:v28+s3+$0x0], $0xffff  }
0x37c: {  	v45 =	vsub.f32 v1, v48;
	v44 =	vmul.f32 v57, v57;
	v46 =	vcvt.f32.s32 v21  }
0x37d: {  	v14 =	vadd.f32 v14, v26;
	v29 =	vld [tilespmem:s22+$0xC120];
	v62 =	vmul.f32 $2.550000000e+02, v15;
	v52 =	vmul.f32 $2.550000000e+02, v8  }
0x37e: {  	v26 =	vld.idx.msk [tilespmem:v58+s3+$0x0], $0xffff;
	v58 =	vmul.f32 $2.550000000e+02, v18;
	v36 =	vmul.f32 v45, v45;
	v28 =	vadd.f32 v34, v37  }
0x37f: {  	v30 =	vld [tilespmem:s22+$0xC500];
	v37 =	vsub.f32 v3, v60;
	v35 =	vadd.f32 v56, v35;
	v41 =	vtrunc.f32 v62  }
0x380: {  	v21 =	vld [tilespmem:s22+$0xC110];
	v39 =	vtrunc.f32 v52;
	v43 =	vcvt.f32.s32 v41;
	v38 =	vsub.f32 v33, v51  }
0x381: {  	v17 =	vadd.f32 v55, v17;
	v61 =	vtrunc.f32 v58;
	v62 =	vtrunc.f32 v53  }
0x382: {  	v32 =	vadd.f32 v35, v32;
	v35 =	vcvt.f32.s32 v61;
	v41 =	vld.idx.msk [tilespmem:v46+s3+$0x0], $0xffff;
	v60 =	vmul.f32 v38, v38  }
0x383: {  	v63 =	vmul.f32 $2.550000000e+02, v29;
	v40 =	vcvt.f32.s32 v62;
	v46 =	vadd.f32 v17, v20;
	v17 =	vld [tilespmem:s22+$0xC170]  }
0x384: {  	v47 =	vmul.f32 $2.550000000e+02, v30;
	v42 =	vsub.f32 v9, v26;
	v20 =	vld [tilespmem:s22+$0xC140];
	v26 =	vadd.f32 v60, v33  }
0x385: {  	s23 =	simm.s32 $0x2;
	v45 =	vadd.f32 v59, v25;
	v34 =	vmul.f32 $2.550000000e+02, v21;
	v38 =	vld.idx.msk [tilespmem:v54+s3+$0x0], $0xffff;
	v33 =	vtrunc.f32 v63  }
.LBB2_16:
0x386: {  	s23 =	sadd.s32 $0x2, s23;
	v43 =	vld.idx.msk [tilespmem:v43+s3+$0x0], $0xffff;
	v47 =	vtrunc.f32 v47;
	s21 =	sadd.s32 $0x2000, s21;
	v37 =	vmul.f32 v37, v37;
	v25 =	vadd.f32 v26, v46  }
0x387: {  	v39 =	vcvt.f32.s32 v39;
	v41 =	vsub.f32 v16, v41;
	s24 =	sand.u32 $0x2000, s21;
	s25 =	sshll.u32 s23, $0x7;
	s26 =	sshll.u32 s23, $0x5;
	v46 =	vcvt.f32.s32 v47;
	v26 =	vld [tilespmem:s22+$0xC570]  }
0x388: {  	v31 =	vtrunc.f32 v31;
	v42 =	vmul.f32 v42, v42;
	p0 =	slt.u32 s23, $0x17E;
	v22 =	vadd.f32 v45, v22;
	s22 =	sand.u32 $0xF000, s25;
	s24 =	sshrl.u32 s24, $0x2;
	v23 =	vld.idx.msk [tilespmem:v23+s3+$0x0], $0xffff  }
0x389: {  	v31 =	vcvt.f32.s32 v31;
	v44 =	vadd.f32 v44, v2;
	v2 =	vmovc v29;
	s25 =	sand.u32 $0x380, s26;
	s22 =	sor.u32 s24, s22;
	v45 =	vmul.f32 $2.550000000e+02, v17;
	v24 =	vld.idx.msk [tilespmem:v24+s3+$0x0], $0xffff  }
0x38a: {  	v41 =	vmul.f32 v41, v41;
	v37 =	vadd.f32 v37, v3;
	v3 =	vmovc v30;
	s22 =	sor.u32 s25, s22;
	v29 =	vmul.f32 $2.550000000e+02, v20;
	v40 =	vld.idx.msk [tilespmem:v40+s3+$0x0], $0xffff  }
0x38b: {  	v32 =	vadd.f32 v27, v32;
	v38 =	vsub.f32 v12, v38;
	v30 =	vld [tilespmem:s22+$0xC150];
	v45 =	vtrunc.f32 v45  }
0x38c: {  	v36 =	vadd.f32 v36, v1;
	v1 =	vmovc v21;
	v27 =	vtrunc.f32 v29;
	v29 =	vld.idx.msk [tilespmem:v35+s3+$0x0], $0xffff;
	v35 =	vcvt.f32.s32 v45  }
0x38d: {  	v38 =	vmul.f32 v38, v38;
	v28 =	vadd.f32 v37, v28;
	v21 =	vld.idx.msk [tilespmem:v39+s3+$0x0], $0xffff;
	v39 =	vsub.f32 v15, v43  }
0x38e: {  	v5 =	vadd.f32 v36, v5;
	v11 =	vadd.f32 v44, v11;
	v27 =	vcvt.f32.s32 v27;
	v37 =	vld [tilespmem:s22+$0xC550]  }
0x38f: {  	v36 =	vadd.f32 v41, v16;
	v41 =	vmul.f32 $2.550000000e+02, v26;
	v24 =	vsub.f32 v4, v24;
	v31 =	vld.idx.msk [tilespmem:v31+s3+$0x0], $0xffff  }
0x390: {  	v5 =	vadd.f32 v7, v5;
	v38 =	vadd.f32 v38, v12;
	v39 =	vmul.f32 v39, v39;
	v43 =	vld [tilespmem:s22+$0xC560];
	v12 =	vmovc v30  }
0x391: {  	v11 =	vadd.f32 v19, v11;
	v7 =	vmovc v36;
	v24 =	vmul.f32 v24, v24;
	v30 =	vadd.f32 v42, v9;
	v16 =	vld [tilespmem:s22+$0xC510]  }
0x392: {  	v33 =	vcvt.f32.s32 v33;
	v19 =	vtrunc.f32 v34;
	v13 =	vadd.f32 v38, v13;
	v36 =	vld [tilespmem:s22+$0xC520]  }
0x393: {  	v40 =	vsub.f32 v6, v40;
	v29 =	vsub.f32 v18, v29;
	v34 =	vld [tilespmem:s22+$0xC100];
	v38 =	vmul.f32 $2.550000000e+02, v37;
	v9 =	vmovc v37  }
0x394: {  	v15 =	vadd.f32 v39, v15;
	v13 =	vadd.f32 v30, v13;
	v37 =	vcvt.f32.s32 v19;
	v27 =	vld.idx.msk [tilespmem:v27+s3+$0x0], $0xffff  }
0x395: {  	v21 =	vsub.f32 v8, v21;
	v29 =	vmul.f32 v29, v29;
	v30 =	vsub.f32 v10, v31  }
0x396: {  	v22 =	vadd.f32 v15, v22;
	v19 =	vtrunc.f32 v38;
	v31 =	vmul.f32 $2.550000000e+02, v43;
	v38 =	vld.idx.msk [tilespmem:v46+s3+$0x0], $0xffff  }
0x397: {  	v41 =	vtrunc.f32 v41;
	v39 =	vcvt.f32.s32 v19;
	v15 =	vld [tilespmem:s22+$0xC130]  }
0x398: {  	v41 =	vcvt.f32.s32 v41;
	v19 =	vadd.f32 v24, v4;
	v42 =	vmul.f32 $2.550000000e+02, v36;
	v4 =	vmovc v36;
	v44 =	vld [tilespmem:s22+$0xC540]  }
0x399: {  	v30 =	vmul.f32 v30, v30;
	v24 =	vtrunc.f32 v31;
	v31 =	vsub.f32 v0, v23;
	v35 =	vld.idx.msk [tilespmem:v35+s3+$0x0], $0xffff  }
0x39a: {  	v23 =	vcvt.f32.s32 v24;
	v36 =	vtrunc.f32 v42;
	v42 =	vld.idx.msk [tilespmem:v37+s3+$0x0], $0xffff  }
0x39b: {  	v29 =	vadd.f32 v29, v18;
	v18 =	vmul.f32 v31, v31;
	v24 =	vcvt.f32.s32 v36;
	v33 =	vld.idx.msk [tilespmem:v33+s3+$0x0], $0xffff  }
0x39c: {  	v45 =	vsub.f32 v20, v27;
	v37 =	vmul.f32 v21, v21;
	v36 =	vmul.f32 $2.550000000e+02, v15;
	v48 =	vld [tilespmem:s22+$0xC530]  }
0x39d: {  	v46 =	vmul.f32 $2.550000000e+02, v16;
	v47 =	vadd.f32 v18, v0;
	v0 =	vmovc v43;
	v21 =	vld [tilespmem:s22+$0xC110];
	v31 =	vmul.f32 $2.550000000e+02, v44  }
0x39e: {  	v27 =	vadd.f32 v30, v10;
	v43 =	vmul.f32 $2.550000000e+02, v12;
	v37 =	vadd.f32 v37, v8;
	v8 =	vmovc v34;
	v30 =	vld.idx.msk [tilespmem:v41+s3+$0x0], $0xffff  }
0x39f: {  	v14 =	vadd.f32 v29, v14;
	v34 =	vtrunc.f32 v46;
	v10 =	vmovc v44;
	v29 =	vsub.f32 v17, v35;
	v18 =	vld [tilespmem:s22+$0xC160]  }
0x3a0: {  	v34 =	vcvt.f32.s32 v34;
	v35 =	vmul.f32 $2.550000000e+02, v8;
	v28 =	vadd.f32 v37, v28  }
0x3a1: {  	v41 =	vtrunc.f32 v43;
	v37 =	vsub.f32 v3, v38;
	v44 =	vmul.f32 $2.550000000e+02, v48  }
0x3a2: {  	v14 =	vadd.f32 v47, v14;
	v38 =	vcvt.f32.s32 v41;
	v49 =	vmul.f32 v29, v29;
	v46 =	vld.idx.msk [tilespmem:v39+s3+$0x0], $0xffff  }
0x3a3: {  	v36 =	vtrunc.f32 v36;
	v47 =	vsub.f32 v1, v42;
	v41 =	vmul.f32 v45, v45  }
0x3a4: {  	v45 =	vsub.f32 v2, v33;
	v39 =	vtrunc.f32 v35;
	v33 =	vsub.f32 v26, v30;
	v29 =	vld [tilespmem:s22+$0xC120]  }
0x3a5: {  	v50 =	vmul.f32 v40, v40;
	v20 =	vadd.f32 v41, v20;
	v35 =	vmul.f32 $2.550000000e+02, v18;
	v30 =	vld [tilespmem:s22+$0xC500]  }
0x3a6: {  	v43 =	vcvt.f32.s32 v36;
	v17 =	vadd.f32 v49, v17;
	v33 =	vmul.f32 v33, v33;
	v41 =	vld.idx.msk [tilespmem:v34+s3+$0x0], $0xffff  }
.Ltmp7:
0x3a7: {  	v40 =	vtrunc.f32 v44;
	v32 =	vadd.f32 v20, v32;
	v34 =	vtrunc.f32 v35;
	(pc) =	sbr.rel @p0 .LBB2_16-.Ltmp7, $4  }
0x3a8: {  	v36 =	vmul.f32 v47, v47;
	v35 =	vcvt.f32.s32 v34;
	v42 =	vsub.f32 v9, v46;
	v38 =	vld.idx.msk [tilespmem:v38+s3+$0x0], $0xffff  }
0x3a9: {  	v34 =	vmul.f32 $2.550000000e+02, v21;
	v46 =	vadd.f32 v17, v25;
	v20 =	vmul.f32 $2.550000000e+02, v29  }
0x3aa: {  	v40 =	vcvt.f32.s32 v40;
	v26 =	vadd.f32 v33, v26;
	v17 =	vld [tilespmem:s22+$0xC170];
	v47 =	vmul.f32 $2.550000000e+02, v30  }
0x3ab: {  	v44 =	vmul.f32 v45, v45;
	v45 =	vadd.f32 v50, v6;
	v6 =	vmovc v48;
	v33 =	vtrunc.f32 v20;
	v20 =	vld [tilespmem:s22+$0xC140]  }
0x3ac: {  	v25 =	vtrunc.f32 v47  }
0x3ad: {  	v37 =	vmul.f32 v37, v37;
	v26 =	vadd.f32 v26, v46;
	v39 =	vcvt.f32.s32 v39  }
0x3ae: {  	v41 =	vsub.f32 v16, v41;
	v31 =	vtrunc.f32 v31;
	v42 =	vmul.f32 v42, v42  }
0x3af: {  	v34 =	vtrunc.f32 v34;
	v27 =	vadd.f32 v27, v32;
	v1 =	vadd.f32 v36, v1  }
0x3b0: {  	v43 =	vld.idx.msk [tilespmem:v43+s3+$0x0], $0xffff;
	v51 =	vcvt.f32.s32 v33;
	v25 =	vcvt.f32.s32 v25;
	v22 =	vadd.f32 v45, v22  }
0x3b1: {  	v24 =	vld.idx.msk [tilespmem:v24+s3+$0x0], $0xffff;
	v31 =	vcvt.f32.s32 v31;
	v2 =	vadd.f32 v44, v2;
	v38 =	vsub.f32 v12, v38  }
0x3b2: {  	v48 =	vld.idx.msk [tilespmem:v40+s3+$0x0], $0xffff;
	v47 =	vcvt.f32.s32 v34;
	v41 =	vmul.f32 v41, v41;
	v3 =	vadd.f32 v37, v3  }
0x3b3: {  	v35 =	vld.idx.msk [tilespmem:v35+s3+$0x0], $0xffff;
	v1 =	vadd.f32 v1, v5;
	v9 =	vadd.f32 v42, v9;
	v62 =	vmul.f32 $2.550000000e+02, v17  }
0x3b4: {  	v23 =	vld.idx.msk [tilespmem:v23+s3+$0x0], $0xffff;
	v38 =	vmul.f32 v38, v38;
	v2 =	vadd.f32 v2, v11;
	v3 =	vadd.f32 v3, v28  }
0x3b5: {  	v37 =	vld [tilespmem:s22+$0xC570];
	v63 =	vmul.f32 $2.550000000e+02, v20;
	v55 =	vadd.f32 v41, v16;
	v1 =	vadd.f32 v7, v1  }
0x3b6: {  	v50 =	vsub.f32 v15, v43;
	v54 =	vtrunc.f32 v62;
	v56 =	vsub.f32 v4, v24;
	v52 =	vld.idx.msk [tilespmem:v39+s3+$0x0], $0xffff  }
0x3b7: {  	v58 =	vadd.f32 v38, v12;
	v2 =	vadd.f32 v19, v2;
	v49 =	vtrunc.f32 v63;
	v36 =	vld.idx.msk [tilespmem:v51+s3+$0x0], $0xffff  }
0x3b8: {  	v62 =	vsub.f32 v18, v35;
	v5 =	vcvt.f32.s32 v54;
	v53 =	vcvt.f32.s32 v49;
	v60 =	vld.idx.msk [tilespmem:v47+s3+$0x0], $0xffff  }
0x3b9: {  	v23 =	vsub.f32 v0, v23;
	v59 =	vmul.f32 v50, v50;
	v25 =	vld.idx.msk [tilespmem:v25+s3+$0x0], $0xffff;
	v16 =	vmul.f32 v56, v56  }
0x3ba: {  	v63 =	vsub.f32 v6, v48;
	v12 =	vadd.f32 v58, v13;
	v13 =	vmul.f32 v62, v62  }
0x3bb: {  	v61 =	vmul.f32 $2.550000000e+02, v37;
	v7 =	vadd.f32 v59, v15;
	v40 =	vadd.f32 v16, v4  }
0x3bc: {  	v51 =	vmul.f32 v63, v63;
	v13 =	vadd.f32 v13, v18;
	v33 =	vsub.f32 v8, v52  }
0x3bd: {  	v39 =	vtrunc.f32 v61;
	v15 =	vsub.f32 v29, v36;
	v19 =	vsub.f32 v21, v60  }
0x3be: {  	v41 =	vcvt.f32.s32 v39;
	v25 =	vsub.f32 v30, v25;
	v38 =	vld.idx.msk [tilespmem:v53+s3+$0x0], $0xffff;
	v43 =	vmul.f32 v33, v33  }
0x3bf: {  	v57 =	vld.idx.msk [tilespmem:v31+s3+$0x0], $0xffff;
	v54 =	vadd.f32 v51, v6;
	v15 =	vmul.f32 v15, v15;
	v44 =	vmul.f32 v19, v19  }
0x3c0: {  	v7 =	vadd.f32 v7, v22;
	v47 =	vmul.f32 v25, v25;
	v46 =	vadd.f32 v43, v8  }
0x3c1: {  	v15 =	vadd.f32 v15, v29;
	v18 =	vadd.f32 v44, v21  }
0x3c2: {  	v49 =	vadd.f32 v47, v30;
	v3 =	vadd.f32 v46, v3  }
0x3c3: {  	v5 =	vld.idx.msk [tilespmem:v5+s3+$0x0], $0xffff;
	v45 =	vsub.f32 v20, v38;
	v1 =	vadd.f32 v18, v1  }
0x3c4: {  	v24 =	vsub.f32 v10, v57;
	v2 =	vadd.f32 v15, v2  }
0x3c5: {  	v52 =	vld.idx.msk [tilespmem:v41+s3+$0x0], $0xffff;
	v3 =	vadd.f32 v49, v3;
	v50 =	vmul.f32 v45, v45;
	v1 =	vadd.f32 v55, v1  }
0x3c6: {  	v6 =	vadd.f32 v54, v7;
	v42 =	vmul.f32 v24, v24;
	v2 =	vadd.f32 v40, v2  }
0x3c7: {  	v53 =	vadd.f32 v50, v20;
	v1 =	vadd.f32 v1, v3  }
0x3c8: {  	v48 =	vadd.f32 v42, v10;
	v56 =	vsub.f32 v17, v5  }
0x3c9: {  	v57 =	vadd.f32 v53, v27;
	v1 =	vadd.f32 v2, v1  }
0x3ca: {  	v63 =	vadd.f32 v9, v12;
	v55 =	vmul.f32 v23, v23;
	v60 =	vsub.f32 v37, v52  }
0x3cb: {  	v59 =	vmul.f32 v56, v56;
	v61 =	vadd.f32 v48, v57;
	v1 =	vadd.f32 v6, v1  }
0x3cc: {  	v62 =	vadd.f32 v13, v14;
	v58 =	vadd.f32 v55, v0;
	v3 =	vmul.f32 v60, v60  }
0x3cd: {  	v2 =	vadd.f32 v59, v17;
	v1 =	vadd.f32 v61, v1  }
0x3ce: {  	v0 =	vadd.f32 v58, v62;
	v3 =	vadd.f32 v3, v37  }
0x3cf: {  	v2 =	vadd.f32 v2, v26;
	v1 =	vadd.f32 v63, v1;
	_ =	sdelay $0x1  }
0x3d0: {  	v2 =	vadd.f32 v3, v2;
	v0 =	vadd.f32 v0, v1;
	_ =	sdelay $0x1  }
0x3d1: {  	s20 =	sadd.s32 $0x1, s20;
	v0 =	vadd.f32 v2, v0  }
0x3d2: {  	p0 =	sne.s32 s20, s13  }
.Ltmp8:
0x3d3: {  	[tilespmem:$0x18100] =	vst v0;
	(pc) =	sbr.rel @p0 .LBB2_1-.Ltmp8, $4  }
0x3d4: {  	[hbm4b:s12+s3] =	stream.linear.scatter [tilespmem:s19], [sflag:$0x3], $0x10, $0x38;
	[tilespmem:$0x18180] =	vst v63  }
0x3d5: {  	_ =	swait.ge [sflag:s14], $0x10  }
0x3d6: {  	[sflag:s14] =	ssyncset.done $0x0  }
0x3d7: {  	[sflag:s14] =	ssyncadd.s32 $0xFFFFFFF0  }
0x3d8: {  	_ =	sfence.sel $0x180000  }
0x3d9: {  	[bflag:$0x0] =	sbarrier.arrive $0xFFFF  }
0x3da: {  	p0 =	sne.s32 s0, $0x0;
	_ =	strace $0x90000047  }
0x3db: {  	s0 =	sadd.s32 @!p0 $0x100000, s1;
	[bflag:$0x2] =	sbarrier.arrive $0xFFFF  }
0x3dc: {  	[sflag:s0] =	ssyncadd.tile.s32 @!p0 $0x1;
	_ =	shalt  }
.Lfunc_end2:
_tile_overlayer_lowered:
.L_overlay_start_2:
0x3dd: {  	(tag) =	ssettag $0x2  }
0x3de: {  	s0 =	rddreg [dreg:$0x0];
	s2 =	stileid.u32  }
0x3df: {  	s1 =	rddreg [dreg:$0x1];
	p0 =	sne.s32 s2, $0x0  }
0x3e0: {  	s3 =	rddreg [dreg:$0x2];
	[bflag:$0x3] =	sbarrier.arrive $0xFFFF;
	s2 =	simm.s32 @!p0 $0x1C03  }
0x3e1: {  	[timem:s3], [sflag:s2] =	dma.local @!p0 [hbm:s0], s1  }
0x3e2: {  	s0 =	simm.s32 @!p0 $0x3  }
0x3e3: {  	_ =	swait.ge @!p0 [sflag:s0], s1  }
0x3e4: {  	s1 =	ssub.s32 @!p0 $0x0, s1;
	[sflag:s0] =	ssyncset.done @!p0 $0x0  }
0x3e5: {  	[sflag:s0] =	ssyncadd.s32 @!p0 s1  }
0x3e6: {  	[bflag:$0x3] =	sbarrier.arrive $0xFFFF  }
0x3e7: {  	_ =	shalt  }

</sc_bundles>
